<compile_context>
chip_gen: v7x
topology: tpu7x:2x2x1
jax: 0.10.2.dev20260603
libtpu: 0.0.44.dev20260713+nightly
codegen_flags: <defaults>
</compile_context>

<pallas_src>
import functools

import jax
import jax.numpy as jnp
from jax import lax
from jax.experimental import pallas as pl
from jax.experimental.pallas import tpu as pltpu
from jax.experimental.pallas import tpu_sc as plsc

_N = 10000
_E = 320000
_NFEAT = 128
_NHID = 64
_NCLASS = 40

_NC = 2
_NS = 16
_NT = _NC * _NS
_RPT = _N // _NS
_EPT = _E // _NT
_W = 80
_NWIN = _EPT // _W

_mesh = plsc.VectorSubcoreMesh(core_axis_name="c", subcore_axis_name="s")


_NPAD = 10240
_RPT_PAD = _NPAD // _NS
_LAST = _N - (_NS - 1) * _RPT_PAD
_DEPTH = 16


def _store_out(s, src, dst):
    @pl.when(s < _NS - 1)
    def _full():
        pltpu.sync_copy(src.at[pl.ds(s * _RPT_PAD, _RPT_PAD)],
                        dst.at[pl.ds(s * _RPT_PAD, _RPT_PAD)])

    @pl.when(s == _NS - 1)
    def _clip():
        pltpu.sync_copy(src.at[pl.ds((_NS - 1) * _RPT_PAD, _LAST)],
                        dst.at[pl.ds((_NS - 1) * _RPT_PAD, _LAST)])


@functools.partial(
    pl.kernel,
    out_type=jax.ShapeDtypeStruct((_NC, _NPAD), jnp.float32),
    mesh=_mesh,
    scratch_types=[
        pltpu.VMEM((_NWIN, _W), jnp.int32),
        pltpu.VMEM((_W,), jnp.float32),
        pltpu.VMEM((_RPT_PAD,), jnp.float32),
        pltpu.VMEM_SHARED((_NPAD,), jnp.float32),
        pltpu.SemaphoreType.DMA,
        pltpu.SemaphoreType.DMA,
    ],
)
def _deg_sc(ei_hbm, out_hbm, idxb, ones_v, zb, acc, ssem, isem):
    c = lax.axis_index("c")
    s = lax.axis_index("s")
    tid = c * _NS + s
    one16 = jnp.ones((16,), jnp.float32)
    for i in range(_W // 16):
        ones_v[pl.ds(i * 16, 16)] = one16
    ones_w = ones_v
    ic = pltpu.async_copy(ei_hbm.at[0, tid], idxb, ssem)
    zero16 = jnp.zeros((16,), jnp.float32)

    @pl.loop(0, _RPT_PAD // 16)
    def _zb(i):
        zb[pl.ds(i * 16, 16)] = zero16

    iz = pltpu.async_copy(zb, acc.at[pl.ds(s * _RPT_PAD, _RPT_PAD)], isem)
    ic.wait()
    iz.wait()
    plsc.subcore_barrier()

    @pl.loop(0, _NWIN)
    def _win(w):
        pltpu.async_copy(ones_w, acc.at[idxb.at[w]], ssem, add=True)

        @pl.when(w >= _DEPTH)
        def _drain():
            pltpu.make_async_copy(ones_w, acc.at[idxb.at[w]], ssem).wait()

    for _ in range(_DEPTH):
        pltpu.make_async_copy(ones_w, acc.at[idxb.at[0]], ssem).wait()
    plsc.subcore_barrier()
    pltpu.sync_copy(acc.at[pl.ds(s * _RPT_PAD, _RPT_PAD)],
                    out_hbm.at[c, pl.ds(s * _RPT_PAD, _RPT_PAD)])


_NB = 5
_NG = _NWIN // _NB


def _make_scatter(d):
    @functools.partial(
        pl.kernel,
        out_type=jax.ShapeDtypeStruct((_NC, _N, d), jnp.float32),
        mesh=_mesh,
        scratch_types=[
            pltpu.VMEM((_NWIN, _W), jnp.int32),
            pltpu.VMEM((_NWIN, _W), jnp.int32),
            pltpu.VMEM((_NB, _W, d), jnp.float32),
            pltpu.VMEM((_RPT_PAD // 4, d), jnp.float32),
            pltpu.VMEM_SHARED((_NPAD, d), jnp.float32),
        ] + [pltpu.SemaphoreType.DMA] * (2 * _NB + 1),
        compiler_params=pltpu.CompilerParams(use_tc_tiling_on_sc=False),
    )
    def _scatter_sc(tab_hbm, ei_hbm, out_hbm,
                    ridx, cidx, rows, zb, acc, *sems):
        gsem = sems[:_NB]
        ssem = sems[_NB:2 * _NB]
        isem = sems[2 * _NB]
        c = lax.axis_index("c")
        s = lax.axis_index("s")
        tid = c * _NS + s
        ir = pltpu.async_copy(ei_hbm.at[0, tid], ridx, gsem[0])
        ic = pltpu.async_copy(ei_hbm.at[1, tid], cidx, gsem[1])
        zero16 = jnp.zeros((16,), jnp.float32)

        offs = list(range(0, d - 15, 16))
        if offs[-1] != d - 16:
            offs.append(d - 16)

        @pl.loop(0, _RPT_PAD // 4)
        def _zb(i):
            for j in offs:
                zb[i, pl.ds(j, 16)] = zero16

        for k in range(4):
            pltpu.async_copy(
                zb, acc.at[pl.ds(s * _RPT_PAD + k * (_RPT_PAD // 4),
                                 _RPT_PAD // 4)], isem)
        for k in range(4):
            pltpu.make_async_copy(
                zb, acc.at[pl.ds(s * _RPT_PAD, _RPT_PAD // 4)], isem).wait()
        ir.wait()
        ic.wait()
        plsc.subcore_barrier()

        for b in range(_NB):
            pltpu.async_copy(tab_hbm.at[ridx.at[b]], rows.at[b], gsem[b])

        @pl.loop(0, _NG)
        def _grp(g):
            w0 = g * _NB
            for b in range(_NB):
                pltpu.make_async_copy(
                    tab_hbm.at[ridx.at[w0 + b]], rows.at[b], gsem[b]).wait()
                pltpu.async_copy(
                    rows.at[b], acc.at[cidx.at[w0 + b]], ssem[b], add=True)

            @pl.when(g + 1 < _NG)
            def _next():
                for b in range(_NB):
                    pltpu.make_async_copy(
                        rows.at[b], acc.at[cidx.at[w0 + b]], ssem[b]).wait()
                    pltpu.async_copy(
                        tab_hbm.at[ridx.at[w0 + _NB + b]], rows.at[b], gsem[b])

        w0 = (_NG - 1) * _NB
        for b in range(_NB):
            pltpu.make_async_copy(
                rows.at[b], acc.at[cidx.at[w0 + b]], ssem[b]).wait()
        plsc.subcore_barrier()
        _store_out(s, acc, out_hbm.at[c])

    return _scatter_sc


_scatter_hid = _make_scatter(_NHID)
_scatter_cls = _make_scatter(_NCLASS)


_RB = 1000
_NRB = _N // _RB


def _tc1_body(dp_ref, x_ref, w_ref, b_ref, h_ref, dis_ref):
    deg = 1.0 + dp_ref[0] + dp_ref[1]
    dis = lax.rsqrt(deg)
    h = jnp.dot(x_ref[...], w_ref[...],
                preferred_element_type=jnp.float32) + b_ref[...]
    h_ref[...] = dis * h
    dis_ref[...] = dis


def _tc2_body(a_ref, h_ref, d_ref, w_ref, b_ref, o_ref):
    dis = d_ref[...]
    u = dis * (a_ref[0] + a_ref[1] + h_ref[...])
    z = jnp.maximum(u, 0.0)
    h2 = jnp.dot(z, w_ref[...],
                 preferred_element_type=jnp.float32) + b_ref[...]
    o_ref[...] = dis * h2


def _tc3_body(a_ref, h_ref, d_ref, o_ref):
    u = d_ref[...] * (a_ref[0] + a_ref[1] + h_ref[...])
    m = jnp.max(u, axis=1, keepdims=True)
    lse = jnp.log(jnp.sum(jnp.exp(u - m), axis=1, keepdims=True)) + m
    o_ref[...] = u - lse


def _col_spec(d):
    return pl.BlockSpec((2, _RB, d), lambda i: (0, i, 0))


def _row_spec(d):
    return pl.BlockSpec((_RB, d), lambda i: (i, 0))


def _full_spec(r, c):
    return pl.BlockSpec((r, c), lambda i: (0, 0))


_tc1 = pl.pallas_call(
    _tc1_body,
    grid=(_NRB,),
    in_specs=[_col_spec(1), _row_spec(_NFEAT),
              _full_spec(_NFEAT, _NHID), _full_spec(1, _NHID)],
    out_specs=(_row_spec(_NHID), _row_spec(1)),
    out_shape=(jax.ShapeDtypeStruct((_N, _NHID), jnp.float32),
               jax.ShapeDtypeStruct((_N, 1), jnp.float32)))
_tc2 = pl.pallas_call(
    _tc2_body,
    grid=(_NRB,),
    in_specs=[_col_spec(_NHID), _row_spec(_NHID), _row_spec(1),
              _full_spec(_NHID, _NCLASS), _full_spec(1, _NCLASS)],
    out_specs=_row_spec(_NCLASS),
    out_shape=jax.ShapeDtypeStruct((_N, _NCLASS), jnp.float32))
_tc3 = pl.pallas_call(
    _tc3_body,
    grid=(_NRB,),
    in_specs=[_col_spec(_NCLASS), _row_spec(_NCLASS), _row_spec(1)],
    out_specs=_row_spec(_NCLASS),
    out_shape=jax.ShapeDtypeStruct((_N, _NCLASS), jnp.float32))


@jax.jit
def kernel(x, edge_index, W1, b1, W2, b2):
    ei4 = edge_index.astype(jnp.int32).reshape(2, _NT, _NWIN, _W)

    deg_parts = _deg_sc(ei4)[:, :_N, None]
    h1p, dis = _tc1(deg_parts, x, W1.T, b1.reshape(1, -1))
    a1 = _scatter_hid(h1p, ei4)
    h2p = _tc2(a1, h1p, dis, W2.T, b2.reshape(1, -1))
    a2 = _scatter_cls(h2p, ei4)
    return _tc3(a2, h2p, dis)

# --- scband reference (transcript-rebuilt; emitter-appended) ---
"""Pipeline reference for scband-net-67542655697674 (READ-ONLY COPY).

The authoritative reference and input builder live on the scoring server;
editing this copy changes nothing except your own understanding.
"""

import jax, jax.numpy as jnp
import numpy as np

N_NODES = 10000
N_EDGES = 320000
NFEAT = 128
NHID = 64
NCLASS = 40


def setup_inputs(seed: int = 0) -> dict:
    key = jax.random.key(seed)
    k1, k2, k3, k4, k5, k6 = jax.random.split(key, 6)
    x = jax.random.normal(k1, (N_NODES, NFEAT), dtype=jnp.float32)
    edge_index = jax.random.randint(k2, (2, N_EDGES), 0, N_NODES, dtype=jnp.int64)
    W1 = jax.random.normal(k3, (NHID, NFEAT), dtype=jnp.float32) * 0.05
    b1 = jax.random.normal(k4, (NHID,), dtype=jnp.float32) * 0.05
    W2 = jax.random.normal(k5, (NCLASS, NHID), dtype=jnp.float32) * 0.05
    b2 = jax.random.normal(k6, (NCLASS,), dtype=jnp.float32) * 0.05
    return {"x": x, "edge_index": edge_index, "W1": W1, "b1": b1, "W2": W2, "b2": b2}


def _add_self_loops(edge_index, num_nodes):
    loops = jnp.arange(num_nodes, dtype=edge_index.dtype)
    loops = jnp.stack([loops, loops], axis=0)
    return jnp.concatenate([edge_index, loops], axis=1)


def _gcn_conv(x, edge_index, W, b):
    num_nodes = x.shape[0]
    ei = _add_self_loops(edge_index, num_nodes)
    h = x @ W.T + b
    row, col = ei[0], ei[1]
    # degree of source nodes (row); with self loops every node has deg >= 1
    deg = jnp.zeros((num_nodes,), dtype=h.dtype).at[row].add(1.0)
    deg_inv_sqrt = deg ** -0.5
    norm = deg_inv_sqrt[row] * deg_inv_sqrt[col]
    msg = norm[:, None] * jnp.take(h, row, axis=0)
    out = jnp.zeros((num_nodes, h.shape[1]), dtype=h.dtype).at[col].add(msg)
    return out


def reference(x, edge_index, W1, b1, W2, b2):
    # Net.forward with world_size=1 (cross-partition exchange is a no-op; all
    # nodes owned locally). Dropout in eval mode (identity).
    h = _gcn_conv(x, edge_index, W1, b1)
    h = jax.nn.relu(h)
    h = jax.nn.relu(h)
    out = _gcn_conv(h, edge_index, W2, b2)
    return jax.nn.log_softmax(out, axis=1)

if __name__ == "__main__":
    import jax
    _d = setup_inputs()
    print(jax.jit(kernel)(*tuple(_d.values())))

</pallas_src>

<mosaic_0001>
#map = affine_map<(d0, d1) -> (0, 0)>
#map1 = affine_map<(d0, d1) -> (0, 0, 0, 0)>
#map2 = affine_map<(d0, d1) -> (0, 0, 0)>
module attributes {stable_mosaic.version = 14 : i64} {
  func.func @_scatter_sc(%arg0: i32, %arg1: i32, %arg2: memref<10000x64xf32, #tpu.memory_space<hbm>>, %arg3: memref<2x32x125x80xi32, #tpu.memory_space<hbm>>, %arg4: memref<2x10000x64xf32, #tpu.memory_space<hbm>>, %arg5: memref<125x80xi32, #tpu.memory_space<vmem>>, %arg6: memref<125x80xi32, #tpu.memory_space<vmem>>, %arg7: memref<5x80x64xf32, #tpu.memory_space<vmem>>, %arg8: memref<160x64xf32, #tpu.memory_space<vmem>>, %arg9: memref<10240x64xf32, #tpu.memory_space<vmem_shared>>, %arg10: memref<!tpu.dma_semaphore, #tpu.memory_space<semaphore_mem>>, %arg11: memref<!tpu.dma_semaphore, #tpu.memory_space<semaphore_mem>>, %arg12: memref<!tpu.dma_semaphore, #tpu.memory_space<semaphore_mem>>, %arg13: memref<!tpu.dma_semaphore, #tpu.memory_space<semaphore_mem>>, %arg14: memref<!tpu.dma_semaphore, #tpu.memory_space<semaphore_mem>>, %arg15: memref<!tpu.dma_semaphore, #tpu.memory_space<semaphore_mem>>, %arg16: memref<!tpu.dma_semaphore, #tpu.memory_space<semaphore_mem>>, %arg17: memref<!tpu.dma_semaphore, #tpu.memory_space<semaphore_mem>>, %arg18: memref<!tpu.dma_semaphore, #tpu.memory_space<semaphore_mem>>, %arg19: memref<!tpu.dma_semaphore, #tpu.memory_space<semaphore_mem>>, %arg20: memref<!tpu.dma_semaphore, #tpu.memory_space<semaphore_mem>>) attributes {dimension_semantics = [#tpu.dimension_semantics<core_parallel>, #tpu.dimension_semantics<subcore_parallel>], iteration_bounds = array<i64: 2, 16>, scalar_prefetch = 0 : i64, scratch_operands = 16 : i64, tpu.core_type = #tpu.core_type<sc_vector_subcore>, window_params = [{transform_indices = #map}, {transform_indices = #map1}, {transform_indices = #map2}]} {
    %mul3A = arith.constant 16 : i32
    %mul3A_0 = arith.muli %arg0, %mul3A : i32
    %add3A = arith.addi %mul3A_0, %arg1 : i32
    %dma_start3A = arith.constant 0 : i32
    %dma_start3A_1 = arith.constant 0 : i32
    %dma_start3A_2 = arith.constant 0 : i32
    %dma_start3A_3 = tpu.memref_slice %arg3[%dma_start3A, %add3A, %dma_start3A_1, %dma_start3A_2] : memref<2x32x125x80xi32, #tpu.memory_space<hbm>> -> memref<1x1x125x80xi32, #tpu.memory_space<hbm>>
    %dma_start3A_4 = tpu.memref_squeeze %dma_start3A_3 : memref<1x1x125x80xi32, #tpu.memory_space<hbm>> -> memref<125x80xi32, #tpu.memory_space<hbm>>
    %dma_start3A_5 = arith.constant 0 : i32
    %dma_start3A_6 = arith.constant 0 : i32
    %dma_start3A_7 = tpu.memref_slice %arg3[%dma_start3A, %add3A, %dma_start3A_5, %dma_start3A_6] : memref<2x32x125x80xi32, #tpu.memory_space<hbm>> -> memref<1x1x125x80xi32, #tpu.memory_space<hbm>>
    %dma_start3A_8 = tpu.memref_squeeze %dma_start3A_7 : memref<1x1x125x80xi32, #tpu.memory_space<hbm>> -> memref<125x80xi32, #tpu.memory_space<hbm>>
    tpu.enqueue_dma source(%dma_start3A_8 : memref<125x80xi32, #tpu.memory_space<hbm>>) target(%arg5 : memref<125x80xi32, #tpu.memory_space<vmem>>) target_semaphore(%arg10 : memref<!tpu.dma_semaphore, #tpu.memory_space<semaphore_mem>>)
    %dma_start3A_9 = arith.constant 1 : i32
    %dma_start3A_10 = arith.constant 0 : i32
    %dma_start3A_11 = arith.constant 0 : i32
    %dma_start3A_12 = tpu.memref_slice %arg3[%dma_start3A_9, %add3A, %dma_start3A_10, %dma_start3A_11] : memref<2x32x125x80xi32, #tpu.memory_space<hbm>> -> memref<1x1x125x80xi32, #tpu.memory_space<hbm>>
    %dma_start3A_13 = tpu.memref_squeeze %dma_start3A_12 : memref<1x1x125x80xi32, #tpu.memory_space<hbm>> -> memref<125x80xi32, #tpu.memory_space<hbm>>
    %dma_start3A_14 = arith.constant 0 : i32
    %dma_start3A_15 = arith.constant 0 : i32
    %dma_start3A_16 = tpu.memref_slice %arg3[%dma_start3A_9, %add3A, %dma_start3A_14, %dma_start3A_15] : memref<2x32x125x80xi32, #tpu.memory_space<hbm>> -> memref<1x1x125x80xi32, #tpu.memory_space<hbm>>
    %dma_start3A_17 = tpu.memref_squeeze %dma_start3A_16 : memref<1x1x125x80xi32, #tpu.memory_space<hbm>> -> memref<125x80xi32, #tpu.memory_space<hbm>>
    tpu.enqueue_dma source(%dma_start3A_17 : memref<125x80xi32, #tpu.memory_space<hbm>>) target(%arg6 : memref<125x80xi32, #tpu.memory_space<vmem>>) target_semaphore(%arg11 : memref<!tpu.dma_semaphore, #tpu.memory_space<semaphore_mem>>)
    %broadcast_in_dim3A = arith.constant 0.000000e+00 : f32
    %broadcast_in_dim3A_18 = vector.broadcast %broadcast_in_dim3A : f32 to vector<16xf32>
    %scan3A = arith.constant 0 : i32
    %scan3A_19 = arith.constant 160 : i32
    %scan3A_20 = arith.addi %scan3A, %scan3A_19 : i32
    %scan3A_21 = arith.constant 1 : i32
    scf.for %scan3A_228 = %scan3A to %scan3A_20 step %scan3A_21  : i32 {
      %mul3A_229 = arith.constant 1 : i32
      %mul3A_230 = arith.muli %scan3A_228, %mul3A_229 : i32
      %add3A_231 = arith.constant 0 : i32
      %add3A_232 = arith.addi %add3A_231, %mul3A_230 : i32
      %swap3A = arith.index_cast %add3A_232 : i32 to index
      %swap3A_233 = arith.constant 0 : index
      %swap3A_234 = tpu.vector_load %arg8[%swap3A, %swap3A_233] {strides = array<i32>} : memref<160x64xf32, #tpu.memory_space<vmem>>, vector<1x16xf32>,
      %swap3A_235 = vector.shape_cast %swap3A_234 : vector<1x16xf32> to vector<16xf32>
      %swap3A_236 = vector.shape_cast %broadcast_in_dim3A_18 : vector<16xf32> to vector<1x16xf32>
      tpu.vector_store %arg8[%swap3A, %swap3A_233], %swap3A_236 {strides = array<i32>} : memref<160x64xf32, #tpu.memory_space<vmem>>, vector<1x16xf32>,
      %swap3A_237 = arith.index_cast %add3A_232 : i32 to index
      %swap3A_238 = arith.constant 16 : index
      %swap3A_239 = tpu.vector_load %arg8[%swap3A_237, %swap3A_238] {strides = array<i32>} : memref<160x64xf32, #tpu.memory_space<vmem>>, vector<1x16xf32>,
      %swap3A_240 = vector.shape_cast %swap3A_239 : vector<1x16xf32> to vector<16xf32>
      %swap3A_241 = vector.shape_cast %broadcast_in_dim3A_18 : vector<16xf32> to vector<1x16xf32>
      tpu.vector_store %arg8[%swap3A_237, %swap3A_238], %swap3A_241 {strides = array<i32>} : memref<160x64xf32, #tpu.memory_space<vmem>>, vector<1x16xf32>,
      %swap3A_242 = arith.index_cast %add3A_232 : i32 to index
      %swap3A_243 = arith.constant 32 : index
      %swap3A_244 = tpu.vector_load %arg8[%swap3A_242, %swap3A_243] {strides = array<i32>} : memref<160x64xf32, #tpu.memory_space<vmem>>, vector<1x16xf32>,
      %swap3A_245 = vector.shape_cast %swap3A_244 : vector<1x16xf32> to vector<16xf32>
      %swap3A_246 = vector.shape_cast %broadcast_in_dim3A_18 : vector<16xf32> to vector<1x16xf32>
      tpu.vector_store %arg8[%swap3A_242, %swap3A_243], %swap3A_246 {strides = array<i32>} : memref<160x64xf32, #tpu.memory_space<vmem>>, vector<1x16xf32>,
      %swap3A_247 = arith.index_cast %add3A_232 : i32 to index
      %swap3A_248 = arith.constant 48 : index
      %swap3A_249 = tpu.vector_load %arg8[%swap3A_247, %swap3A_248] {strides = array<i32>} : memref<160x64xf32, #tpu.memory_space<vmem>>, vector<1x16xf32>,
      %swap3A_250 = vector.shape_cast %swap3A_249 : vector<1x16xf32> to vector<16xf32>
      %swap3A_251 = vector.shape_cast %broadcast_in_dim3A_18 : vector<16xf32> to vector<1x16xf32>
      tpu.vector_store %arg8[%swap3A_247, %swap3A_248], %swap3A_251 {strides = array<i32>} : memref<160x64xf32, #tpu.memory_space<vmem>>, vector<1x16xf32>,
    }
    %scan3A_22 = arith.constant 160 : i32
    %mul3A_23 = arith.constant 640 : i32
    %mul3A_24 = arith.muli %arg1, %mul3A_23 : i32
    %add3A_25 = arith.constant 0 : i32
    %add3A_26 = arith.addi %mul3A_24, %add3A_25 : i32
    %dma_start3A_27 = arith.constant 0 : i32
    %dma_start3A_28 = tpu.memref_slice %arg9[%add3A_26, %dma_start3A_27] : memref<10240x64xf32, #tpu.memory_space<vmem_shared>> -> memref<160x64xf32, #tpu.memory_space<vmem_shared>>
    %dma_start3A_29 = arith.constant 0 : i32
    %dma_start3A_30 = tpu.memref_slice %arg9[%add3A_26, %dma_start3A_29] : memref<10240x64xf32, #tpu.memory_space<vmem_shared>> -> memref<160x64xf32, #tpu.memory_space<vmem_shared>>
    tpu.enqueue_dma source(%arg8 : memref<160x64xf32, #tpu.memory_space<vmem>>) target(%dma_start3A_30 : memref<160x64xf32, #tpu.memory_space<vmem_shared>>) target_semaphore(%arg20 : memref<!tpu.dma_semaphore, #tpu.memory_space<semaphore_mem>>)
    %mul3A_31 = arith.constant 640 : i32
    %mul3A_32 = arith.muli %arg1, %mul3A_31 : i32
    %add3A_33 = arith.constant 160 : i32
    %add3A_34 = arith.addi %mul3A_32, %add3A_33 : i32
    %dma_start3A_35 = arith.constant 0 : i32
    %dma_start3A_36 = tpu.memref_slice %arg9[%add3A_34, %dma_start3A_35] : memref<10240x64xf32, #tpu.memory_space<vmem_shared>> -> memref<160x64xf32, #tpu.memory_space<vmem_shared>>
    %dma_start3A_37 = arith.constant 0 : i32
    %dma_start3A_38 = tpu.memref_slice %arg9[%add3A_34, %dma_start3A_37] : memref<10240x64xf32, #tpu.memory_space<vmem_shared>> -> memref<160x64xf32, #tpu.memory_space<vmem_shared>>
    tpu.enqueue_dma source(%arg8 : memref<160x64xf32, #tpu.memory_space<vmem>>) target(%dma_start3A_38 : memref<160x64xf32, #tpu.memory_space<vmem_shared>>) target_semaphore(%arg20 : memref<!tpu.dma_semaphore, #tpu.memory_space<semaphore_mem>>)
    %mul3A_39 = arith.constant 640 : i32
    %mul3A_40 = arith.muli %arg1, %mul3A_39 : i32
    %add3A_41 = arith.constant 320 : i32
    %add3A_42 = arith.addi %mul3A_40, %add3A_41 : i32
    %dma_start3A_43 = arith.constant 0 : i32
    %dma_start3A_44 = tpu.memref_slice %arg9[%add3A_42, %dma_start3A_43] : memref<10240x64xf32, #tpu.memory_space<vmem_shared>> -> memref<160x64xf32, #tpu.memory_space<vmem_shared>>
    %dma_start3A_45 = arith.constant 0 : i32
    %dma_start3A_46 = tpu.memref_slice %arg9[%add3A_42, %dma_start3A_45] : memref<10240x64xf32, #tpu.memory_space<vmem_shared>> -> memref<160x64xf32, #tpu.memory_space<vmem_shared>>
    tpu.enqueue_dma source(%arg8 : memref<160x64xf32, #tpu.memory_space<vmem>>) target(%dma_start3A_46 : memref<160x64xf32, #tpu.memory_space<vmem_shared>>) target_semaphore(%arg20 : memref<!tpu.dma_semaphore, #tpu.memory_space<semaphore_mem>>)
    %mul3A_47 = arith.constant 640 : i32
    %mul3A_48 = arith.muli %arg1, %mul3A_47 : i32
    %add3A_49 = arith.constant 480 : i32
    %add3A_50 = arith.addi %mul3A_48, %add3A_49 : i32
    %dma_start3A_51 = arith.constant 0 : i32
    %dma_start3A_52 = tpu.memref_slice %arg9[%add3A_50, %dma_start3A_51] : memref<10240x64xf32, #tpu.memory_space<vmem_shared>> -> memref<160x64xf32, #tpu.memory_space<vmem_shared>>
    %dma_start3A_53 = arith.constant 0 : i32
    %dma_start3A_54 = tpu.memref_slice %arg9[%add3A_50, %dma_start3A_53] : memref<10240x64xf32, #tpu.memory_space<vmem_shared>> -> memref<160x64xf32, #tpu.memory_space<vmem_shared>>
    tpu.enqueue_dma source(%arg8 : memref<160x64xf32, #tpu.memory_space<vmem>>) target(%dma_start3A_54 : memref<160x64xf32, #tpu.memory_space<vmem_shared>>) target_semaphore(%arg20 : memref<!tpu.dma_semaphore, #tpu.memory_space<semaphore_mem>>)
    %mul3A_55 = arith.constant 640 : i32
    %mul3A_56 = arith.muli %arg1, %mul3A_55 : i32
    %dma_wait3A = arith.constant 0 : i32
    %dma_wait3A_57 = tpu.memref_slice %arg9[%mul3A_56, %dma_wait3A] : memref<10240x64xf32, #tpu.memory_space<vmem_shared>> -> memref<160x64xf32, #tpu.memory_space<vmem_shared>>
    %dma_wait3A_58 = arith.constant 0 : i32
    %dma_wait3A_59 = tpu.memref_slice %arg9[%mul3A_56, %dma_wait3A_58] : memref<10240x64xf32, #tpu.memory_space<vmem_shared>> -> memref<160x64xf32, #tpu.memory_space<vmem_shared>>
    tpu.wait_dma2 semaphore(%arg20 : memref<!tpu.dma_semaphore, #tpu.memory_space<semaphore_mem>>) src(%arg8 : memref<160x64xf32, #tpu.memory_space<vmem>>) dst(%dma_wait3A_59 : memref<160x64xf32, #tpu.memory_space<vmem_shared>>)
    %mul3A_60 = arith.constant 640 : i32
    %mul3A_61 = arith.muli %arg1, %mul3A_60 : i32
    %dma_wait3A_62 = arith.constant 0 : i32
    %dma_wait3A_63 = tpu.memref_slice %arg9[%mul3A_61, %dma_wait3A_62] : memref<10240x64xf32, #tpu.memory_space<vmem_shared>> -> memref<160x64xf32, #tpu.memory_space<vmem_shared>>
    %dma_wait3A_64 = arith.constant 0 : i32
    %dma_wait3A_65 = tpu.memref_slice %arg9[%mul3A_61, %dma_wait3A_64] : memref<10240x64xf32, #tpu.memory_space<vmem_shared>> -> memref<160x64xf32, #tpu.memory_space<vmem_shared>>
    tpu.wait_dma2 semaphore(%arg20 : memref<!tpu.dma_semaphore, #tpu.memory_space<semaphore_mem>>) src(%arg8 : memref<160x64xf32, #tpu.memory_space<vmem>>) dst(%dma_wait3A_65 : memref<160x64xf32, #tpu.memory_space<vmem_shared>>)
    %mul3A_66 = arith.constant 640 : i32
    %mul3A_67 = arith.muli %arg1, %mul3A_66 : i32
    %dma_wait3A_68 = arith.constant 0 : i32
    %dma_wait3A_69 = tpu.memref_slice %arg9[%mul3A_67, %dma_wait3A_68] : memref<10240x64xf32, #tpu.memory_space<vmem_shared>> -> memref<160x64xf32, #tpu.memory_space<vmem_shared>>
    %dma_wait3A_70 = arith.constant 0 : i32
    %dma_wait3A_71 = tpu.memref_slice %arg9[%mul3A_67, %dma_wait3A_70] : memref<10240x64xf32, #tpu.memory_space<vmem_shared>> -> memref<160x64xf32, #tpu.memory_space<vmem_shared>>
    tpu.wait_dma2 semaphore(%arg20 : memref<!tpu.dma_semaphore, #tpu.memory_space<semaphore_mem>>) src(%arg8 : memref<160x64xf32, #tpu.memory_space<vmem>>) dst(%dma_wait3A_71 : memref<160x64xf32, #tpu.memory_space<vmem_shared>>)
    %mul3A_72 = arith.constant 640 : i32
    %mul3A_73 = arith.muli %arg1, %mul3A_72 : i32
    %dma_wait3A_74 = arith.constant 0 : i32
    %dma_wait3A_75 = tpu.memref_slice %arg9[%mul3A_73, %dma_wait3A_74] : memref<10240x64xf32, #tpu.memory_space<vmem_shared>> -> memref<160x64xf32, #tpu.memory_space<vmem_shared>>
    %dma_wait3A_76 = arith.constant 0 : i32
    %dma_wait3A_77 = tpu.memref_slice %arg9[%mul3A_73, %dma_wait3A_76] : memref<10240x64xf32, #tpu.memory_space<vmem_shared>> -> memref<160x64xf32, #tpu.memory_space<vmem_shared>>
    tpu.wait_dma2 semaphore(%arg20 : memref<!tpu.dma_semaphore, #tpu.memory_space<semaphore_mem>>) src(%arg8 : memref<160x64xf32, #tpu.memory_space<vmem>>) dst(%dma_wait3A_77 : memref<160x64xf32, #tpu.memory_space<vmem_shared>>)
    %dma_wait3A_78 = arith.constant 0 : i32
    %dma_wait3A_79 = arith.constant 0 : i32
    %dma_wait3A_80 = arith.constant 0 : i32
    %dma_wait3A_81 = tpu.memref_slice %arg3[%dma_wait3A_78, %add3A, %dma_wait3A_79, %dma_wait3A_80] : memref<2x32x125x80xi32, #tpu.memory_space<hbm>> -> memref<1x1x125x80xi32, #tpu.memory_space<hbm>>
    %dma_wait3A_82 = tpu.memref_squeeze %dma_wait3A_81 : memref<1x1x125x80xi32, #tpu.memory_space<hbm>> -> memref<125x80xi32, #tpu.memory_space<hbm>>
    %dma_wait3A_83 = arith.constant 0 : i32
    %dma_wait3A_84 = arith.constant 0 : i32
    %dma_wait3A_85 = tpu.memref_slice %arg3[%dma_wait3A_78, %add3A, %dma_wait3A_83, %dma_wait3A_84] : memref<2x32x125x80xi32, #tpu.memory_space<hbm>> -> memref<1x1x125x80xi32, #tpu.memory_space<hbm>>
    %dma_wait3A_86 = tpu.memref_squeeze %dma_wait3A_85 : memref<1x1x125x80xi32, #tpu.memory_space<hbm>> -> memref<125x80xi32, #tpu.memory_space<hbm>>
    tpu.wait_dma2 semaphore(%arg10 : memref<!tpu.dma_semaphore, #tpu.memory_space<semaphore_mem>>) src(%dma_wait3A_86 : memref<125x80xi32, #tpu.memory_space<hbm>>) dst(%arg5 : memref<125x80xi32, #tpu.memory_space<vmem>>)
    %dma_wait3A_87 = arith.constant 1 : i32
    %dma_wait3A_88 = arith.constant 0 : i32
    %dma_wait3A_89 = arith.constant 0 : i32
    %dma_wait3A_90 = tpu.memref_slice %arg3[%dma_wait3A_87, %add3A, %dma_wait3A_88, %dma_wait3A_89] : memref<2x32x125x80xi32, #tpu.memory_space<hbm>> -> memref<1x1x125x80xi32, #tpu.memory_space<hbm>>
    %dma_wait3A_91 = tpu.memref_squeeze %dma_wait3A_90 : memref<1x1x125x80xi32, #tpu.memory_space<hbm>> -> memref<125x80xi32, #tpu.memory_space<hbm>>
    %dma_wait3A_92 = arith.constant 0 : i32
    %dma_wait3A_93 = arith.constant 0 : i32
    %dma_wait3A_94 = tpu.memref_slice %arg3[%dma_wait3A_87, %add3A, %dma_wait3A_92, %dma_wait3A_93] : memref<2x32x125x80xi32, #tpu.memory_space<hbm>> -> memref<1x1x125x80xi32, #tpu.memory_space<hbm>>
    %dma_wait3A_95 = tpu.memref_squeeze %dma_wait3A_94 : memref<1x1x125x80xi32, #tpu.memory_space<hbm>> -> memref<125x80xi32, #tpu.memory_space<hbm>>
    tpu.wait_dma2 semaphore(%arg11 : memref<!tpu.dma_semaphore, #tpu.memory_space<semaphore_mem>>) src(%dma_wait3A_95 : memref<125x80xi32, #tpu.memory_space<hbm>>) dst(%arg6 : memref<125x80xi32, #tpu.memory_space<vmem>>)
    %barrier3A = arith.constant 0 : index
    tpu.barrier barrier_id(%barrier3A)
    %dma_start3A_96 = arith.constant 0 : i32
    %dma_start3A_97 = arith.constant 0 : i32
    %dma_start3A_98 = arith.constant 0 : i32
    %dma_start3A_99 = arith.constant 0 : i32
    %dma_start3A_100 = tpu.memref_slice %arg7[%dma_start3A_97, %dma_start3A_98, %dma_start3A_99] : memref<5x80x64xf32, #tpu.memory_space<vmem>> -> memref<1x80x64xf32, #tpu.memory_space<vmem>>
    %dma_start3A_101 = tpu.memref_squeeze %dma_start3A_100 : memref<1x80x64xf32, #tpu.memory_space<vmem>> -> memref<80x64xf32, #tpu.memory_space<vmem>>
    %dma_start3A_102 = arith.constant 0 : i32
    %dma_start3A_103 = tpu.memref_slice %arg5[%dma_start3A_96, %dma_start3A_102] : memref<125x80xi32, #tpu.memory_space<vmem>> -> memref<1x80xi32, #tpu.memory_space<vmem>>
    %dma_start3A_104 = tpu.memref_squeeze %dma_start3A_103 : memref<1x80xi32, #tpu.memory_space<vmem>> -> memref<80xi32, #tpu.memory_space<vmem>>
    %dma_start3A_105 = arith.constant 0 : i32
    %dma_start3A_106 = arith.constant 0 : i32
    %dma_start3A_107 = tpu.memref_slice %arg2[%dma_start3A_105, %dma_start3A_106] : memref<10000x64xf32, #tpu.memory_space<hbm>> -> memref<10000x64xf32, #tpu.memory_space<hbm>>
    tpu.enqueue_indirect_dma source(%dma_start3A_107 : memref<10000x64xf32, #tpu.memory_space<hbm>>) target(%dma_start3A_101 : memref<80x64xf32, #tpu.memory_space<vmem>>) offsets(%dma_start3A_104 : memref<80xi32, #tpu.memory_space<vmem>>) semaphore(%arg10 : memref<!tpu.dma_semaphore, #tpu.memory_space<semaphore_mem>>)
    %dma_start3A_108 = arith.constant 1 : i32
    %dma_start3A_109 = arith.constant 1 : i32
    %dma_start3A_110 = arith.constant 0 : i32
    %dma_start3A_111 = arith.constant 0 : i32
    %dma_start3A_112 = tpu.memref_slice %arg7[%dma_start3A_109, %dma_start3A_110, %dma_start3A_111] : memref<5x80x64xf32, #tpu.memory_space<vmem>> -> memref<1x80x64xf32, #tpu.memory_space<vmem>>
    %dma_start3A_113 = tpu.memref_squeeze %dma_start3A_112 : memref<1x80x64xf32, #tpu.memory_space<vmem>> -> memref<80x64xf32, #tpu.memory_space<vmem>>
    %dma_start3A_114 = arith.constant 0 : i32
    %dma_start3A_115 = tpu.memref_slice %arg5[%dma_start3A_108, %dma_start3A_114] : memref<125x80xi32, #tpu.memory_space<vmem>> -> memref<1x80xi32, #tpu.memory_space<vmem>>
    %dma_start3A_116 = tpu.memref_squeeze %dma_start3A_115 : memref<1x80xi32, #tpu.memory_space<vmem>> -> memref<80xi32, #tpu.memory_space<vmem>>
    %dma_start3A_117 = arith.constant 0 : i32
    %dma_start3A_118 = arith.constant 0 : i32
    %dma_start3A_119 = tpu.memref_slice %arg2[%dma_start3A_117, %dma_start3A_118] : memref<10000x64xf32, #tpu.memory_space<hbm>> -> memref<10000x64xf32, #tpu.memory_space<hbm>>
    tpu.enqueue_indirect_dma source(%dma_start3A_119 : memref<10000x64xf32, #tpu.memory_space<hbm>>) target(%dma_start3A_113 : memref<80x64xf32, #tpu.memory_space<vmem>>) offsets(%dma_start3A_116 : memref<80xi32, #tpu.memory_space<vmem>>) semaphore(%arg11 : memref<!tpu.dma_semaphore, #tpu.memory_space<semaphore_mem>>)
    %dma_start3A_120 = arith.constant 2 : i32
    %dma_start3A_121 = arith.constant 2 : i32
    %dma_start3A_122 = arith.constant 0 : i32
    %dma_start3A_123 = arith.constant 0 : i32
    %dma_start3A_124 = tpu.memref_slice %arg7[%dma_start3A_121, %dma_start3A_122, %dma_start3A_123] : memref<5x80x64xf32, #tpu.memory_space<vmem>> -> memref<1x80x64xf32, #tpu.memory_space<vmem>>
    %dma_start3A_125 = tpu.memref_squeeze %dma_start3A_124 : memref<1x80x64xf32, #tpu.memory_space<vmem>> -> memref<80x64xf32, #tpu.memory_space<vmem>>
    %dma_start3A_126 = arith.constant 0 : i32
    %dma_start3A_127 = tpu.memref_slice %arg5[%dma_start3A_120, %dma_start3A_126] : memref<125x80xi32, #tpu.memory_space<vmem>> -> memref<1x80xi32, #tpu.memory_space<vmem>>
    %dma_start3A_128 = tpu.memref_squeeze %dma_start3A_127 : memref<1x80xi32, #tpu.memory_space<vmem>> -> memref<80xi32, #tpu.memory_space<vmem>>
    %dma_start3A_129 = arith.constant 0 : i32
    %dma_start3A_130 = arith.constant 0 : i32
    %dma_start3A_131 = tpu.memref_slice %arg2[%dma_start3A_129, %dma_start3A_130] : memref<10000x64xf32, #tpu.memory_space<hbm>> -> memref<10000x64xf32, #tpu.memory_space<hbm>>
    tpu.enqueue_indirect_dma source(%dma_start3A_131 : memref<10000x64xf32, #tpu.memory_space<hbm>>) target(%dma_start3A_125 : memref<80x64xf32, #tpu.memory_space<vmem>>) offsets(%dma_start3A_128 : memref<80xi32, #tpu.memory_space<vmem>>) semaphore(%arg12 : memref<!tpu.dma_semaphore, #tpu.memory_space<semaphore_mem>>)
    %dma_start3A_132 = arith.constant 3 : i32
    %dma_start3A_133 = arith.constant 3 : i32
    %dma_start3A_134 = arith.constant 0 : i32
    %dma_start3A_135 = arith.constant 0 : i32
    %dma_start3A_136 = tpu.memref_slice %arg7[%dma_start3A_133, %dma_start3A_134, %dma_start3A_135] : memref<5x80x64xf32, #tpu.memory_space<vmem>> -> memref<1x80x64xf32, #tpu.memory_space<vmem>>
    %dma_start3A_137 = tpu.memref_squeeze %dma_start3A_136 : memref<1x80x64xf32, #tpu.memory_space<vmem>> -> memref<80x64xf32, #tpu.memory_space<vmem>>
    %dma_start3A_138 = arith.constant 0 : i32
    %dma_start3A_139 = tpu.memref_slice %arg5[%dma_start3A_132, %dma_start3A_138] : memref<125x80xi32, #tpu.memory_space<vmem>> -> memref<1x80xi32, #tpu.memory_space<vmem>>
    %dma_start3A_140 = tpu.memref_squeeze %dma_start3A_139 : memref<1x80xi32, #tpu.memory_space<vmem>> -> memref<80xi32, #tpu.memory_space<vmem>>
    %dma_start3A_141 = arith.constant 0 : i32
    %dma_start3A_142 = arith.constant 0 : i32
    %dma_start3A_143 = tpu.memref_slice %arg2[%dma_start3A_141, %dma_start3A_142] : memref<10000x64xf32, #tpu.memory_space<hbm>> -> memref<10000x64xf32, #tpu.memory_space<hbm>>
    tpu.enqueue_indirect_dma source(%dma_start3A_143 : memref<10000x64xf32, #tpu.memory_space<hbm>>) target(%dma_start3A_137 : memref<80x64xf32, #tpu.memory_space<vmem>>) offsets(%dma_start3A_140 : memref<80xi32, #tpu.memory_space<vmem>>) semaphore(%arg13 : memref<!tpu.dma_semaphore, #tpu.memory_space<semaphore_mem>>)
    %dma_start3A_144 = arith.constant 4 : i32
    %dma_start3A_145 = arith.constant 4 : i32
    %dma_start3A_146 = arith.constant 0 : i32
    %dma_start3A_147 = arith.constant 0 : i32
    %dma_start3A_148 = tpu.memref_slice %arg7[%dma_start3A_145, %dma_start3A_146, %dma_start3A_147] : memref<5x80x64xf32, #tpu.memory_space<vmem>> -> memref<1x80x64xf32, #tpu.memory_space<vmem>>
    %dma_start3A_149 = tpu.memref_squeeze %dma_start3A_148 : memref<1x80x64xf32, #tpu.memory_space<vmem>> -> memref<80x64xf32, #tpu.memory_space<vmem>>
    %dma_start3A_150 = arith.constant 0 : i32
    %dma_start3A_151 = tpu.memref_slice %arg5[%dma_start3A_144, %dma_start3A_150] : memref<125x80xi32, #tpu.memory_space<vmem>> -> memref<1x80xi32, #tpu.memory_space<vmem>>
    %dma_start3A_152 = tpu.memref_squeeze %dma_start3A_151 : memref<1x80xi32, #tpu.memory_space<vmem>> -> memref<80xi32, #tpu.memory_space<vmem>>
    %dma_start3A_153 = arith.constant 0 : i32
    %dma_start3A_154 = arith.constant 0 : i32
    %dma_start3A_155 = tpu.memref_slice %arg2[%dma_start3A_153, %dma_start3A_154] : memref<10000x64xf32, #tpu.memory_space<hbm>> -> memref<10000x64xf32, #tpu.memory_space<hbm>>
    tpu.enqueue_indirect_dma source(%dma_start3A_155 : memref<10000x64xf32, #tpu.memory_space<hbm>>) target(%dma_start3A_149 : memref<80x64xf32, #tpu.memory_space<vmem>>) offsets(%dma_start3A_152 : memref<80xi32, #tpu.memory_space<vmem>>) semaphore(%arg14 : memref<!tpu.dma_semaphore, #tpu.memory_space<semaphore_mem>>)
    %scan3A_156 = arith.constant 0 : i32
    %scan3A_157 = arith.constant 25 : i32
    %scan3A_158 = arith.addi %scan3A_156, %scan3A_157 : i32
    %scan3A_159 = arith.constant 1 : i32
    scf.for %scan3A_228 = %scan3A_156 to %scan3A_158 step %scan3A_159  : i32 {
      %mul3A_229 = arith.constant 1 : i32
      %mul3A_230 = arith.muli %scan3A_228, %mul3A_229 : i32
      %add3A_231 = arith.constant 0 : i32
      %add3A_232 = arith.addi %add3A_231, %mul3A_230 : i32
      %mul3A_233 = arith.constant 5 : i32
      %mul3A_234 = arith.muli %add3A_232, %mul3A_233 : i32
      %add3A_235 = arith.constant 0 : i32
      %add3A_236 = arith.addi %mul3A_234, %add3A_235 : i32
      %dma_wait3A_237 = arith.constant 0 : i32
      %dma_wait3A_238 = arith.constant 0 : i32
      %dma_wait3A_239 = arith.constant 0 : i32
      %dma_wait3A_240 = tpu.memref_slice %arg7[%dma_wait3A_237, %dma_wait3A_238, %dma_wait3A_239] : memref<5x80x64xf32, #tpu.memory_space<vmem>> -> memref<1x80x64xf32, #tpu.memory_space<vmem>>
      %dma_wait3A_241 = tpu.memref_squeeze %dma_wait3A_240 : memref<1x80x64xf32, #tpu.memory_space<vmem>> -> memref<80x64xf32, #tpu.memory_space<vmem>>
      %dma_wait3A_242 = arith.constant 0 : i32
      %dma_wait3A_243 = tpu.memref_slice %arg5[%add3A_236, %dma_wait3A_242] : memref<125x80xi32, #tpu.memory_space<vmem>> -> memref<1x80xi32, #tpu.memory_space<vmem>>
      %dma_wait3A_244 = tpu.memref_squeeze %dma_wait3A_243 : memref<1x80xi32, #tpu.memory_space<vmem>> -> memref<80xi32, #tpu.memory_space<vmem>>
      %dma_wait3A_245 = arith.constant 0 : i32
      %dma_wait3A_246 = arith.constant 0 : i32
      %dma_wait3A_247 = tpu.memref_slice %arg2[%dma_wait3A_245, %dma_wait3A_246] : memref<10000x64xf32, #tpu.memory_space<hbm>> -> memref<10000x64xf32, #tpu.memory_space<hbm>>
      tpu.wait_indirect_dma semaphore(%arg10 : memref<!tpu.dma_semaphore, #tpu.memory_space<semaphore_mem>>) src(%dma_wait3A_247 : memref<10000x64xf32, #tpu.memory_space<hbm>>) dst(%dma_wait3A_241 : memref<80x64xf32, #tpu.memory_space<vmem>>)
      %add3A_248 = arith.constant 0 : i32
      %add3A_249 = arith.addi %mul3A_234, %add3A_248 : i32
      %dma_start3A_250 = arith.constant 0 : i32
      %dma_start3A_251 = arith.constant 0 : i32
      %dma_start3A_252 = arith.constant 0 : i32
      %dma_start3A_253 = tpu.memref_slice %arg7[%dma_start3A_250, %dma_start3A_251, %dma_start3A_252] : memref<5x80x64xf32, #tpu.memory_space<vmem>> -> memref<1x80x64xf32, #tpu.memory_space<vmem>>
      %dma_start3A_254 = tpu.memref_squeeze %dma_start3A_253 : memref<1x80x64xf32, #tpu.memory_space<vmem>> -> memref<80x64xf32, #tpu.memory_space<vmem>>
      %dma_start3A_255 = arith.constant 0 : i32
      %dma_start3A_256 = tpu.memref_slice %arg6[%add3A_249, %dma_start3A_255] : memref<125x80xi32, #tpu.memory_space<vmem>> -> memref<1x80xi32, #tpu.memory_space<vmem>>
      %dma_start3A_257 = tpu.memref_squeeze %dma_start3A_256 : memref<1x80xi32, #tpu.memory_space<vmem>> -> memref<80xi32, #tpu.memory_space<vmem>>
      %dma_start3A_258 = arith.constant 0 : i32
      %dma_start3A_259 = arith.constant 0 : i32
      %dma_start3A_260 = tpu.memref_slice %arg9[%dma_start3A_258, %dma_start3A_259] : memref<10240x64xf32, #tpu.memory_space<vmem_shared>> -> memref<10240x64xf32, #tpu.memory_space<vmem_shared>>
      tpu.enqueue_indirect_dma source(%dma_start3A_254 : memref<80x64xf32, #tpu.memory_space<vmem>>) target(%dma_start3A_260 : memref<10240x64xf32, #tpu.memory_space<vmem_shared>>) offsets(%dma_start3A_257 : memref<80xi32, #tpu.memory_space<vmem>>) semaphore(%arg15 : memref<!tpu.dma_semaphore, #tpu.memory_space<semaphore_mem>>) {add = true}
      %add3A_261 = arith.constant 1 : i32
      %add3A_262 = arith.addi %mul3A_234, %add3A_261 : i32
      %dma_wait3A_263 = arith.constant 1 : i32
      %dma_wait3A_264 = arith.constant 0 : i32
      %dma_wait3A_265 = arith.constant 0 : i32
      %dma_wait3A_266 = tpu.memref_slice %arg7[%dma_wait3A_263, %dma_wait3A_264, %dma_wait3A_265] : memref<5x80x64xf32, #tpu.memory_space<vmem>> -> memref<1x80x64xf32, #tpu.memory_space<vmem>>
      %dma_wait3A_267 = tpu.memref_squeeze %dma_wait3A_266 : memref<1x80x64xf32, #tpu.memory_space<vmem>> -> memref<80x64xf32, #tpu.memory_space<vmem>>
      %dma_wait3A_268 = arith.constant 0 : i32
      %dma_wait3A_269 = tpu.memref_slice %arg5[%add3A_262, %dma_wait3A_268] : memref<125x80xi32, #tpu.memory_space<vmem>> -> memref<1x80xi32, #tpu.memory_space<vmem>>
      %dma_wait3A_270 = tpu.memref_squeeze %dma_wait3A_269 : memref<1x80xi32, #tpu.memory_space<vmem>> -> memref<80xi32, #tpu.memory_space<vmem>>
      %dma_wait3A_271 = arith.constant 0 : i32
      %dma_wait3A_272 = arith.constant 0 : i32
      %dma_wait3A_273 = tpu.memref_slice %arg2[%dma_wait3A_271, %dma_wait3A_272] : memref<10000x64xf32, #tpu.memory_space<hbm>> -> memref<10000x64xf32, #tpu.memory_space<hbm>>
      tpu.wait_indirect_dma semaphore(%arg11 : memref<!tpu.dma_semaphore, #tpu.memory_space<semaphore_mem>>) src(%dma_wait3A_273 : memref<10000x64xf32, #tpu.memory_space<hbm>>) dst(%dma_wait3A_267 : memref<80x64xf32, #tpu.memory_space<vmem>>)
      %add3A_274 = arith.constant 1 : i32
      %add3A_275 = arith.addi %mul3A_234, %add3A_274 : i32
      %dma_start3A_276 = arith.constant 1 : i32
      %dma_start3A_277 = arith.constant 0 : i32
      %dma_start3A_278 = arith.constant 0 : i32
      %dma_start3A_279 = tpu.memref_slice %arg7[%dma_start3A_276, %dma_start3A_277, %dma_start3A_278] : memref<5x80x64xf32, #tpu.memory_space<vmem>> -> memref<1x80x64xf32, #tpu.memory_space<vmem>>
      %dma_start3A_280 = tpu.memref_squeeze %dma_start3A_279 : memref<1x80x64xf32, #tpu.memory_space<vmem>> -> memref<80x64xf32, #tpu.memory_space<vmem>>
      %dma_start3A_281 = arith.constant 0 : i32
      %dma_start3A_282 = tpu.memref_slice %arg6[%add3A_275, %dma_start3A_281] : memref<125x80xi32, #tpu.memory_space<vmem>> -> memref<1x80xi32, #tpu.memory_space<vmem>>
      %dma_start3A_283 = tpu.memref_squeeze %dma_start3A_282 : memref<1x80xi32, #tpu.memory_space<vmem>> -> memref<80xi32, #tpu.memory_space<vmem>>
      %dma_start3A_284 = arith.constant 0 : i32
      %dma_start3A_285 = arith.constant 0 : i32
      %dma_start3A_286 = tpu.memref_slice %arg9[%dma_start3A_284, %dma_start3A_285] : memref<10240x64xf32, #tpu.memory_space<vmem_shared>> -> memref<10240x64xf32, #tpu.memory_space<vmem_shared>>
      tpu.enqueue_indirect_dma source(%dma_start3A_280 : memref<80x64xf32, #tpu.memory_space<vmem>>) target(%dma_start3A_286 : memref<10240x64xf32, #tpu.memory_space<vmem_shared>>) offsets(%dma_start3A_283 : memref<80xi32, #tpu.memory_space<vmem>>) semaphore(%arg16 : memref<!tpu.dma_semaphore, #tpu.memory_space<semaphore_mem>>) {add = true}
      %add3A_287 = arith.constant 2 : i32
      %add3A_288 = arith.addi %mul3A_234, %add3A_287 : i32
      %dma_wait3A_289 = arith.constant 2 : i32
      %dma_wait3A_290 = arith.constant 0 : i32
      %dma_wait3A_291 = arith.constant 0 : i32
      %dma_wait3A_292 = tpu.memref_slice %arg7[%dma_wait3A_289, %dma_wait3A_290, %dma_wait3A_291] : memref<5x80x64xf32, #tpu.memory_space<vmem>> -> memref<1x80x64xf32, #tpu.memory_space<vmem>>
      %dma_wait3A_293 = tpu.memref_squeeze %dma_wait3A_292 : memref<1x80x64xf32, #tpu.memory_space<vmem>> -> memref<80x64xf32, #tpu.memory_space<vmem>>
      %dma_wait3A_294 = arith.constant 0 : i32
      %dma_wait3A_295 = tpu.memref_slice %arg5[%add3A_288, %dma_wait3A_294] : memref<125x80xi32, #tpu.memory_space<vmem>> -> memref<1x80xi32, #tpu.memory_space<vmem>>
      %dma_wait3A_296 = tpu.memref_squeeze %dma_wait3A_295 : memref<1x80xi32, #tpu.memory_space<vmem>> -> memref<80xi32, #tpu.memory_space<vmem>>
      %dma_wait3A_297 = arith.constant 0 : i32
      %dma_wait3A_298 = arith.constant 0 : i32
      %dma_wait3A_299 = tpu.memref_slice %arg2[%dma_wait3A_297, %dma_wait3A_298] : memref<10000x64xf32, #tpu.memory_space<hbm>> -> memref<10000x64xf32, #tpu.memory_space<hbm>>
      tpu.wait_indirect_dma semaphore(%arg12 : memref<!tpu.dma_semaphore, #tpu.memory_space<semaphore_mem>>) src(%dma_wait3A_299 : memref<10000x64xf32, #tpu.memory_space<hbm>>) dst(%dma_wait3A_293 : memref<80x64xf32, #tpu.memory_space<vmem>>)
      %add3A_300 = arith.constant 2 : i32
      %add3A_301 = arith.addi %mul3A_234, %add3A_300 : i32
      %dma_start3A_302 = arith.constant 2 : i32
      %dma_start3A_303 = arith.constant 0 : i32
      %dma_start3A_304 = arith.constant 0 : i32
      %dma_start3A_305 = tpu.memref_slice %arg7[%dma_start3A_302, %dma_start3A_303, %dma_start3A_304] : memref<5x80x64xf32, #tpu.memory_space<vmem>> -> memref<1x80x64xf32, #tpu.memory_space<vmem>>
      %dma_start3A_306 = tpu.memref_squeeze %dma_start3A_305 : memref<1x80x64xf32, #tpu.memory_space<vmem>> -> memref<80x64xf32, #tpu.memory_space<vmem>>
      %dma_start3A_307 = arith.constant 0 : i32
      %dma_start3A_308 = tpu.memref_slice %arg6[%add3A_301, %dma_start3A_307] : memref<125x80xi32, #tpu.memory_space<vmem>> -> memref<1x80xi32, #tpu.memory_space<vmem>>
      %dma_start3A_309 = tpu.memref_squeeze %dma_start3A_308 : memref<1x80xi32, #tpu.memory_space<vmem>> -> memref<80xi32, #tpu.memory_space<vmem>>
      %dma_start3A_310 = arith.constant 0 : i32
      %dma_start3A_311 = arith.constant 0 : i32
      %dma_start3A_312 = tpu.memref_slice %arg9[%dma_start3A_310, %dma_start3A_311] : memref<10240x64xf32, #tpu.memory_space<vmem_shared>> -> memref<10240x64xf32, #tpu.memory_space<vmem_shared>>
      tpu.enqueue_indirect_dma source(%dma_start3A_306 : memref<80x64xf32, #tpu.memory_space<vmem>>) target(%dma_start3A_312 : memref<10240x64xf32, #tpu.memory_space<vmem_shared>>) offsets(%dma_start3A_309 : memref<80xi32, #tpu.memory_space<vmem>>) semaphore(%arg17 : memref<!tpu.dma_semaphore, #tpu.memory_space<semaphore_mem>>) {add = true}
      %add3A_313 = arith.constant 3 : i32
      %add3A_314 = arith.addi %mul3A_234, %add3A_313 : i32
      %dma_wait3A_315 = arith.constant 3 : i32
      %dma_wait3A_316 = arith.constant 0 : i32
      %dma_wait3A_317 = arith.constant 0 : i32
      %dma_wait3A_318 = tpu.memref_slice %arg7[%dma_wait3A_315, %dma_wait3A_316, %dma_wait3A_317] : memref<5x80x64xf32, #tpu.memory_space<vmem>> -> memref<1x80x64xf32, #tpu.memory_space<vmem>>
      %dma_wait3A_319 = tpu.memref_squeeze %dma_wait3A_318 : memref<1x80x64xf32, #tpu.memory_space<vmem>> -> memref<80x64xf32, #tpu.memory_space<vmem>>
      %dma_wait3A_320 = arith.constant 0 : i32
      %dma_wait3A_321 = tpu.memref_slice %arg5[%add3A_314, %dma_wait3A_320] : memref<125x80xi32, #tpu.memory_space<vmem>> -> memref<1x80xi32, #tpu.memory_space<vmem>>
      %dma_wait3A_322 = tpu.memref_squeeze %dma_wait3A_321 : memref<1x80xi32, #tpu.memory_space<vmem>> -> memref<80xi32, #tpu.memory_space<vmem>>
      %dma_wait3A_323 = arith.constant 0 : i32
      %dma_wait3A_324 = arith.constant 0 : i32
      %dma_wait3A_325 = tpu.memref_slice %arg2[%dma_wait3A_323, %dma_wait3A_324] : memref<10000x64xf32, #tpu.memory_space<hbm>> -> memref<10000x64xf32, #tpu.memory_space<hbm>>
      tpu.wait_indirect_dma semaphore(%arg13 : memref<!tpu.dma_semaphore, #tpu.memory_space<semaphore_mem>>) src(%dma_wait3A_325 : memref<10000x64xf32, #tpu.memory_space<hbm>>) dst(%dma_wait3A_319 : memref<80x64xf32, #tpu.memory_space<vmem>>)
      %add3A_326 = arith.constant 3 : i32
      %add3A_327 = arith.addi %mul3A_234, %add3A_326 : i32
      %dma_start3A_328 = arith.constant 3 : i32
      %dma_start3A_329 = arith.constant 0 : i32
      %dma_start3A_330 = arith.constant 0 : i32
      %dma_start3A_331 = tpu.memref_slice %arg7[%dma_start3A_328, %dma_start3A_329, %dma_start3A_330] : memref<5x80x64xf32, #tpu.memory_space<vmem>> -> memref<1x80x64xf32, #tpu.memory_space<vmem>>
      %dma_start3A_332 = tpu.memref_squeeze %dma_start3A_331 : memref<1x80x64xf32, #tpu.memory_space<vmem>> -> memref<80x64xf32, #tpu.memory_space<vmem>>
      %dma_start3A_333 = arith.constant 0 : i32
      %dma_start3A_334 = tpu.memref_slice %arg6[%add3A_327, %dma_start3A_333] : memref<125x80xi32, #tpu.memory_space<vmem>> -> memref<1x80xi32, #tpu.memory_space<vmem>>
      %dma_start3A_335 = tpu.memref_squeeze %dma_start3A_334 : memref<1x80xi32, #tpu.memory_space<vmem>> -> memref<80xi32, #tpu.memory_space<vmem>>
      %dma_start3A_336 = arith.constant 0 : i32
      %dma_start3A_337 = arith.constant 0 : i32
      %dma_start3A_338 = tpu.memref_slice %arg9[%dma_start3A_336, %dma_start3A_337] : memref<10240x64xf32, #tpu.memory_space<vmem_shared>> -> memref<10240x64xf32, #tpu.memory_space<vmem_shared>>
      tpu.enqueue_indirect_dma source(%dma_start3A_332 : memref<80x64xf32, #tpu.memory_space<vmem>>) target(%dma_start3A_338 : memref<10240x64xf32, #tpu.memory_space<vmem_shared>>) offsets(%dma_start3A_335 : memref<80xi32, #tpu.memory_space<vmem>>) semaphore(%arg18 : memref<!tpu.dma_semaphore, #tpu.memory_space<semaphore_mem>>) {add = true}
      %add3A_339 = arith.constant 4 : i32
      %add3A_340 = arith.addi %mul3A_234, %add3A_339 : i32
      %dma_wait3A_341 = arith.constant 4 : i32
      %dma_wait3A_342 = arith.constant 0 : i32
      %dma_wait3A_343 = arith.constant 0 : i32
      %dma_wait3A_344 = tpu.memref_slice %arg7[%dma_wait3A_341, %dma_wait3A_342, %dma_wait3A_343] : memref<5x80x64xf32, #tpu.memory_space<vmem>> -> memref<1x80x64xf32, #tpu.memory_space<vmem>>
      %dma_wait3A_345 = tpu.memref_squeeze %dma_wait3A_344 : memref<1x80x64xf32, #tpu.memory_space<vmem>> -> memref<80x64xf32, #tpu.memory_space<vmem>>
      %dma_wait3A_346 = arith.constant 0 : i32
      %dma_wait3A_347 = tpu.memref_slice %arg5[%add3A_340, %dma_wait3A_346] : memref<125x80xi32, #tpu.memory_space<vmem>> -> memref<1x80xi32, #tpu.memory_space<vmem>>
      %dma_wait3A_348 = tpu.memref_squeeze %dma_wait3A_347 : memref<1x80xi32, #tpu.memory_space<vmem>> -> memref<80xi32, #tpu.memory_space<vmem>>
      %dma_wait3A_349 = arith.constant 0 : i32
      %dma_wait3A_350 = arith.constant 0 : i32
      %dma_wait3A_351 = tpu.memref_slice %arg2[%dma_wait3A_349, %dma_wait3A_350] : memref<10000x64xf32, #tpu.memory_space<hbm>> -> memref<10000x64xf32, #tpu.memory_space<hbm>>
      tpu.wait_indirect_dma semaphore(%arg14 : memref<!tpu.dma_semaphore, #tpu.memory_space<semaphore_mem>>) src(%dma_wait3A_351 : memref<10000x64xf32, #tpu.memory_space<hbm>>) dst(%dma_wait3A_345 : memref<80x64xf32, #tpu.memory_space<vmem>>)
      %add3A_352 = arith.constant 4 : i32
      %add3A_353 = arith.addi %mul3A_234, %add3A_352 : i32
      %dma_start3A_354 = arith.constant 4 : i32
      %dma_start3A_355 = arith.constant 0 : i32
      %dma_start3A_356 = arith.constant 0 : i32
      %dma_start3A_357 = tpu.memref_slice %arg7[%dma_start3A_354, %dma_start3A_355, %dma_start3A_356] : memref<5x80x64xf32, #tpu.memory_space<vmem>> -> memref<1x80x64xf32, #tpu.memory_space<vmem>>
      %dma_start3A_358 = tpu.memref_squeeze %dma_start3A_357 : memref<1x80x64xf32, #tpu.memory_space<vmem>> -> memref<80x64xf32, #tpu.memory_space<vmem>>
      %dma_start3A_359 = arith.constant 0 : i32
      %dma_start3A_360 = tpu.memref_slice %arg6[%add3A_353, %dma_start3A_359] : memref<125x80xi32, #tpu.memory_space<vmem>> -> memref<1x80xi32, #tpu.memory_space<vmem>>
      %dma_start3A_361 = tpu.memref_squeeze %dma_start3A_360 : memref<1x80xi32, #tpu.memory_space<vmem>> -> memref<80xi32, #tpu.memory_space<vmem>>
      %dma_start3A_362 = arith.constant 0 : i32
      %dma_start3A_363 = arith.constant 0 : i32
      %dma_start3A_364 = tpu.memref_slice %arg9[%dma_start3A_362, %dma_start3A_363] : memref<10240x64xf32, #tpu.memory_space<vmem_shared>> -> memref<10240x64xf32, #tpu.memory_space<vmem_shared>>
      tpu.enqueue_indirect_dma source(%dma_start3A_358 : memref<80x64xf32, #tpu.memory_space<vmem>>) target(%dma_start3A_364 : memref<10240x64xf32, #tpu.memory_space<vmem_shared>>) offsets(%dma_start3A_361 : memref<80xi32, #tpu.memory_space<vmem>>) semaphore(%arg19 : memref<!tpu.dma_semaphore, #tpu.memory_space<semaphore_mem>>) {add = true}
      %add3A_365 = arith.constant 1 : i32
      %add3A_366 = arith.addi %add3A_232, %add3A_365 : i32
      %lt3A_367 = arith.constant 25 : i32
      %lt3A_368 = arith.cmpi slt, %add3A_366, %lt3A_367 : i32
      %convert_element_type3A_369 = arith.extui %lt3A_368 : i1 to i32
      %cond3A_370 = arith.constant 0 : i32
      %cond3A_371 = arith.cmpi ne, %convert_element_type3A_369, %cond3A_370 : i32
      scf.if %cond3A_371 {
        %add3A_372 = arith.constant 0 : i32
        %add3A_373 = arith.addi %mul3A_234, %add3A_372 : i32
        %dma_wait3A_374 = arith.constant 0 : i32
        %dma_wait3A_375 = arith.constant 0 : i32
        %dma_wait3A_376 = arith.constant 0 : i32
        %dma_wait3A_377 = tpu.memref_slice %arg7[%dma_wait3A_374, %dma_wait3A_375, %dma_wait3A_376] : memref<5x80x64xf32, #tpu.memory_space<vmem>> -> memref<1x80x64xf32, #tpu.memory_space<vmem>>
        %dma_wait3A_378 = tpu.memref_squeeze %dma_wait3A_377 : memref<1x80x64xf32, #tpu.memory_space<vmem>> -> memref<80x64xf32, #tpu.memory_space<vmem>>
        %dma_wait3A_379 = arith.constant 0 : i32
        %dma_wait3A_380 = tpu.memref_slice %arg6[%add3A_373, %dma_wait3A_379] : memref<125x80xi32, #tpu.memory_space<vmem>> -> memref<1x80xi32, #tpu.memory_space<vmem>>
        %dma_wait3A_381 = tpu.memref_squeeze %dma_wait3A_380 : memref<1x80xi32, #tpu.memory_space<vmem>> -> memref<80xi32, #tpu.memory_space<vmem>>
        %dma_wait3A_382 = arith.constant 0 : i32
        %dma_wait3A_383 = arith.constant 0 : i32
        %dma_wait3A_384 = tpu.memref_slice %arg9[%dma_wait3A_382, %dma_wait3A_383] : memref<10240x64xf32, #tpu.memory_space<vmem_shared>> -> memref<10240x64xf32, #tpu.memory_space<vmem_shared>>
        tpu.wait_indirect_dma semaphore(%arg15 : memref<!tpu.dma_semaphore, #tpu.memory_space<semaphore_mem>>) src(%dma_wait3A_378 : memref<80x64xf32, #tpu.memory_space<vmem>>) dst(%dma_wait3A_384 : memref<10240x64xf32, #tpu.memory_space<vmem_shared>>)
        %add3A_385 = arith.constant 5 : i32
        %add3A_386 = arith.addi %mul3A_234, %add3A_385 : i32
        %add3A_387 = arith.constant 0 : i32
        %add3A_388 = arith.addi %add3A_386, %add3A_387 : i32
        %dma_start3A_389 = arith.constant 0 : i32
        %dma_start3A_390 = arith.constant 0 : i32
        %dma_start3A_391 = arith.constant 0 : i32
        %dma_start3A_392 = tpu.memref_slice %arg7[%dma_start3A_389, %dma_start3A_390, %dma_start3A_391] : memref<5x80x64xf32, #tpu.memory_space<vmem>> -> memref<1x80x64xf32, #tpu.memory_space<vmem>>
        %dma_start3A_393 = tpu.memref_squeeze %dma_start3A_392 : memref<1x80x64xf32, #tpu.memory_space<vmem>> -> memref<80x64xf32, #tpu.memory_space<vmem>>
        %dma_start3A_394 = arith.constant 0 : i32
        %dma_start3A_395 = tpu.memref_slice %arg5[%add3A_388, %dma_start3A_394] : memref<125x80xi32, #tpu.memory_space<vmem>> -> memref<1x80xi32, #tpu.memory_space<vmem>>
        %dma_start3A_396 = tpu.memref_squeeze %dma_start3A_395 : memref<1x80xi32, #tpu.memory_space<vmem>> -> memref<80xi32, #tpu.memory_space<vmem>>
        %dma_start3A_397 = arith.constant 0 : i32
        %dma_start3A_398 = arith.constant 0 : i32
        %dma_start3A_399 = tpu.memref_slice %arg2[%dma_start3A_397, %dma_start3A_398] : memref<10000x64xf32, #tpu.memory_space<hbm>> -> memref<10000x64xf32, #tpu.memory_space<hbm>>
        tpu.enqueue_indirect_dma source(%dma_start3A_399 : memref<10000x64xf32, #tpu.memory_space<hbm>>) target(%dma_start3A_393 : memref<80x64xf32, #tpu.memory_space<vmem>>) offsets(%dma_start3A_396 : memref<80xi32, #tpu.memory_space<vmem>>) semaphore(%arg10 : memref<!tpu.dma_semaphore, #tpu.memory_space<semaphore_mem>>)
        %add3A_400 = arith.constant 1 : i32
        %add3A_401 = arith.addi %mul3A_234, %add3A_400 : i32
        %dma_wait3A_402 = arith.constant 1 : i32
        %dma_wait3A_403 = arith.constant 0 : i32
        %dma_wait3A_404 = arith.constant 0 : i32
        %dma_wait3A_405 = tpu.memref_slice %arg7[%dma_wait3A_402, %dma_wait3A_403, %dma_wait3A_404] : memref<5x80x64xf32, #tpu.memory_space<vmem>> -> memref<1x80x64xf32, #tpu.memory_space<vmem>>
        %dma_wait3A_406 = tpu.memref_squeeze %dma_wait3A_405 : memref<1x80x64xf32, #tpu.memory_space<vmem>> -> memref<80x64xf32, #tpu.memory_space<vmem>>
        %dma_wait3A_407 = arith.constant 0 : i32
        %dma_wait3A_408 = tpu.memref_slice %arg6[%add3A_401, %dma_wait3A_407] : memref<125x80xi32, #tpu.memory_space<vmem>> -> memref<1x80xi32, #tpu.memory_space<vmem>>
        %dma_wait3A_409 = tpu.memref_squeeze %dma_wait3A_408 : memref<1x80xi32, #tpu.memory_space<vmem>> -> memref<80xi32, #tpu.memory_space<vmem>>
        %dma_wait3A_410 = arith.constant 0 : i32
        %dma_wait3A_411 = arith.constant 0 : i32
        %dma_wait3A_412 = tpu.memref_slice %arg9[%dma_wait3A_410, %dma_wait3A_411] : memref<10240x64xf32, #tpu.memory_space<vmem_shared>> -> memref<10240x64xf32, #tpu.memory_space<vmem_shared>>
        tpu.wait_indirect_dma semaphore(%arg16 : memref<!tpu.dma_semaphore, #tpu.memory_space<semaphore_mem>>) src(%dma_wait3A_406 : memref<80x64xf32, #tpu.memory_space<vmem>>) dst(%dma_wait3A_412 : memref<10240x64xf32, #tpu.memory_space<vmem_shared>>)
        %add3A_413 = arith.constant 5 : i32
        %add3A_414 = arith.addi %mul3A_234, %add3A_413 : i32
        %add3A_415 = arith.constant 1 : i32
        %add3A_416 = arith.addi %add3A_414, %add3A_415 : i32
        %dma_start3A_417 = arith.constant 1 : i32
        %dma_start3A_418 = arith.constant 0 : i32
        %dma_start3A_419 = arith.constant 0 : i32
        %dma_start3A_420 = tpu.memref_slice %arg7[%dma_start3A_417, %dma_start3A_418, %dma_start3A_419] : memref<5x80x64xf32, #tpu.memory_space<vmem>> -> memref<1x80x64xf32, #tpu.memory_space<vmem>>
        %dma_start3A_421 = tpu.memref_squeeze %dma_start3A_420 : memref<1x80x64xf32, #tpu.memory_space<vmem>> -> memref<80x64xf32, #tpu.memory_space<vmem>>
        %dma_start3A_422 = arith.constant 0 : i32
        %dma_start3A_423 = tpu.memref_slice %arg5[%add3A_416, %dma_start3A_422] : memref<125x80xi32, #tpu.memory_space<vmem>> -> memref<1x80xi32, #tpu.memory_space<vmem>>
        %dma_start3A_424 = tpu.memref_squeeze %dma_start3A_423 : memref<1x80xi32, #tpu.memory_space<vmem>> -> memref<80xi32, #tpu.memory_space<vmem>>
        %dma_start3A_425 = arith.constant 0 : i32
        %dma_start3A_426 = arith.constant 0 : i32
        %dma_start3A_427 = tpu.memref_slice %arg2[%dma_start3A_425, %dma_start3A_426] : memref<10000x64xf32, #tpu.memory_space<hbm>> -> memref<10000x64xf32, #tpu.memory_space<hbm>>
        tpu.enqueue_indirect_dma source(%dma_start3A_427 : memref<10000x64xf32, #tpu.memory_space<hbm>>) target(%dma_start3A_421 : memref<80x64xf32, #tpu.memory_space<vmem>>) offsets(%dma_start3A_424 : memref<80xi32, #tpu.memory_space<vmem>>) semaphore(%arg11 : memref<!tpu.dma_semaphore, #tpu.memory_space<semaphore_mem>>)
        %add3A_428 = arith.constant 2 : i32
        %add3A_429 = arith.addi %mul3A_234, %add3A_428 : i32
        %dma_wait3A_430 = arith.constant 2 : i32
        %dma_wait3A_431 = arith.constant 0 : i32
        %dma_wait3A_432 = arith.constant 0 : i32
        %dma_wait3A_433 = tpu.memref_slice %arg7[%dma_wait3A_430, %dma_wait3A_431, %dma_wait3A_432] : memref<5x80x64xf32, #tpu.memory_space<vmem>> -> memref<1x80x64xf32, #tpu.memory_space<vmem>>
        %dma_wait3A_434 = tpu.memref_squeeze %dma_wait3A_433 : memref<1x80x64xf32, #tpu.memory_space<vmem>> -> memref<80x64xf32, #tpu.memory_space<vmem>>
        %dma_wait3A_435 = arith.constant 0 : i32
        %dma_wait3A_436 = tpu.memref_slice %arg6[%add3A_429, %dma_wait3A_435] : memref<125x80xi32, #tpu.memory_space<vmem>> -> memref<1x80xi32, #tpu.memory_space<vmem>>
        %dma_wait3A_437 = tpu.memref_squeeze %dma_wait3A_436 : memref<1x80xi32, #tpu.memory_space<vmem>> -> memref<80xi32, #tpu.memory_space<vmem>>
        %dma_wait3A_438 = arith.constant 0 : i32
        %dma_wait3A_439 = arith.constant 0 : i32
        %dma_wait3A_440 = tpu.memref_slice %arg9[%dma_wait3A_438, %dma_wait3A_439] : memref<10240x64xf32, #tpu.memory_space<vmem_shared>> -> memref<10240x64xf32, #tpu.memory_space<vmem_shared>>
        tpu.wait_indirect_dma semaphore(%arg17 : memref<!tpu.dma_semaphore, #tpu.memory_space<semaphore_mem>>) src(%dma_wait3A_434 : memref<80x64xf32, #tpu.memory_space<vmem>>) dst(%dma_wait3A_440 : memref<10240x64xf32, #tpu.memory_space<vmem_shared>>)
        %add3A_441 = arith.constant 5 : i32
        %add3A_442 = arith.addi %mul3A_234, %add3A_441 : i32
        %add3A_443 = arith.constant 2 : i32
        %add3A_444 = arith.addi %add3A_442, %add3A_443 : i32
        %dma_start3A_445 = arith.constant 2 : i32
        %dma_start3A_446 = arith.constant 0 : i32
        %dma_start3A_447 = arith.constant 0 : i32
        %dma_start3A_448 = tpu.memref_slice %arg7[%dma_start3A_445, %dma_start3A_446, %dma_start3A_447] : memref<5x80x64xf32, #tpu.memory_space<vmem>> -> memref<1x80x64xf32, #tpu.memory_space<vmem>>
        %dma_start3A_449 = tpu.memref_squeeze %dma_start3A_448 : memref<1x80x64xf32, #tpu.memory_space<vmem>> -> memref<80x64xf32, #tpu.memory_space<vmem>>
        %dma_start3A_450 = arith.constant 0 : i32
        %dma_start3A_451 = tpu.memref_slice %arg5[%add3A_444, %dma_start3A_450] : memref<125x80xi32, #tpu.memory_space<vmem>> -> memref<1x80xi32, #tpu.memory_space<vmem>>
        %dma_start3A_452 = tpu.memref_squeeze %dma_start3A_451 : memref<1x80xi32, #tpu.memory_space<vmem>> -> memref<80xi32, #tpu.memory_space<vmem>>
        %dma_start3A_453 = arith.constant 0 : i32
        %dma_start3A_454 = arith.constant 0 : i32
        %dma_start3A_455 = tpu.memref_slice %arg2[%dma_start3A_453, %dma_start3A_454] : memref<10000x64xf32, #tpu.memory_space<hbm>> -> memref<10000x64xf32, #tpu.memory_space<hbm>>
        tpu.enqueue_indirect_dma source(%dma_start3A_455 : memref<10000x64xf32, #tpu.memory_space<hbm>>) target(%dma_start3A_449 : memref<80x64xf32, #tpu.memory_space<vmem>>) offsets(%dma_start3A_452 : memref<80xi32, #tpu.memory_space<vmem>>) semaphore(%arg12 : memref<!tpu.dma_semaphore, #tpu.memory_space<semaphore_mem>>)
        %add3A_456 = arith.constant 3 : i32
        %add3A_457 = arith.addi %mul3A_234, %add3A_456 : i32
        %dma_wait3A_458 = arith.constant 3 : i32
        %dma_wait3A_459 = arith.constant 0 : i32
        %dma_wait3A_460 = arith.constant 0 : i32
        %dma_wait3A_461 = tpu.memref_slice %arg7[%dma_wait3A_458, %dma_wait3A_459, %dma_wait3A_460] : memref<5x80x64xf32, #tpu.memory_space<vmem>> -> memref<1x80x64xf32, #tpu.memory_space<vmem>>
        %dma_wait3A_462 = tpu.memref_squeeze %dma_wait3A_461 : memref<1x80x64xf32, #tpu.memory_space<vmem>> -> memref<80x64xf32, #tpu.memory_space<vmem>>
        %dma_wait3A_463 = arith.constant 0 : i32
        %dma_wait3A_464 = tpu.memref_slice %arg6[%add3A_457, %dma_wait3A_463] : memref<125x80xi32, #tpu.memory_space<vmem>> -> memref<1x80xi32, #tpu.memory_space<vmem>>
        %dma_wait3A_465 = tpu.memref_squeeze %dma_wait3A_464 : memref<1x80xi32, #tpu.memory_space<vmem>> -> memref<80xi32, #tpu.memory_space<vmem>>
        %dma_wait3A_466 = arith.constant 0 : i32
        %dma_wait3A_467 = arith.constant 0 : i32
        %dma_wait3A_468 = tpu.memref_slice %arg9[%dma_wait3A_466, %dma_wait3A_467] : memref<10240x64xf32, #tpu.memory_space<vmem_shared>> -> memref<10240x64xf32, #tpu.memory_space<vmem_shared>>
        tpu.wait_indirect_dma semaphore(%arg18 : memref<!tpu.dma_semaphore, #tpu.memory_space<semaphore_mem>>) src(%dma_wait3A_462 : memref<80x64xf32, #tpu.memory_space<vmem>>) dst(%dma_wait3A_468 : memref<10240x64xf32, #tpu.memory_space<vmem_shared>>)
        %add3A_469 = arith.constant 5 : i32
        %add3A_470 = arith.addi %mul3A_234, %add3A_469 : i32
        %add3A_471 = arith.constant 3 : i32
        %add3A_472 = arith.addi %add3A_470, %add3A_471 : i32
        %dma_start3A_473 = arith.constant 3 : i32
        %dma_start3A_474 = arith.constant 0 : i32
        %dma_start3A_475 = arith.constant 0 : i32
        %dma_start3A_476 = tpu.memref_slice %arg7[%dma_start3A_473, %dma_start3A_474, %dma_start3A_475] : memref<5x80x64xf32, #tpu.memory_space<vmem>> -> memref<1x80x64xf32, #tpu.memory_space<vmem>>
        %dma_start3A_477 = tpu.memref_squeeze %dma_start3A_476 : memref<1x80x64xf32, #tpu.memory_space<vmem>> -> memref<80x64xf32, #tpu.memory_space<vmem>>
        %dma_start3A_478 = arith.constant 0 : i32
        %dma_start3A_479 = tpu.memref_slice %arg5[%add3A_472, %dma_start3A_478] : memref<125x80xi32, #tpu.memory_space<vmem>> -> memref<1x80xi32, #tpu.memory_space<vmem>>
        %dma_start3A_480 = tpu.memref_squeeze %dma_start3A_479 : memref<1x80xi32, #tpu.memory_space<vmem>> -> memref<80xi32, #tpu.memory_space<vmem>>
        %dma_start3A_481 = arith.constant 0 : i32
        %dma_start3A_482 = arith.constant 0 : i32
        %dma_start3A_483 = tpu.memref_slice %arg2[%dma_start3A_481, %dma_start3A_482] : memref<10000x64xf32, #tpu.memory_space<hbm>> -> memref<10000x64xf32, #tpu.memory_space<hbm>>
        tpu.enqueue_indirect_dma source(%dma_start3A_483 : memref<10000x64xf32, #tpu.memory_space<hbm>>) target(%dma_start3A_477 : memref<80x64xf32, #tpu.memory_space<vmem>>) offsets(%dma_start3A_480 : memref<80xi32, #tpu.memory_space<vmem>>) semaphore(%arg13 : memref<!tpu.dma_semaphore, #tpu.memory_space<semaphore_mem>>)
        %add3A_484 = arith.constant 4 : i32
        %add3A_485 = arith.addi %mul3A_234, %add3A_484 : i32
        %dma_wait3A_486 = arith.constant 4 : i32
        %dma_wait3A_487 = arith.constant 0 : i32
        %dma_wait3A_488 = arith.constant 0 : i32
        %dma_wait3A_489 = tpu.memref_slice %arg7[%dma_wait3A_486, %dma_wait3A_487, %dma_wait3A_488] : memref<5x80x64xf32, #tpu.memory_space<vmem>> -> memref<1x80x64xf32, #tpu.memory_space<vmem>>
        %dma_wait3A_490 = tpu.memref_squeeze %dma_wait3A_489 : memref<1x80x64xf32, #tpu.memory_space<vmem>> -> memref<80x64xf32, #tpu.memory_space<vmem>>
        %dma_wait3A_491 = arith.constant 0 : i32
        %dma_wait3A_492 = tpu.memref_slice %arg6[%add3A_485, %dma_wait3A_491] : memref<125x80xi32, #tpu.memory_space<vmem>> -> memref<1x80xi32, #tpu.memory_space<vmem>>
        %dma_wait3A_493 = tpu.memref_squeeze %dma_wait3A_492 : memref<1x80xi32, #tpu.memory_space<vmem>> -> memref<80xi32, #tpu.memory_space<vmem>>
        %dma_wait3A_494 = arith.constant 0 : i32
        %dma_wait3A_495 = arith.constant 0 : i32
        %dma_wait3A_496 = tpu.memref_slice %arg9[%dma_wait3A_494, %dma_wait3A_495] : memref<10240x64xf32, #tpu.memory_space<vmem_shared>> -> memref<10240x64xf32, #tpu.memory_space<vmem_shared>>
        tpu.wait_indirect_dma semaphore(%arg19 : memref<!tpu.dma_semaphore, #tpu.memory_space<semaphore_mem>>) src(%dma_wait3A_490 : memref<80x64xf32, #tpu.memory_space<vmem>>) dst(%dma_wait3A_496 : memref<10240x64xf32, #tpu.memory_space<vmem_shared>>)
        %add3A_497 = arith.constant 5 : i32
        %add3A_498 = arith.addi %mul3A_234, %add3A_497 : i32
        %add3A_499 = arith.constant 4 : i32
        %add3A_500 = arith.addi %add3A_498, %add3A_499 : i32
        %dma_start3A_501 = arith.constant 4 : i32
        %dma_start3A_502 = arith.constant 0 : i32
        %dma_start3A_503 = arith.constant 0 : i32
        %dma_start3A_504 = tpu.memref_slice %arg7[%dma_start3A_501, %dma_start3A_502, %dma_start3A_503] : memref<5x80x64xf32, #tpu.memory_space<vmem>> -> memref<1x80x64xf32, #tpu.memory_space<vmem>>
        %dma_start3A_505 = tpu.memref_squeeze %dma_start3A_504 : memref<1x80x64xf32, #tpu.memory_space<vmem>> -> memref<80x64xf32, #tpu.memory_space<vmem>>
        %dma_start3A_506 = arith.constant 0 : i32
        %dma_start3A_507 = tpu.memref_slice %arg5[%add3A_500, %dma_start3A_506] : memref<125x80xi32, #tpu.memory_space<vmem>> -> memref<1x80xi32, #tpu.memory_space<vmem>>
        %dma_start3A_508 = tpu.memref_squeeze %dma_start3A_507 : memref<1x80xi32, #tpu.memory_space<vmem>> -> memref<80xi32, #tpu.memory_space<vmem>>
        %dma_start3A_509 = arith.constant 0 : i32
        %dma_start3A_510 = arith.constant 0 : i32
        %dma_start3A_511 = tpu.memref_slice %arg2[%dma_start3A_509, %dma_start3A_510] : memref<10000x64xf32, #tpu.memory_space<hbm>> -> memref<10000x64xf32, #tpu.memory_space<hbm>>
        tpu.enqueue_indirect_dma source(%dma_start3A_511 : memref<10000x64xf32, #tpu.memory_space<hbm>>) target(%dma_start3A_505 : memref<80x64xf32, #tpu.memory_space<vmem>>) offsets(%dma_start3A_508 : memref<80xi32, #tpu.memory_space<vmem>>) semaphore(%arg14 : memref<!tpu.dma_semaphore, #tpu.memory_space<semaphore_mem>>)
      } else {
      }
    }
    %scan3A_160 = arith.constant 25 : i32
    %dma_wait3A_161 = arith.constant 0 : i32
    %dma_wait3A_162 = arith.constant 120 : i32
    %dma_wait3A_163 = arith.constant 0 : i32
    %dma_wait3A_164 = arith.constant 0 : i32
    %dma_wait3A_165 = tpu.memref_slice %arg7[%dma_wait3A_161, %dma_wait3A_163, %dma_wait3A_164] : memref<5x80x64xf32, #tpu.memory_space<vmem>> -> memref<1x80x64xf32, #tpu.memory_space<vmem>>
    %dma_wait3A_166 = tpu.memref_squeeze %dma_wait3A_165 : memref<1x80x64xf32, #tpu.memory_space<vmem>> -> memref<80x64xf32, #tpu.memory_space<vmem>>
    %dma_wait3A_167 = arith.constant 0 : i32
    %dma_wait3A_168 = tpu.memref_slice %arg6[%dma_wait3A_162, %dma_wait3A_167] : memref<125x80xi32, #tpu.memory_space<vmem>> -> memref<1x80xi32, #tpu.memory_space<vmem>>
    %dma_wait3A_169 = tpu.memref_squeeze %dma_wait3A_168 : memref<1x80xi32, #tpu.memory_space<vmem>> -> memref<80xi32, #tpu.memory_space<vmem>>
    %dma_wait3A_170 = arith.constant 0 : i32
    %dma_wait3A_171 = arith.constant 0 : i32
    %dma_wait3A_172 = tpu.memref_slice %arg9[%dma_wait3A_170, %dma_wait3A_171] : memref<10240x64xf32, #tpu.memory_space<vmem_shared>> -> memref<10240x64xf32, #tpu.memory_space<vmem_shared>>
    tpu.wait_indirect_dma semaphore(%arg15 : memref<!tpu.dma_semaphore, #tpu.memory_space<semaphore_mem>>) src(%dma_wait3A_166 : memref<80x64xf32, #tpu.memory_space<vmem>>) dst(%dma_wait3A_172 : memref<10240x64xf32, #tpu.memory_space<vmem_shared>>)
    %dma_wait3A_173 = arith.constant 1 : i32
    %dma_wait3A_174 = arith.constant 121 : i32
    %dma_wait3A_175 = arith.constant 0 : i32
    %dma_wait3A_176 = arith.constant 0 : i32
    %dma_wait3A_177 = tpu.memref_slice %arg7[%dma_wait3A_173, %dma_wait3A_175, %dma_wait3A_176] : memref<5x80x64xf32, #tpu.memory_space<vmem>> -> memref<1x80x64xf32, #tpu.memory_space<vmem>>
    %dma_wait3A_178 = tpu.memref_squeeze %dma_wait3A_177 : memref<1x80x64xf32, #tpu.memory_space<vmem>> -> memref<80x64xf32, #tpu.memory_space<vmem>>
    %dma_wait3A_179 = arith.constant 0 : i32
    %dma_wait3A_180 = tpu.memref_slice %arg6[%dma_wait3A_174, %dma_wait3A_179] : memref<125x80xi32, #tpu.memory_space<vmem>> -> memref<1x80xi32, #tpu.memory_space<vmem>>
    %dma_wait3A_181 = tpu.memref_squeeze %dma_wait3A_180 : memref<1x80xi32, #tpu.memory_space<vmem>> -> memref<80xi32, #tpu.memory_space<vmem>>
    %dma_wait3A_182 = arith.constant 0 : i32
    %dma_wait3A_183 = arith.constant 0 : i32
    %dma_wait3A_184 = tpu.memref_slice %arg9[%dma_wait3A_182, %dma_wait3A_183] : memref<10240x64xf32, #tpu.memory_space<vmem_shared>> -> memref<10240x64xf32, #tpu.memory_space<vmem_shared>>
    tpu.wait_indirect_dma semaphore(%arg16 : memref<!tpu.dma_semaphore, #tpu.memory_space<semaphore_mem>>) src(%dma_wait3A_178 : memref<80x64xf32, #tpu.memory_space<vmem>>) dst(%dma_wait3A_184 : memref<10240x64xf32, #tpu.memory_space<vmem_shared>>)
    %dma_wait3A_185 = arith.constant 2 : i32
    %dma_wait3A_186 = arith.constant 122 : i32
    %dma_wait3A_187 = arith.constant 0 : i32
    %dma_wait3A_188 = arith.constant 0 : i32
    %dma_wait3A_189 = tpu.memref_slice %arg7[%dma_wait3A_185, %dma_wait3A_187, %dma_wait3A_188] : memref<5x80x64xf32, #tpu.memory_space<vmem>> -> memref<1x80x64xf32, #tpu.memory_space<vmem>>
    %dma_wait3A_190 = tpu.memref_squeeze %dma_wait3A_189 : memref<1x80x64xf32, #tpu.memory_space<vmem>> -> memref<80x64xf32, #tpu.memory_space<vmem>>
    %dma_wait3A_191 = arith.constant 0 : i32
    %dma_wait3A_192 = tpu.memref_slice %arg6[%dma_wait3A_186, %dma_wait3A_191] : memref<125x80xi32, #tpu.memory_space<vmem>> -> memref<1x80xi32, #tpu.memory_space<vmem>>
    %dma_wait3A_193 = tpu.memref_squeeze %dma_wait3A_192 : memref<1x80xi32, #tpu.memory_space<vmem>> -> memref<80xi32, #tpu.memory_space<vmem>>
    %dma_wait3A_194 = arith.constant 0 : i32
    %dma_wait3A_195 = arith.constant 0 : i32
    %dma_wait3A_196 = tpu.memref_slice %arg9[%dma_wait3A_194, %dma_wait3A_195] : memref<10240x64xf32, #tpu.memory_space<vmem_shared>> -> memref<10240x64xf32, #tpu.memory_space<vmem_shared>>
    tpu.wait_indirect_dma semaphore(%arg17 : memref<!tpu.dma_semaphore, #tpu.memory_space<semaphore_mem>>) src(%dma_wait3A_190 : memref<80x64xf32, #tpu.memory_space<vmem>>) dst(%dma_wait3A_196 : memref<10240x64xf32, #tpu.memory_space<vmem_shared>>)
    %dma_wait3A_197 = arith.constant 3 : i32
    %dma_wait3A_198 = arith.constant 123 : i32
    %dma_wait3A_199 = arith.constant 0 : i32
    %dma_wait3A_200 = arith.constant 0 : i32
    %dma_wait3A_201 = tpu.memref_slice %arg7[%dma_wait3A_197, %dma_wait3A_199, %dma_wait3A_200] : memref<5x80x64xf32, #tpu.memory_space<vmem>> -> memref<1x80x64xf32, #tpu.memory_space<vmem>>
    %dma_wait3A_202 = tpu.memref_squeeze %dma_wait3A_201 : memref<1x80x64xf32, #tpu.memory_space<vmem>> -> memref<80x64xf32, #tpu.memory_space<vmem>>
    %dma_wait3A_203 = arith.constant 0 : i32
    %dma_wait3A_204 = tpu.memref_slice %arg6[%dma_wait3A_198, %dma_wait3A_203] : memref<125x80xi32, #tpu.memory_space<vmem>> -> memref<1x80xi32, #tpu.memory_space<vmem>>
    %dma_wait3A_205 = tpu.memref_squeeze %dma_wait3A_204 : memref<1x80xi32, #tpu.memory_space<vmem>> -> memref<80xi32, #tpu.memory_space<vmem>>
    %dma_wait3A_206 = arith.constant 0 : i32
    %dma_wait3A_207 = arith.constant 0 : i32
    %dma_wait3A_208 = tpu.memref_slice %arg9[%dma_wait3A_206, %dma_wait3A_207] : memref<10240x64xf32, #tpu.memory_space<vmem_shared>> -> memref<10240x64xf32, #tpu.memory_space<vmem_shared>>
    tpu.wait_indirect_dma semaphore(%arg18 : memref<!tpu.dma_semaphore, #tpu.memory_space<semaphore_mem>>) src(%dma_wait3A_202 : memref<80x64xf32, #tpu.memory_space<vmem>>) dst(%dma_wait3A_208 : memref<10240x64xf32, #tpu.memory_space<vmem_shared>>)
    %dma_wait3A_209 = arith.constant 4 : i32
    %dma_wait3A_210 = arith.constant 124 : i32
    %dma_wait3A_211 = arith.constant 0 : i32
    %dma_wait3A_212 = arith.constant 0 : i32
    %dma_wait3A_213 = tpu.memref_slice %arg7[%dma_wait3A_209, %dma_wait3A_211, %dma_wait3A_212] : memref<5x80x64xf32, #tpu.memory_space<vmem>> -> memref<1x80x64xf32, #tpu.memory_space<vmem>>
    %dma_wait3A_214 = tpu.memref_squeeze %dma_wait3A_213 : memref<1x80x64xf32, #tpu.memory_space<vmem>> -> memref<80x64xf32, #tpu.memory_space<vmem>>
    %dma_wait3A_215 = arith.constant 0 : i32
    %dma_wait3A_216 = tpu.memref_slice %arg6[%dma_wait3A_210, %dma_wait3A_215] : memref<125x80xi32, #tpu.memory_space<vmem>> -> memref<1x80xi32, #tpu.memory_space<vmem>>
    %dma_wait3A_217 = tpu.memref_squeeze %dma_wait3A_216 : memref<1x80xi32, #tpu.memory_space<vmem>> -> memref<80xi32, #tpu.memory_space<vmem>>
    %dma_wait3A_218 = arith.constant 0 : i32
    %dma_wait3A_219 = arith.constant 0 : i32
    %dma_wait3A_220 = tpu.memref_slice %arg9[%dma_wait3A_218, %dma_wait3A_219] : memref<10240x64xf32, #tpu.memory_space<vmem_shared>> -> memref<10240x64xf32, #tpu.memory_space<vmem_shared>>
    tpu.wait_indirect_dma semaphore(%arg19 : memref<!tpu.dma_semaphore, #tpu.memory_space<semaphore_mem>>) src(%dma_wait3A_214 : memref<80x64xf32, #tpu.memory_space<vmem>>) dst(%dma_wait3A_220 : memref<10240x64xf32, #tpu.memory_space<vmem_shared>>)
    %barrier3A_221 = arith.constant 0 : index
    tpu.barrier barrier_id(%barrier3A_221)
    %lt3A = arith.constant 15 : i32
    %lt3A_222 = arith.cmpi slt, %arg1, %lt3A : i32
    %convert_element_type3A = arith.extui %lt3A_222 : i1 to i32
    %cond3A = arith.constant 0 : i32
    %cond3A_223 = arith.cmpi ne, %convert_element_type3A, %cond3A : i32
    scf.if %cond3A_223 {
      %mul3A_228 = arith.constant 640 : i32
      %mul3A_229 = arith.muli %arg1, %mul3A_228 : i32
      %mul3A_230 = arith.constant 640 : i32
      %mul3A_231 = arith.muli %arg1, %mul3A_230 : i32
      "tpu.region"() ({
        %run_scoped3A = tpu.sem_alloc : memref<!tpu.dma_semaphore, #tpu.memory_space<semaphore_mem>>
        %dma_start3A_232 = arith.constant 0 : i32
        %dma_start3A_233 = arith.constant 0 : i32
        %dma_start3A_234 = tpu.memref_slice %arg4[%arg0, %dma_start3A_232, %dma_start3A_233] : memref<2x10000x64xf32, #tpu.memory_space<hbm>> -> memref<1x10000x64xf32, #tpu.memory_space<hbm>>
        %dma_start3A_235 = tpu.memref_squeeze %dma_start3A_234 : memref<1x10000x64xf32, #tpu.memory_space<hbm>> -> memref<10000x64xf32, #tpu.memory_space<hbm>>
        %dma_start3A_236 = arith.constant 0 : i32
        %dma_start3A_237 = tpu.memref_slice %dma_start3A_235[%mul3A_231, %dma_start3A_236] : memref<10000x64xf32, #tpu.memory_space<hbm>> -> memref<640x64xf32, #tpu.memory_space<hbm>>
        %dma_start3A_238 = arith.constant 0 : i32
        %dma_start3A_239 = tpu.memref_slice %arg9[%mul3A_229, %dma_start3A_238] : memref<10240x64xf32, #tpu.memory_space<vmem_shared>> -> memref<640x64xf32, #tpu.memory_space<vmem_shared>>
        tpu.enqueue_dma source(%dma_start3A_239 : memref<640x64xf32, #tpu.memory_space<vmem_shared>>) target(%dma_start3A_237 : memref<640x64xf32, #tpu.memory_space<hbm>>) target_semaphore(%run_scoped3A : memref<!tpu.dma_semaphore, #tpu.memory_space<semaphore_mem>>)
        %dma_wait3A_240 = arith.constant 0 : i32
        %dma_wait3A_241 = arith.constant 0 : i32
        %dma_wait3A_242 = tpu.memref_slice %arg4[%arg0, %dma_wait3A_240, %dma_wait3A_241] : memref<2x10000x64xf32, #tpu.memory_space<hbm>> -> memref<1x10000x64xf32, #tpu.memory_space<hbm>>
        %dma_wait3A_243 = tpu.memref_squeeze %dma_wait3A_242 : memref<1x10000x64xf32, #tpu.memory_space<hbm>> -> memref<10000x64xf32, #tpu.memory_space<hbm>>
        %dma_wait3A_244 = arith.constant 0 : i32
        %dma_wait3A_245 = tpu.memref_slice %dma_wait3A_243[%mul3A_231, %dma_wait3A_244] : memref<10000x64xf32, #tpu.memory_space<hbm>> -> memref<640x64xf32, #tpu.memory_space<hbm>>
        %dma_wait3A_246 = arith.constant 0 : i32
        %dma_wait3A_247 = tpu.memref_slice %arg9[%mul3A_229, %dma_wait3A_246] : memref<10240x64xf32, #tpu.memory_space<vmem_shared>> -> memref<640x64xf32, #tpu.memory_space<vmem_shared>>
        tpu.wait_dma2 semaphore(%run_scoped3A : memref<!tpu.dma_semaphore, #tpu.memory_space<semaphore_mem>>) src(%dma_wait3A_247 : memref<640x64xf32, #tpu.memory_space<vmem_shared>>) dst(%dma_wait3A_245 : memref<640x64xf32, #tpu.memory_space<hbm>>)
        tpu.yield
      }) : () -> ()
    } else {
    }
    %eq3A = arith.constant 15 : i32
    %eq3A_224 = arith.cmpi eq, %arg1, %eq3A : i32
    %convert_element_type3A_225 = arith.extui %eq3A_224 : i1 to i32
    %cond3A_226 = arith.constant 0 : i32
    %cond3A_227 = arith.cmpi ne, %convert_element_type3A_225, %cond3A_226 : i32
    scf.if %cond3A_227 {
      "tpu.region"() ({
        %run_scoped3A = tpu.sem_alloc : memref<!tpu.dma_semaphore, #tpu.memory_space<semaphore_mem>>
        %dma_start3A_228 = arith.constant 0 : i32
        %dma_start3A_229 = arith.constant 0 : i32
        %dma_start3A_230 = tpu.memref_slice %arg4[%arg0, %dma_start3A_228, %dma_start3A_229] : memref<2x10000x64xf32, #tpu.memory_space<hbm>> -> memref<1x10000x64xf32, #tpu.memory_space<hbm>>
        %dma_start3A_231 = tpu.memref_squeeze %dma_start3A_230 : memref<1x10000x64xf32, #tpu.memory_space<hbm>> -> memref<10000x64xf32, #tpu.memory_space<hbm>>
        %dma_start3A_232 = arith.constant 9600 : i32
        %dma_start3A_233 = arith.constant 0 : i32
        %dma_start3A_234 = tpu.memref_slice %dma_start3A_231[%dma_start3A_232, %dma_start3A_233] : memref<10000x64xf32, #tpu.memory_space<hbm>> -> memref<400x64xf32, #tpu.memory_space<hbm>>
        %dma_start3A_235 = arith.constant 9600 : i32
        %dma_start3A_236 = arith.constant 0 : i32
        %dma_start3A_237 = tpu.memref_slice %arg9[%dma_start3A_235, %dma_start3A_236] : memref<10240x64xf32, #tpu.memory_space<vmem_shared>> -> memref<400x64xf32, #tpu.memory_space<vmem_shared>>
        tpu.enqueue_dma source(%dma_start3A_237 : memref<400x64xf32, #tpu.memory_space<vmem_shared>>) target(%dma_start3A_234 : memref<400x64xf32, #tpu.memory_space<hbm>>) target_semaphore(%run_scoped3A : memref<!tpu.dma_semaphore, #tpu.memory_space<semaphore_mem>>)
        %dma_wait3A_238 = arith.constant 0 : i32
        %dma_wait3A_239 = arith.constant 0 : i32
        %dma_wait3A_240 = tpu.memref_slice %arg4[%arg0, %dma_wait3A_238, %dma_wait3A_239] : memref<2x10000x64xf32, #tpu.memory_space<hbm>> -> memref<1x10000x64xf32, #tpu.memory_space<hbm>>
        %dma_wait3A_241 = tpu.memref_squeeze %dma_wait3A_240 : memref<1x10000x64xf32, #tpu.memory_space<hbm>> -> memref<10000x64xf32, #tpu.memory_space<hbm>>
        %dma_wait3A_242 = arith.constant 9600 : i32
        %dma_wait3A_243 = arith.constant 0 : i32
        %dma_wait3A_244 = tpu.memref_slice %dma_wait3A_241[%dma_wait3A_242, %dma_wait3A_243] : memref<10000x64xf32, #tpu.memory_space<hbm>> -> memref<400x64xf32, #tpu.memory_space<hbm>>
        %dma_wait3A_245 = arith.constant 9600 : i32
        %dma_wait3A_246 = arith.constant 0 : i32
        %dma_wait3A_247 = tpu.memref_slice %arg9[%dma_wait3A_245, %dma_wait3A_246] : memref<10240x64xf32, #tpu.memory_space<vmem_shared>> -> memref<400x64xf32, #tpu.memory_space<vmem_shared>>
        tpu.wait_dma2 semaphore(%run_scoped3A : memref<!tpu.dma_semaphore, #tpu.memory_space<semaphore_mem>>) src(%dma_wait3A_247 : memref<400x64xf32, #tpu.memory_space<vmem_shared>>) dst(%dma_wait3A_244 : memref<400x64xf32, #tpu.memory_space<hbm>>)
        tpu.yield
      }) : () -> ()
    } else {
    }
    return
  }
}

#map = affine_map<(d0, d1) -> (0, 0, 0, 0)>
#map1 = affine_map<(d0, d1) -> (0, 0)>
module attributes {stable_mosaic.version = 14 : i64} {
  func.func @_deg_sc(%arg0: i32, %arg1: i32, %arg2: memref<2x32x125x80xi32, #tpu.memory_space<hbm>>, %arg3: memref<2x10240xf32, #tpu.memory_space<hbm>>, %arg4: memref<125x80xi32, #tpu.memory_space<vmem>>, %arg5: memref<80xf32, #tpu.memory_space<vmem>>, %arg6: memref<640xf32, #tpu.memory_space<vmem>>, %arg7: memref<10240xf32, #tpu.memory_space<vmem_shared>>, %arg8: memref<!tpu.dma_semaphore, #tpu.memory_space<semaphore_mem>>, %arg9: memref<!tpu.dma_semaphore, #tpu.memory_space<semaphore_mem>>) attributes {dimension_semantics = [#tpu.dimension_semantics<core_parallel>, #tpu.dimension_semantics<subcore_parallel>], iteration_bounds = array<i64: 2, 16>, scalar_prefetch = 0 : i64, scratch_operands = 6 : i64, tpu.core_type = #tpu.core_type<sc_vector_subcore>, window_params = [{transform_indices = #map}, {transform_indices = #map1}]} {
    %mul3A = arith.constant 16 : i32
    %mul3A_0 = arith.muli %arg0, %mul3A : i32
    %add3A = arith.addi %mul3A_0, %arg1 : i32
    %broadcast_in_dim3A = arith.constant 1.000000e+00 : f32
    %broadcast_in_dim3A_1 = vector.broadcast %broadcast_in_dim3A : f32 to vector<16xf32>
    %swap3A = arith.constant 0 : index
    %swap3A_2 = tpu.vector_load %arg5[%swap3A] {strides = array<i32>} : memref<80xf32, #tpu.memory_space<vmem>>, vector<16xf32>,
    %swap3A_3 = vector.shape_cast %swap3A_2 : vector<16xf32> to vector<16xf32>
    %swap3A_4 = vector.shape_cast %broadcast_in_dim3A_1 : vector<16xf32> to vector<16xf32>
    tpu.vector_store %arg5[%swap3A], %swap3A_4 {strides = array<i32>} : memref<80xf32, #tpu.memory_space<vmem>>, vector<16xf32>,
    %swap3A_5 = arith.constant 16 : index
    %swap3A_6 = tpu.vector_load %arg5[%swap3A_5] {strides = array<i32>} : memref<80xf32, #tpu.memory_space<vmem>>, vector<16xf32>,
    %swap3A_7 = vector.shape_cast %swap3A_6 : vector<16xf32> to vector<16xf32>
    %swap3A_8 = vector.shape_cast %broadcast_in_dim3A_1 : vector<16xf32> to vector<16xf32>
    tpu.vector_store %arg5[%swap3A_5], %swap3A_8 {strides = array<i32>} : memref<80xf32, #tpu.memory_space<vmem>>, vector<16xf32>,
    %swap3A_9 = arith.constant 32 : index
    %swap3A_10 = tpu.vector_load %arg5[%swap3A_9] {strides = array<i32>} : memref<80xf32, #tpu.memory_space<vmem>>, vector<16xf32>,
    %swap3A_11 = vector.shape_cast %swap3A_10 : vector<16xf32> to vector<16xf32>
    %swap3A_12 = vector.shape_cast %broadcast_in_dim3A_1 : vector<16xf32> to vector<16xf32>
    tpu.vector_store %arg5[%swap3A_9], %swap3A_12 {strides = array<i32>} : memref<80xf32, #tpu.memory_space<vmem>>, vector<16xf32>,
    %swap3A_13 = arith.constant 48 : index
    %swap3A_14 = tpu.vector_load %arg5[%swap3A_13] {strides = array<i32>} : memref<80xf32, #tpu.memory_space<vmem>>, vector<16xf32>,
    %swap3A_15 = vector.shape_cast %swap3A_14 : vector<16xf32> to vector<16xf32>
    %swap3A_16 = vector.shape_cast %broadcast_in_dim3A_1 : vector<16xf32> to vector<16xf32>
    tpu.vector_store %arg5[%swap3A_13], %swap3A_16 {strides = array<i32>} : memref<80xf32, #tpu.memory_space<vmem>>, vector<16xf32>,
    %swap3A_17 = arith.constant 64 : index
    %swap3A_18 = tpu.vector_load %arg5[%swap3A_17] {strides = array<i32>} : memref<80xf32, #tpu.memory_space<vmem>>, vector<16xf32>,
    %swap3A_19 = vector.shape_cast %swap3A_18 : vector<16xf32> to vector<16xf32>
    %swap3A_20 = vector.shape_cast %broadcast_in_dim3A_1 : vector<16xf32> to vector<16xf32>
    tpu.vector_store %arg5[%swap3A_17], %swap3A_20 {strides = array<i32>} : memref<80xf32, #tpu.memory_space<vmem>>, vector<16xf32>,
    %dma_start3A = arith.constant 0 : i32
    %dma_start3A_21 = arith.constant 0 : i32
    %dma_start3A_22 = arith.constant 0 : i32
    %dma_start3A_23 = tpu.memref_slice %arg2[%dma_start3A, %add3A, %dma_start3A_21, %dma_start3A_22] : memref<2x32x125x80xi32, #tpu.memory_space<hbm>> -> memref<1x1x125x80xi32, #tpu.memory_space<hbm>>
    %dma_start3A_24 = tpu.memref_squeeze %dma_start3A_23 : memref<1x1x125x80xi32, #tpu.memory_space<hbm>> -> memref<125x80xi32, #tpu.memory_space<hbm>>
    %dma_start3A_25 = arith.constant 0 : i32
    %dma_start3A_26 = arith.constant 0 : i32
    %dma_start3A_27 = tpu.memref_slice %arg2[%dma_start3A, %add3A, %dma_start3A_25, %dma_start3A_26] : memref<2x32x125x80xi32, #tpu.memory_space<hbm>> -> memref<1x1x125x80xi32, #tpu.memory_space<hbm>>
    %dma_start3A_28 = tpu.memref_squeeze %dma_start3A_27 : memref<1x1x125x80xi32, #tpu.memory_space<hbm>> -> memref<125x80xi32, #tpu.memory_space<hbm>>
    tpu.enqueue_dma source(%dma_start3A_28 : memref<125x80xi32, #tpu.memory_space<hbm>>) target(%arg4 : memref<125x80xi32, #tpu.memory_space<vmem>>) target_semaphore(%arg8 : memref<!tpu.dma_semaphore, #tpu.memory_space<semaphore_mem>>)
    %broadcast_in_dim3A_29 = arith.constant 0.000000e+00 : f32
    %broadcast_in_dim3A_30 = vector.broadcast %broadcast_in_dim3A_29 : f32 to vector<16xf32>
    %scan3A = arith.constant 0 : i32
    %scan3A_31 = arith.constant 40 : i32
    %scan3A_32 = arith.addi %scan3A, %scan3A_31 : i32
    %scan3A_33 = arith.constant 1 : i32
    scf.for %scan3A_155 = %scan3A to %scan3A_32 step %scan3A_33  : i32 {
      %mul3A_156 = arith.constant 1 : i32
      %mul3A_157 = arith.muli %scan3A_155, %mul3A_156 : i32
      %add3A_158 = arith.constant 0 : i32
      %add3A_159 = arith.addi %add3A_158, %mul3A_157 : i32
      %mul3A_160 = arith.constant 16 : i32
      %mul3A_161 = arith.muli %add3A_159, %mul3A_160 : i32
      %swap3A_162 = arith.index_cast %mul3A_161 : i32 to index
      %swap3A_163 = tpu.vector_load %arg6[%swap3A_162] {strides = array<i32>} : memref<640xf32, #tpu.memory_space<vmem>>, vector<16xf32>,
      %swap3A_164 = vector.shape_cast %swap3A_163 : vector<16xf32> to vector<16xf32>
      %swap3A_165 = vector.shape_cast %broadcast_in_dim3A_30 : vector<16xf32> to vector<16xf32>
      tpu.vector_store %arg6[%swap3A_162], %swap3A_165 {strides = array<i32>} : memref<640xf32, #tpu.memory_space<vmem>>, vector<16xf32>,
    }
    %scan3A_34 = arith.constant 40 : i32
    %mul3A_35 = arith.constant 640 : i32
    %mul3A_36 = arith.muli %arg1, %mul3A_35 : i32
    %dma_start3A_37 = tpu.memref_slice %arg7[%mul3A_36] : memref<10240xf32, #tpu.memory_space<vmem_shared>> -> memref<640xf32, #tpu.memory_space<vmem_shared>>
    %dma_start3A_38 = tpu.memref_slice %arg7[%mul3A_36] : memref<10240xf32, #tpu.memory_space<vmem_shared>> -> memref<640xf32, #tpu.memory_space<vmem_shared>>
    tpu.enqueue_dma source(%arg6 : memref<640xf32, #tpu.memory_space<vmem>>) target(%dma_start3A_38 : memref<640xf32, #tpu.memory_space<vmem_shared>>) target_semaphore(%arg9 : memref<!tpu.dma_semaphore, #tpu.memory_space<semaphore_mem>>)
    %dma_wait3A = arith.constant 0 : i32
    %dma_wait3A_39 = arith.constant 0 : i32
    %dma_wait3A_40 = arith.constant 0 : i32
    %dma_wait3A_41 = tpu.memref_slice %arg2[%dma_wait3A, %add3A, %dma_wait3A_39, %dma_wait3A_40] : memref<2x32x125x80xi32, #tpu.memory_space<hbm>> -> memref<1x1x125x80xi32, #tpu.memory_space<hbm>>
    %dma_wait3A_42 = tpu.memref_squeeze %dma_wait3A_41 : memref<1x1x125x80xi32, #tpu.memory_space<hbm>> -> memref<125x80xi32, #tpu.memory_space<hbm>>
    %dma_wait3A_43 = arith.constant 0 : i32
    %dma_wait3A_44 = arith.constant 0 : i32
    %dma_wait3A_45 = tpu.memref_slice %arg2[%dma_wait3A, %add3A, %dma_wait3A_43, %dma_wait3A_44] : memref<2x32x125x80xi32, #tpu.memory_space<hbm>> -> memref<1x1x125x80xi32, #tpu.memory_space<hbm>>
    %dma_wait3A_46 = tpu.memref_squeeze %dma_wait3A_45 : memref<1x1x125x80xi32, #tpu.memory_space<hbm>> -> memref<125x80xi32, #tpu.memory_space<hbm>>
    tpu.wait_dma2 semaphore(%arg8 : memref<!tpu.dma_semaphore, #tpu.memory_space<semaphore_mem>>) src(%dma_wait3A_46 : memref<125x80xi32, #tpu.memory_space<hbm>>) dst(%arg4 : memref<125x80xi32, #tpu.memory_space<vmem>>)
    %dma_wait3A_47 = tpu.memref_slice %arg7[%mul3A_36] : memref<10240xf32, #tpu.memory_space<vmem_shared>> -> memref<640xf32, #tpu.memory_space<vmem_shared>>
    %dma_wait3A_48 = tpu.memref_slice %arg7[%mul3A_36] : memref<10240xf32, #tpu.memory_space<vmem_shared>> -> memref<640xf32, #tpu.memory_space<vmem_shared>>
    tpu.wait_dma2 semaphore(%arg9 : memref<!tpu.dma_semaphore, #tpu.memory_space<semaphore_mem>>) src(%arg6 : memref<640xf32, #tpu.memory_space<vmem>>) dst(%dma_wait3A_48 : memref<640xf32, #tpu.memory_space<vmem_shared>>)
    %barrier3A = arith.constant 0 : index
    tpu.barrier barrier_id(%barrier3A)
    %scan3A_49 = arith.constant 0 : i32
    %scan3A_50 = arith.constant 125 : i32
    %scan3A_51 = arith.addi %scan3A_49, %scan3A_50 : i32
    %scan3A_52 = arith.constant 1 : i32
    scf.for %scan3A_155 = %scan3A_49 to %scan3A_51 step %scan3A_52  : i32 {
      %mul3A_156 = arith.constant 1 : i32
      %mul3A_157 = arith.muli %scan3A_155, %mul3A_156 : i32
      %add3A_158 = arith.constant 0 : i32
      %add3A_159 = arith.addi %add3A_158, %mul3A_157 : i32
      %dma_start3A_160 = arith.constant 0 : i32
      %dma_start3A_161 = tpu.memref_slice %arg4[%add3A_159, %dma_start3A_160] : memref<125x80xi32, #tpu.memory_space<vmem>> -> memref<1x80xi32, #tpu.memory_space<vmem>>
      %dma_start3A_162 = tpu.memref_squeeze %dma_start3A_161 : memref<1x80xi32, #tpu.memory_space<vmem>> -> memref<80xi32, #tpu.memory_space<vmem>>
      %dma_start3A_163 = arith.constant 0 : i32
      %dma_start3A_164 = tpu.memref_slice %arg7[%dma_start3A_163] : memref<10240xf32, #tpu.memory_space<vmem_shared>> -> memref<10240xf32, #tpu.memory_space<vmem_shared>>
      tpu.enqueue_indirect_dma source(%arg5 : memref<80xf32, #tpu.memory_space<vmem>>) target(%dma_start3A_164 : memref<10240xf32, #tpu.memory_space<vmem_shared>>) offsets(%dma_start3A_162 : memref<80xi32, #tpu.memory_space<vmem>>) semaphore(%arg8 : memref<!tpu.dma_semaphore, #tpu.memory_space<semaphore_mem>>) {add = true}
      %ge3A = arith.constant 16 : i32
      %ge3A_165 = arith.cmpi sge, %add3A_159, %ge3A : i32
      %convert_element_type3A = arith.extui %ge3A_165 : i1 to i32
      %cond3A = arith.constant 0 : i32
      %cond3A_166 = arith.cmpi ne, %convert_element_type3A, %cond3A : i32
      scf.if %cond3A_166 {
        %dma_wait3A_167 = arith.constant 0 : i32
        %dma_wait3A_168 = tpu.memref_slice %arg4[%add3A_159, %dma_wait3A_167] : memref<125x80xi32, #tpu.memory_space<vmem>> -> memref<1x80xi32, #tpu.memory_space<vmem>>
        %dma_wait3A_169 = tpu.memref_squeeze %dma_wait3A_168 : memref<1x80xi32, #tpu.memory_space<vmem>> -> memref<80xi32, #tpu.memory_space<vmem>>
        %dma_wait3A_170 = arith.constant 0 : i32
        %dma_wait3A_171 = tpu.memref_slice %arg7[%dma_wait3A_170] : memref<10240xf32, #tpu.memory_space<vmem_shared>> -> memref<10240xf32, #tpu.memory_space<vmem_shared>>
        tpu.wait_indirect_dma semaphore(%arg8 : memref<!tpu.dma_semaphore, #tpu.memory_space<semaphore_mem>>) src(%arg5 : memref<80xf32, #tpu.memory_space<vmem>>) dst(%dma_wait3A_171 : memref<10240xf32, #tpu.memory_space<vmem_shared>>)
      } else {
      }
    }
    %scan3A_53 = arith.constant 125 : i32
    %dma_wait3A_54 = arith.constant 0 : i32
    %dma_wait3A_55 = arith.constant 0 : i32
    %dma_wait3A_56 = tpu.memref_slice %arg4[%dma_wait3A_54, %dma_wait3A_55] : memref<125x80xi32, #tpu.memory_space<vmem>> -> memref<1x80xi32, #tpu.memory_space<vmem>>
    %dma_wait3A_57 = tpu.memref_squeeze %dma_wait3A_56 : memref<1x80xi32, #tpu.memory_space<vmem>> -> memref<80xi32, #tpu.memory_space<vmem>>
    %dma_wait3A_58 = arith.constant 0 : i32
    %dma_wait3A_59 = tpu.memref_slice %arg7[%dma_wait3A_58] : memref<10240xf32, #tpu.memory_space<vmem_shared>> -> memref<10240xf32, #tpu.memory_space<vmem_shared>>
    tpu.wait_indirect_dma semaphore(%arg8 : memref<!tpu.dma_semaphore, #tpu.memory_space<semaphore_mem>>) src(%arg5 : memref<80xf32, #tpu.memory_space<vmem>>) dst(%dma_wait3A_59 : memref<10240xf32, #tpu.memory_space<vmem_shared>>)
    %dma_wait3A_60 = arith.constant 0 : i32
    %dma_wait3A_61 = arith.constant 0 : i32
    %dma_wait3A_62 = tpu.memref_slice %arg4[%dma_wait3A_60, %dma_wait3A_61] : memref<125x80xi32, #tpu.memory_space<vmem>> -> memref<1x80xi32, #tpu.memory_space<vmem>>
    %dma_wait3A_63 = tpu.memref_squeeze %dma_wait3A_62 : memref<1x80xi32, #tpu.memory_space<vmem>> -> memref<80xi32, #tpu.memory_space<vmem>>
    %dma_wait3A_64 = arith.constant 0 : i32
    %dma_wait3A_65 = tpu.memref_slice %arg7[%dma_wait3A_64] : memref<10240xf32, #tpu.memory_space<vmem_shared>> -> memref<10240xf32, #tpu.memory_space<vmem_shared>>
    tpu.wait_indirect_dma semaphore(%arg8 : memref<!tpu.dma_semaphore, #tpu.memory_space<semaphore_mem>>) src(%arg5 : memref<80xf32, #tpu.memory_space<vmem>>) dst(%dma_wait3A_65 : memref<10240xf32, #tpu.memory_space<vmem_shared>>)
    %dma_wait3A_66 = arith.constant 0 : i32
    %dma_wait3A_67 = arith.constant 0 : i32
    %dma_wait3A_68 = tpu.memref_slice %arg4[%dma_wait3A_66, %dma_wait3A_67] : memref<125x80xi32, #tpu.memory_space<vmem>> -> memref<1x80xi32, #tpu.memory_space<vmem>>
    %dma_wait3A_69 = tpu.memref_squeeze %dma_wait3A_68 : memref<1x80xi32, #tpu.memory_space<vmem>> -> memref<80xi32, #tpu.memory_space<vmem>>
    %dma_wait3A_70 = arith.constant 0 : i32
    %dma_wait3A_71 = tpu.memref_slice %arg7[%dma_wait3A_70] : memref<10240xf32, #tpu.memory_space<vmem_shared>> -> memref<10240xf32, #tpu.memory_space<vmem_shared>>
    tpu.wait_indirect_dma semaphore(%arg8 : memref<!tpu.dma_semaphore, #tpu.memory_space<semaphore_mem>>) src(%arg5 : memref<80xf32, #tpu.memory_space<vmem>>) dst(%dma_wait3A_71 : memref<10240xf32, #tpu.memory_space<vmem_shared>>)
    %dma_wait3A_72 = arith.constant 0 : i32
    %dma_wait3A_73 = arith.constant 0 : i32
    %dma_wait3A_74 = tpu.memref_slice %arg4[%dma_wait3A_72, %dma_wait3A_73] : memref<125x80xi32, #tpu.memory_space<vmem>> -> memref<1x80xi32, #tpu.memory_space<vmem>>
    %dma_wait3A_75 = tpu.memref_squeeze %dma_wait3A_74 : memref<1x80xi32, #tpu.memory_space<vmem>> -> memref<80xi32, #tpu.memory_space<vmem>>
    %dma_wait3A_76 = arith.constant 0 : i32
    %dma_wait3A_77 = tpu.memref_slice %arg7[%dma_wait3A_76] : memref<10240xf32, #tpu.memory_space<vmem_shared>> -> memref<10240xf32, #tpu.memory_space<vmem_shared>>
    tpu.wait_indirect_dma semaphore(%arg8 : memref<!tpu.dma_semaphore, #tpu.memory_space<semaphore_mem>>) src(%arg5 : memref<80xf32, #tpu.memory_space<vmem>>) dst(%dma_wait3A_77 : memref<10240xf32, #tpu.memory_space<vmem_shared>>)
    %dma_wait3A_78 = arith.constant 0 : i32
    %dma_wait3A_79 = arith.constant 0 : i32
    %dma_wait3A_80 = tpu.memref_slice %arg4[%dma_wait3A_78, %dma_wait3A_79] : memref<125x80xi32, #tpu.memory_space<vmem>> -> memref<1x80xi32, #tpu.memory_space<vmem>>
    %dma_wait3A_81 = tpu.memref_squeeze %dma_wait3A_80 : memref<1x80xi32, #tpu.memory_space<vmem>> -> memref<80xi32, #tpu.memory_space<vmem>>
    %dma_wait3A_82 = arith.constant 0 : i32
    %dma_wait3A_83 = tpu.memref_slice %arg7[%dma_wait3A_82] : memref<10240xf32, #tpu.memory_space<vmem_shared>> -> memref<10240xf32, #tpu.memory_space<vmem_shared>>
    tpu.wait_indirect_dma semaphore(%arg8 : memref<!tpu.dma_semaphore, #tpu.memory_space<semaphore_mem>>) src(%arg5 : memref<80xf32, #tpu.memory_space<vmem>>) dst(%dma_wait3A_83 : memref<10240xf32, #tpu.memory_space<vmem_shared>>)
    %dma_wait3A_84 = arith.constant 0 : i32
    %dma_wait3A_85 = arith.constant 0 : i32
    %dma_wait3A_86 = tpu.memref_slice %arg4[%dma_wait3A_84, %dma_wait3A_85] : memref<125x80xi32, #tpu.memory_space<vmem>> -> memref<1x80xi32, #tpu.memory_space<vmem>>
    %dma_wait3A_87 = tpu.memref_squeeze %dma_wait3A_86 : memref<1x80xi32, #tpu.memory_space<vmem>> -> memref<80xi32, #tpu.memory_space<vmem>>
    %dma_wait3A_88 = arith.constant 0 : i32
    %dma_wait3A_89 = tpu.memref_slice %arg7[%dma_wait3A_88] : memref<10240xf32, #tpu.memory_space<vmem_shared>> -> memref<10240xf32, #tpu.memory_space<vmem_shared>>
    tpu.wait_indirect_dma semaphore(%arg8 : memref<!tpu.dma_semaphore, #tpu.memory_space<semaphore_mem>>) src(%arg5 : memref<80xf32, #tpu.memory_space<vmem>>) dst(%dma_wait3A_89 : memref<10240xf32, #tpu.memory_space<vmem_shared>>)
    %dma_wait3A_90 = arith.constant 0 : i32
    %dma_wait3A_91 = arith.constant 0 : i32
    %dma_wait3A_92 = tpu.memref_slice %arg4[%dma_wait3A_90, %dma_wait3A_91] : memref<125x80xi32, #tpu.memory_space<vmem>> -> memref<1x80xi32, #tpu.memory_space<vmem>>
    %dma_wait3A_93 = tpu.memref_squeeze %dma_wait3A_92 : memref<1x80xi32, #tpu.memory_space<vmem>> -> memref<80xi32, #tpu.memory_space<vmem>>
    %dma_wait3A_94 = arith.constant 0 : i32
    %dma_wait3A_95 = tpu.memref_slice %arg7[%dma_wait3A_94] : memref<10240xf32, #tpu.memory_space<vmem_shared>> -> memref<10240xf32, #tpu.memory_space<vmem_shared>>
    tpu.wait_indirect_dma semaphore(%arg8 : memref<!tpu.dma_semaphore, #tpu.memory_space<semaphore_mem>>) src(%arg5 : memref<80xf32, #tpu.memory_space<vmem>>) dst(%dma_wait3A_95 : memref<10240xf32, #tpu.memory_space<vmem_shared>>)
    %dma_wait3A_96 = arith.constant 0 : i32
    %dma_wait3A_97 = arith.constant 0 : i32
    %dma_wait3A_98 = tpu.memref_slice %arg4[%dma_wait3A_96, %dma_wait3A_97] : memref<125x80xi32, #tpu.memory_space<vmem>> -> memref<1x80xi32, #tpu.memory_space<vmem>>
    %dma_wait3A_99 = tpu.memref_squeeze %dma_wait3A_98 : memref<1x80xi32, #tpu.memory_space<vmem>> -> memref<80xi32, #tpu.memory_space<vmem>>
    %dma_wait3A_100 = arith.constant 0 : i32
    %dma_wait3A_101 = tpu.memref_slice %arg7[%dma_wait3A_100] : memref<10240xf32, #tpu.memory_space<vmem_shared>> -> memref<10240xf32, #tpu.memory_space<vmem_shared>>
    tpu.wait_indirect_dma semaphore(%arg8 : memref<!tpu.dma_semaphore, #tpu.memory_space<semaphore_mem>>) src(%arg5 : memref<80xf32, #tpu.memory_space<vmem>>) dst(%dma_wait3A_101 : memref<10240xf32, #tpu.memory_space<vmem_shared>>)
    %dma_wait3A_102 = arith.constant 0 : i32
    %dma_wait3A_103 = arith.constant 0 : i32
    %dma_wait3A_104 = tpu.memref_slice %arg4[%dma_wait3A_102, %dma_wait3A_103] : memref<125x80xi32, #tpu.memory_space<vmem>> -> memref<1x80xi32, #tpu.memory_space<vmem>>
    %dma_wait3A_105 = tpu.memref_squeeze %dma_wait3A_104 : memref<1x80xi32, #tpu.memory_space<vmem>> -> memref<80xi32, #tpu.memory_space<vmem>>
    %dma_wait3A_106 = arith.constant 0 : i32
    %dma_wait3A_107 = tpu.memref_slice %arg7[%dma_wait3A_106] : memref<10240xf32, #tpu.memory_space<vmem_shared>> -> memref<10240xf32, #tpu.memory_space<vmem_shared>>
    tpu.wait_indirect_dma semaphore(%arg8 : memref<!tpu.dma_semaphore, #tpu.memory_space<semaphore_mem>>) src(%arg5 : memref<80xf32, #tpu.memory_space<vmem>>) dst(%dma_wait3A_107 : memref<10240xf32, #tpu.memory_space<vmem_shared>>)
    %dma_wait3A_108 = arith.constant 0 : i32
    %dma_wait3A_109 = arith.constant 0 : i32
    %dma_wait3A_110 = tpu.memref_slice %arg4[%dma_wait3A_108, %dma_wait3A_109] : memref<125x80xi32, #tpu.memory_space<vmem>> -> memref<1x80xi32, #tpu.memory_space<vmem>>
    %dma_wait3A_111 = tpu.memref_squeeze %dma_wait3A_110 : memref<1x80xi32, #tpu.memory_space<vmem>> -> memref<80xi32, #tpu.memory_space<vmem>>
    %dma_wait3A_112 = arith.constant 0 : i32
    %dma_wait3A_113 = tpu.memref_slice %arg7[%dma_wait3A_112] : memref<10240xf32, #tpu.memory_space<vmem_shared>> -> memref<10240xf32, #tpu.memory_space<vmem_shared>>
    tpu.wait_indirect_dma semaphore(%arg8 : memref<!tpu.dma_semaphore, #tpu.memory_space<semaphore_mem>>) src(%arg5 : memref<80xf32, #tpu.memory_space<vmem>>) dst(%dma_wait3A_113 : memref<10240xf32, #tpu.memory_space<vmem_shared>>)
    %dma_wait3A_114 = arith.constant 0 : i32
    %dma_wait3A_115 = arith.constant 0 : i32
    %dma_wait3A_116 = tpu.memref_slice %arg4[%dma_wait3A_114, %dma_wait3A_115] : memref<125x80xi32, #tpu.memory_space<vmem>> -> memref<1x80xi32, #tpu.memory_space<vmem>>
    %dma_wait3A_117 = tpu.memref_squeeze %dma_wait3A_116 : memref<1x80xi32, #tpu.memory_space<vmem>> -> memref<80xi32, #tpu.memory_space<vmem>>
    %dma_wait3A_118 = arith.constant 0 : i32
    %dma_wait3A_119 = tpu.memref_slice %arg7[%dma_wait3A_118] : memref<10240xf32, #tpu.memory_space<vmem_shared>> -> memref<10240xf32, #tpu.memory_space<vmem_shared>>
    tpu.wait_indirect_dma semaphore(%arg8 : memref<!tpu.dma_semaphore, #tpu.memory_space<semaphore_mem>>) src(%arg5 : memref<80xf32, #tpu.memory_space<vmem>>) dst(%dma_wait3A_119 : memref<10240xf32, #tpu.memory_space<vmem_shared>>)
    %dma_wait3A_120 = arith.constant 0 : i32
    %dma_wait3A_121 = arith.constant 0 : i32
    %dma_wait3A_122 = tpu.memref_slice %arg4[%dma_wait3A_120, %dma_wait3A_121] : memref<125x80xi32, #tpu.memory_space<vmem>> -> memref<1x80xi32, #tpu.memory_space<vmem>>
    %dma_wait3A_123 = tpu.memref_squeeze %dma_wait3A_122 : memref<1x80xi32, #tpu.memory_space<vmem>> -> memref<80xi32, #tpu.memory_space<vmem>>
    %dma_wait3A_124 = arith.constant 0 : i32
    %dma_wait3A_125 = tpu.memref_slice %arg7[%dma_wait3A_124] : memref<10240xf32, #tpu.memory_space<vmem_shared>> -> memref<10240xf32, #tpu.memory_space<vmem_shared>>
    tpu.wait_indirect_dma semaphore(%arg8 : memref<!tpu.dma_semaphore, #tpu.memory_space<semaphore_mem>>) src(%arg5 : memref<80xf32, #tpu.memory_space<vmem>>) dst(%dma_wait3A_125 : memref<10240xf32, #tpu.memory_space<vmem_shared>>)
    %dma_wait3A_126 = arith.constant 0 : i32
    %dma_wait3A_127 = arith.constant 0 : i32
    %dma_wait3A_128 = tpu.memref_slice %arg4[%dma_wait3A_126, %dma_wait3A_127] : memref<125x80xi32, #tpu.memory_space<vmem>> -> memref<1x80xi32, #tpu.memory_space<vmem>>
    %dma_wait3A_129 = tpu.memref_squeeze %dma_wait3A_128 : memref<1x80xi32, #tpu.memory_space<vmem>> -> memref<80xi32, #tpu.memory_space<vmem>>
    %dma_wait3A_130 = arith.constant 0 : i32
    %dma_wait3A_131 = tpu.memref_slice %arg7[%dma_wait3A_130] : memref<10240xf32, #tpu.memory_space<vmem_shared>> -> memref<10240xf32, #tpu.memory_space<vmem_shared>>
    tpu.wait_indirect_dma semaphore(%arg8 : memref<!tpu.dma_semaphore, #tpu.memory_space<semaphore_mem>>) src(%arg5 : memref<80xf32, #tpu.memory_space<vmem>>) dst(%dma_wait3A_131 : memref<10240xf32, #tpu.memory_space<vmem_shared>>)
    %dma_wait3A_132 = arith.constant 0 : i32
    %dma_wait3A_133 = arith.constant 0 : i32
    %dma_wait3A_134 = tpu.memref_slice %arg4[%dma_wait3A_132, %dma_wait3A_133] : memref<125x80xi32, #tpu.memory_space<vmem>> -> memref<1x80xi32, #tpu.memory_space<vmem>>
    %dma_wait3A_135 = tpu.memref_squeeze %dma_wait3A_134 : memref<1x80xi32, #tpu.memory_space<vmem>> -> memref<80xi32, #tpu.memory_space<vmem>>
    %dma_wait3A_136 = arith.constant 0 : i32
    %dma_wait3A_137 = tpu.memref_slice %arg7[%dma_wait3A_136] : memref<10240xf32, #tpu.memory_space<vmem_shared>> -> memref<10240xf32, #tpu.memory_space<vmem_shared>>
    tpu.wait_indirect_dma semaphore(%arg8 : memref<!tpu.dma_semaphore, #tpu.memory_space<semaphore_mem>>) src(%arg5 : memref<80xf32, #tpu.memory_space<vmem>>) dst(%dma_wait3A_137 : memref<10240xf32, #tpu.memory_space<vmem_shared>>)
    %dma_wait3A_138 = arith.constant 0 : i32
    %dma_wait3A_139 = arith.constant 0 : i32
    %dma_wait3A_140 = tpu.memref_slice %arg4[%dma_wait3A_138, %dma_wait3A_139] : memref<125x80xi32, #tpu.memory_space<vmem>> -> memref<1x80xi32, #tpu.memory_space<vmem>>
    %dma_wait3A_141 = tpu.memref_squeeze %dma_wait3A_140 : memref<1x80xi32, #tpu.memory_space<vmem>> -> memref<80xi32, #tpu.memory_space<vmem>>
    %dma_wait3A_142 = arith.constant 0 : i32
    %dma_wait3A_143 = tpu.memref_slice %arg7[%dma_wait3A_142] : memref<10240xf32, #tpu.memory_space<vmem_shared>> -> memref<10240xf32, #tpu.memory_space<vmem_shared>>
    tpu.wait_indirect_dma semaphore(%arg8 : memref<!tpu.dma_semaphore, #tpu.memory_space<semaphore_mem>>) src(%arg5 : memref<80xf32, #tpu.memory_space<vmem>>) dst(%dma_wait3A_143 : memref<10240xf32, #tpu.memory_space<vmem_shared>>)
    %dma_wait3A_144 = arith.constant 0 : i32
    %dma_wait3A_145 = arith.constant 0 : i32
    %dma_wait3A_146 = tpu.memref_slice %arg4[%dma_wait3A_144, %dma_wait3A_145] : memref<125x80xi32, #tpu.memory_space<vmem>> -> memref<1x80xi32, #tpu.memory_space<vmem>>
    %dma_wait3A_147 = tpu.memref_squeeze %dma_wait3A_146 : memref<1x80xi32, #tpu.memory_space<vmem>> -> memref<80xi32, #tpu.memory_space<vmem>>
    %dma_wait3A_148 = arith.constant 0 : i32
    %dma_wait3A_149 = tpu.memref_slice %arg7[%dma_wait3A_148] : memref<10240xf32, #tpu.memory_space<vmem_shared>> -> memref<10240xf32, #tpu.memory_space<vmem_shared>>
    tpu.wait_indirect_dma semaphore(%arg8 : memref<!tpu.dma_semaphore, #tpu.memory_space<semaphore_mem>>) src(%arg5 : memref<80xf32, #tpu.memory_space<vmem>>) dst(%dma_wait3A_149 : memref<10240xf32, #tpu.memory_space<vmem_shared>>)
    %barrier3A_150 = arith.constant 0 : index
    tpu.barrier barrier_id(%barrier3A_150)
    %mul3A_151 = arith.constant 640 : i32
    %mul3A_152 = arith.muli %arg1, %mul3A_151 : i32
    %mul3A_153 = arith.constant 640 : i32
    %mul3A_154 = arith.muli %arg1, %mul3A_153 : i32
    "tpu.region"() ({
      %run_scoped3A = tpu.sem_alloc : memref<!tpu.dma_semaphore, #tpu.memory_space<semaphore_mem>>
      %dma_start3A_155 = tpu.memref_slice %arg3[%arg0, %mul3A_154] : memref<2x10240xf32, #tpu.memory_space<hbm>> -> memref<1x640xf32, #tpu.memory_space<hbm>>
      %dma_start3A_156 = tpu.memref_squeeze %dma_start3A_155 : memref<1x640xf32, #tpu.memory_space<hbm>> -> memref<640xf32, #tpu.memory_space<hbm>>
      %dma_start3A_157 = tpu.memref_slice %arg7[%mul3A_152] : memref<10240xf32, #tpu.memory_space<vmem_shared>> -> memref<640xf32, #tpu.memory_space<vmem_shared>>
      tpu.enqueue_dma source(%dma_start3A_157 : memref<640xf32, #tpu.memory_space<vmem_shared>>) target(%dma_start3A_156 : memref<640xf32, #tpu.memory_space<hbm>>) target_semaphore(%run_scoped3A : memref<!tpu.dma_semaphore, #tpu.memory_space<semaphore_mem>>)
      %dma_wait3A_158 = tpu.memref_slice %arg3[%arg0, %mul3A_154] : memref<2x10240xf32, #tpu.memory_space<hbm>> -> memref<1x640xf32, #tpu.memory_space<hbm>>
      %dma_wait3A_159 = tpu.memref_squeeze %dma_wait3A_158 : memref<1x640xf32, #tpu.memory_space<hbm>> -> memref<640xf32, #tpu.memory_space<hbm>>
      %dma_wait3A_160 = tpu.memref_slice %arg7[%mul3A_152] : memref<10240xf32, #tpu.memory_space<vmem_shared>> -> memref<640xf32, #tpu.memory_space<vmem_shared>>
      tpu.wait_dma2 semaphore(%run_scoped3A : memref<!tpu.dma_semaphore, #tpu.memory_space<semaphore_mem>>) src(%dma_wait3A_160 : memref<640xf32, #tpu.memory_space<vmem_shared>>) dst(%dma_wait3A_159 : memref<640xf32, #tpu.memory_space<hbm>>)
      tpu.yield
    }) : () -> ()
    return
  }
}

#map = affine_map<(d0, d1) -> (0, 0)>
#map1 = affine_map<(d0, d1) -> (0, 0, 0, 0)>
#map2 = affine_map<(d0, d1) -> (0, 0, 0)>
module attributes {stable_mosaic.version = 14 : i64} {
  func.func @_scatter_sc(%arg0: i32, %arg1: i32, %arg2: memref<10000x40xf32, #tpu.memory_space<hbm>>, %arg3: memref<2x32x125x80xi32, #tpu.memory_space<hbm>>, %arg4: memref<2x10000x40xf32, #tpu.memory_space<hbm>>, %arg5: memref<125x80xi32, #tpu.memory_space<vmem>>, %arg6: memref<125x80xi32, #tpu.memory_space<vmem>>, %arg7: memref<5x80x40xf32, #tpu.memory_space<vmem>>, %arg8: memref<160x40xf32, #tpu.memory_space<vmem>>, %arg9: memref<10240x40xf32, #tpu.memory_space<vmem_shared>>, %arg10: memref<!tpu.dma_semaphore, #tpu.memory_space<semaphore_mem>>, %arg11: memref<!tpu.dma_semaphore, #tpu.memory_space<semaphore_mem>>, %arg12: memref<!tpu.dma_semaphore, #tpu.memory_space<semaphore_mem>>, %arg13: memref<!tpu.dma_semaphore, #tpu.memory_space<semaphore_mem>>, %arg14: memref<!tpu.dma_semaphore, #tpu.memory_space<semaphore_mem>>, %arg15: memref<!tpu.dma_semaphore, #tpu.memory_space<semaphore_mem>>, %arg16: memref<!tpu.dma_semaphore, #tpu.memory_space<semaphore_mem>>, %arg17: memref<!tpu.dma_semaphore, #tpu.memory_space<semaphore_mem>>, %arg18: memref<!tpu.dma_semaphore, #tpu.memory_space<semaphore_mem>>, %arg19: memref<!tpu.dma_semaphore, #tpu.memory_space<semaphore_mem>>, %arg20: memref<!tpu.dma_semaphore, #tpu.memory_space<semaphore_mem>>) attributes {dimension_semantics = [#tpu.dimension_semantics<core_parallel>, #tpu.dimension_semantics<subcore_parallel>], iteration_bounds = array<i64: 2, 16>, scalar_prefetch = 0 : i64, scratch_operands = 16 : i64, tpu.core_type = #tpu.core_type<sc_vector_subcore>, window_params = [{transform_indices = #map}, {transform_indices = #map1}, {transform_indices = #map2}]} {
    %mul3A = arith.constant 16 : i32
    %mul3A_0 = arith.muli %arg0, %mul3A : i32
    %add3A = arith.addi %mul3A_0, %arg1 : i32
    %dma_start3A = arith.constant 0 : i32
    %dma_start3A_1 = arith.constant 0 : i32
    %dma_start3A_2 = arith.constant 0 : i32
    %dma_start3A_3 = tpu.memref_slice %arg3[%dma_start3A, %add3A, %dma_start3A_1, %dma_start3A_2] : memref<2x32x125x80xi32, #tpu.memory_space<hbm>> -> memref<1x1x125x80xi32, #tpu.memory_space<hbm>>
    %dma_start3A_4 = tpu.memref_squeeze %dma_start3A_3 : memref<1x1x125x80xi32, #tpu.memory_space<hbm>> -> memref<125x80xi32, #tpu.memory_space<hbm>>
    %dma_start3A_5 = arith.constant 0 : i32
    %dma_start3A_6 = arith.constant 0 : i32
    %dma_start3A_7 = tpu.memref_slice %arg3[%dma_start3A, %add3A, %dma_start3A_5, %dma_start3A_6] : memref<2x32x125x80xi32, #tpu.memory_space<hbm>> -> memref<1x1x125x80xi32, #tpu.memory_space<hbm>>
    %dma_start3A_8 = tpu.memref_squeeze %dma_start3A_7 : memref<1x1x125x80xi32, #tpu.memory_space<hbm>> -> memref<125x80xi32, #tpu.memory_space<hbm>>
    tpu.enqueue_dma source(%dma_start3A_8 : memref<125x80xi32, #tpu.memory_space<hbm>>) target(%arg5 : memref<125x80xi32, #tpu.memory_space<vmem>>) target_semaphore(%arg10 : memref<!tpu.dma_semaphore, #tpu.memory_space<semaphore_mem>>)
    %dma_start3A_9 = arith.constant 1 : i32
    %dma_start3A_10 = arith.constant 0 : i32
    %dma_start3A_11 = arith.constant 0 : i32
    %dma_start3A_12 = tpu.memref_slice %arg3[%dma_start3A_9, %add3A, %dma_start3A_10, %dma_start3A_11] : memref<2x32x125x80xi32, #tpu.memory_space<hbm>> -> memref<1x1x125x80xi32, #tpu.memory_space<hbm>>
    %dma_start3A_13 = tpu.memref_squeeze %dma_start3A_12 : memref<1x1x125x80xi32, #tpu.memory_space<hbm>> -> memref<125x80xi32, #tpu.memory_space<hbm>>
    %dma_start3A_14 = arith.constant 0 : i32
    %dma_start3A_15 = arith.constant 0 : i32
    %dma_start3A_16 = tpu.memref_slice %arg3[%dma_start3A_9, %add3A, %dma_start3A_14, %dma_start3A_15] : memref<2x32x125x80xi32, #tpu.memory_space<hbm>> -> memref<1x1x125x80xi32, #tpu.memory_space<hbm>>
    %dma_start3A_17 = tpu.memref_squeeze %dma_start3A_16 : memref<1x1x125x80xi32, #tpu.memory_space<hbm>> -> memref<125x80xi32, #tpu.memory_space<hbm>>
    tpu.enqueue_dma source(%dma_start3A_17 : memref<125x80xi32, #tpu.memory_space<hbm>>) target(%arg6 : memref<125x80xi32, #tpu.memory_space<vmem>>) target_semaphore(%arg11 : memref<!tpu.dma_semaphore, #tpu.memory_space<semaphore_mem>>)
    %broadcast_in_dim3A = arith.constant 0.000000e+00 : f32
    %broadcast_in_dim3A_18 = vector.broadcast %broadcast_in_dim3A : f32 to vector<16xf32>
    %scan3A = arith.constant 0 : i32
    %scan3A_19 = arith.constant 160 : i32
    %scan3A_20 = arith.addi %scan3A, %scan3A_19 : i32
    %scan3A_21 = arith.constant 1 : i32
    scf.for %scan3A_228 = %scan3A to %scan3A_20 step %scan3A_21  : i32 {
      %mul3A_229 = arith.constant 1 : i32
      %mul3A_230 = arith.muli %scan3A_228, %mul3A_229 : i32
      %add3A_231 = arith.constant 0 : i32
      %add3A_232 = arith.addi %add3A_231, %mul3A_230 : i32
      %swap3A = arith.index_cast %add3A_232 : i32 to index
      %swap3A_233 = arith.constant 0 : index
      %swap3A_234 = tpu.vector_load %arg8[%swap3A, %swap3A_233] {strides = array<i32>} : memref<160x40xf32, #tpu.memory_space<vmem>>, vector<1x16xf32>,
      %swap3A_235 = vector.shape_cast %swap3A_234 : vector<1x16xf32> to vector<16xf32>
      %swap3A_236 = vector.shape_cast %broadcast_in_dim3A_18 : vector<16xf32> to vector<1x16xf32>
      tpu.vector_store %arg8[%swap3A, %swap3A_233], %swap3A_236 {strides = array<i32>} : memref<160x40xf32, #tpu.memory_space<vmem>>, vector<1x16xf32>,
      %swap3A_237 = arith.index_cast %add3A_232 : i32 to index
      %swap3A_238 = arith.constant 16 : index
      %swap3A_239 = tpu.vector_load %arg8[%swap3A_237, %swap3A_238] {strides = array<i32>} : memref<160x40xf32, #tpu.memory_space<vmem>>, vector<1x16xf32>,
      %swap3A_240 = vector.shape_cast %swap3A_239 : vector<1x16xf32> to vector<16xf32>
      %swap3A_241 = vector.shape_cast %broadcast_in_dim3A_18 : vector<16xf32> to vector<1x16xf32>
      tpu.vector_store %arg8[%swap3A_237, %swap3A_238], %swap3A_241 {strides = array<i32>} : memref<160x40xf32, #tpu.memory_space<vmem>>, vector<1x16xf32>,
      %swap3A_242 = arith.index_cast %add3A_232 : i32 to index
      %swap3A_243 = arith.constant 24 : index
      %swap3A_244 = tpu.vector_load %arg8[%swap3A_242, %swap3A_243] {strides = array<i32>} : memref<160x40xf32, #tpu.memory_space<vmem>>, vector<1x16xf32>,
      %swap3A_245 = vector.shape_cast %swap3A_244 : vector<1x16xf32> to vector<16xf32>
      %swap3A_246 = vector.shape_cast %broadcast_in_dim3A_18 : vector<16xf32> to vector<1x16xf32>
      tpu.vector_store %arg8[%swap3A_242, %swap3A_243], %swap3A_246 {strides = array<i32>} : memref<160x40xf32, #tpu.memory_space<vmem>>, vector<1x16xf32>,
    }
    %scan3A_22 = arith.constant 160 : i32
    %mul3A_23 = arith.constant 640 : i32
    %mul3A_24 = arith.muli %arg1, %mul3A_23 : i32
    %add3A_25 = arith.constant 0 : i32
    %add3A_26 = arith.addi %mul3A_24, %add3A_25 : i32
    %dma_start3A_27 = arith.constant 0 : i32
    %dma_start3A_28 = tpu.memref_slice %arg9[%add3A_26, %dma_start3A_27] : memref<10240x40xf32, #tpu.memory_space<vmem_shared>> -> memref<160x40xf32, #tpu.memory_space<vmem_shared>>
    %dma_start3A_29 = arith.constant 0 : i32
    %dma_start3A_30 = tpu.memref_slice %arg9[%add3A_26, %dma_start3A_29] : memref<10240x40xf32, #tpu.memory_space<vmem_shared>> -> memref<160x40xf32, #tpu.memory_space<vmem_shared>>
    tpu.enqueue_dma source(%arg8 : memref<160x40xf32, #tpu.memory_space<vmem>>) target(%dma_start3A_30 : memref<160x40xf32, #tpu.memory_space<vmem_shared>>) target_semaphore(%arg20 : memref<!tpu.dma_semaphore, #tpu.memory_space<semaphore_mem>>)
    %mul3A_31 = arith.constant 640 : i32
    %mul3A_32 = arith.muli %arg1, %mul3A_31 : i32
    %add3A_33 = arith.constant 160 : i32
    %add3A_34 = arith.addi %mul3A_32, %add3A_33 : i32
    %dma_start3A_35 = arith.constant 0 : i32
    %dma_start3A_36 = tpu.memref_slice %arg9[%add3A_34, %dma_start3A_35] : memref<10240x40xf32, #tpu.memory_space<vmem_shared>> -> memref<160x40xf32, #tpu.memory_space<vmem_shared>>
    %dma_start3A_37 = arith.constant 0 : i32
    %dma_start3A_38 = tpu.memref_slice %arg9[%add3A_34, %dma_start3A_37] : memref<10240x40xf32, #tpu.memory_space<vmem_shared>> -> memref<160x40xf32, #tpu.memory_space<vmem_shared>>
    tpu.enqueue_dma source(%arg8 : memref<160x40xf32, #tpu.memory_space<vmem>>) target(%dma_start3A_38 : memref<160x40xf32, #tpu.memory_space<vmem_shared>>) target_semaphore(%arg20 : memref<!tpu.dma_semaphore, #tpu.memory_space<semaphore_mem>>)
    %mul3A_39 = arith.constant 640 : i32
    %mul3A_40 = arith.muli %arg1, %mul3A_39 : i32
    %add3A_41 = arith.constant 320 : i32
    %add3A_42 = arith.addi %mul3A_40, %add3A_41 : i32
    %dma_start3A_43 = arith.constant 0 : i32
    %dma_start3A_44 = tpu.memref_slice %arg9[%add3A_42, %dma_start3A_43] : memref<10240x40xf32, #tpu.memory_space<vmem_shared>> -> memref<160x40xf32, #tpu.memory_space<vmem_shared>>
    %dma_start3A_45 = arith.constant 0 : i32
    %dma_start3A_46 = tpu.memref_slice %arg9[%add3A_42, %dma_start3A_45] : memref<10240x40xf32, #tpu.memory_space<vmem_shared>> -> memref<160x40xf32, #tpu.memory_space<vmem_shared>>
    tpu.enqueue_dma source(%arg8 : memref<160x40xf32, #tpu.memory_space<vmem>>) target(%dma_start3A_46 : memref<160x40xf32, #tpu.memory_space<vmem_shared>>) target_semaphore(%arg20 : memref<!tpu.dma_semaphore, #tpu.memory_space<semaphore_mem>>)
    %mul3A_47 = arith.constant 640 : i32
    %mul3A_48 = arith.muli %arg1, %mul3A_47 : i32
    %add3A_49 = arith.constant 480 : i32
    %add3A_50 = arith.addi %mul3A_48, %add3A_49 : i32
    %dma_start3A_51 = arith.constant 0 : i32
    %dma_start3A_52 = tpu.memref_slice %arg9[%add3A_50, %dma_start3A_51] : memref<10240x40xf32, #tpu.memory_space<vmem_shared>> -> memref<160x40xf32, #tpu.memory_space<vmem_shared>>
    %dma_start3A_53 = arith.constant 0 : i32
    %dma_start3A_54 = tpu.memref_slice %arg9[%add3A_50, %dma_start3A_53] : memref<10240x40xf32, #tpu.memory_space<vmem_shared>> -> memref<160x40xf32, #tpu.memory_space<vmem_shared>>
    tpu.enqueue_dma source(%arg8 : memref<160x40xf32, #tpu.memory_space<vmem>>) target(%dma_start3A_54 : memref<160x40xf32, #tpu.memory_space<vmem_shared>>) target_semaphore(%arg20 : memref<!tpu.dma_semaphore, #tpu.memory_space<semaphore_mem>>)
    %mul3A_55 = arith.constant 640 : i32
    %mul3A_56 = arith.muli %arg1, %mul3A_55 : i32
    %dma_wait3A = arith.constant 0 : i32
    %dma_wait3A_57 = tpu.memref_slice %arg9[%mul3A_56, %dma_wait3A] : memref<10240x40xf32, #tpu.memory_space<vmem_shared>> -> memref<160x40xf32, #tpu.memory_space<vmem_shared>>
    %dma_wait3A_58 = arith.constant 0 : i32
    %dma_wait3A_59 = tpu.memref_slice %arg9[%mul3A_56, %dma_wait3A_58] : memref<10240x40xf32, #tpu.memory_space<vmem_shared>> -> memref<160x40xf32, #tpu.memory_space<vmem_shared>>
    tpu.wait_dma2 semaphore(%arg20 : memref<!tpu.dma_semaphore, #tpu.memory_space<semaphore_mem>>) src(%arg8 : memref<160x40xf32, #tpu.memory_space<vmem>>) dst(%dma_wait3A_59 : memref<160x40xf32, #tpu.memory_space<vmem_shared>>)
    %mul3A_60 = arith.constant 640 : i32
    %mul3A_61 = arith.muli %arg1, %mul3A_60 : i32
    %dma_wait3A_62 = arith.constant 0 : i32
    %dma_wait3A_63 = tpu.memref_slice %arg9[%mul3A_61, %dma_wait3A_62] : memref<10240x40xf32, #tpu.memory_space<vmem_shared>> -> memref<160x40xf32, #tpu.memory_space<vmem_shared>>
    %dma_wait3A_64 = arith.constant 0 : i32
    %dma_wait3A_65 = tpu.memref_slice %arg9[%mul3A_61, %dma_wait3A_64] : memref<10240x40xf32, #tpu.memory_space<vmem_shared>> -> memref<160x40xf32, #tpu.memory_space<vmem_shared>>
    tpu.wait_dma2 semaphore(%arg20 : memref<!tpu.dma_semaphore, #tpu.memory_space<semaphore_mem>>) src(%arg8 : memref<160x40xf32, #tpu.memory_space<vmem>>) dst(%dma_wait3A_65 : memref<160x40xf32, #tpu.memory_space<vmem_shared>>)
    %mul3A_66 = arith.constant 640 : i32
    %mul3A_67 = arith.muli %arg1, %mul3A_66 : i32
    %dma_wait3A_68 = arith.constant 0 : i32
    %dma_wait3A_69 = tpu.memref_slice %arg9[%mul3A_67, %dma_wait3A_68] : memref<10240x40xf32, #tpu.memory_space<vmem_shared>> -> memref<160x40xf32, #tpu.memory_space<vmem_shared>>
    %dma_wait3A_70 = arith.constant 0 : i32
    %dma_wait3A_71 = tpu.memref_slice %arg9[%mul3A_67, %dma_wait3A_70] : memref<10240x40xf32, #tpu.memory_space<vmem_shared>> -> memref<160x40xf32, #tpu.memory_space<vmem_shared>>
    tpu.wait_dma2 semaphore(%arg20 : memref<!tpu.dma_semaphore, #tpu.memory_space<semaphore_mem>>) src(%arg8 : memref<160x40xf32, #tpu.memory_space<vmem>>) dst(%dma_wait3A_71 : memref<160x40xf32, #tpu.memory_space<vmem_shared>>)
    %mul3A_72 = arith.constant 640 : i32
    %mul3A_73 = arith.muli %arg1, %mul3A_72 : i32
    %dma_wait3A_74 = arith.constant 0 : i32
    %dma_wait3A_75 = tpu.memref_slice %arg9[%mul3A_73, %dma_wait3A_74] : memref<10240x40xf32, #tpu.memory_space<vmem_shared>> -> memref<160x40xf32, #tpu.memory_space<vmem_shared>>
    %dma_wait3A_76 = arith.constant 0 : i32
    %dma_wait3A_77 = tpu.memref_slice %arg9[%mul3A_73, %dma_wait3A_76] : memref<10240x40xf32, #tpu.memory_space<vmem_shared>> -> memref<160x40xf32, #tpu.memory_space<vmem_shared>>
    tpu.wait_dma2 semaphore(%arg20 : memref<!tpu.dma_semaphore, #tpu.memory_space<semaphore_mem>>) src(%arg8 : memref<160x40xf32, #tpu.memory_space<vmem>>) dst(%dma_wait3A_77 : memref<160x40xf32, #tpu.memory_space<vmem_shared>>)
    %dma_wait3A_78 = arith.constant 0 : i32
    %dma_wait3A_79 = arith.constant 0 : i32
    %dma_wait3A_80 = arith.constant 0 : i32
    %dma_wait3A_81 = tpu.memref_slice %arg3[%dma_wait3A_78, %add3A, %dma_wait3A_79, %dma_wait3A_80] : memref<2x32x125x80xi32, #tpu.memory_space<hbm>> -> memref<1x1x125x80xi32, #tpu.memory_space<hbm>>
    %dma_wait3A_82 = tpu.memref_squeeze %dma_wait3A_81 : memref<1x1x125x80xi32, #tpu.memory_space<hbm>> -> memref<125x80xi32, #tpu.memory_space<hbm>>
    %dma_wait3A_83 = arith.constant 0 : i32
    %dma_wait3A_84 = arith.constant 0 : i32
    %dma_wait3A_85 = tpu.memref_slice %arg3[%dma_wait3A_78, %add3A, %dma_wait3A_83, %dma_wait3A_84] : memref<2x32x125x80xi32, #tpu.memory_space<hbm>> -> memref<1x1x125x80xi32, #tpu.memory_space<hbm>>
    %dma_wait3A_86 = tpu.memref_squeeze %dma_wait3A_85 : memref<1x1x125x80xi32, #tpu.memory_space<hbm>> -> memref<125x80xi32, #tpu.memory_space<hbm>>
    tpu.wait_dma2 semaphore(%arg10 : memref<!tpu.dma_semaphore, #tpu.memory_space<semaphore_mem>>) src(%dma_wait3A_86 : memref<125x80xi32, #tpu.memory_space<hbm>>) dst(%arg5 : memref<125x80xi32, #tpu.memory_space<vmem>>)
    %dma_wait3A_87 = arith.constant 1 : i32
    %dma_wait3A_88 = arith.constant 0 : i32
    %dma_wait3A_89 = arith.constant 0 : i32
    %dma_wait3A_90 = tpu.memref_slice %arg3[%dma_wait3A_87, %add3A, %dma_wait3A_88, %dma_wait3A_89] : memref<2x32x125x80xi32, #tpu.memory_space<hbm>> -> memref<1x1x125x80xi32, #tpu.memory_space<hbm>>
    %dma_wait3A_91 = tpu.memref_squeeze %dma_wait3A_90 : memref<1x1x125x80xi32, #tpu.memory_space<hbm>> -> memref<125x80xi32, #tpu.memory_space<hbm>>
    %dma_wait3A_92 = arith.constant 0 : i32
    %dma_wait3A_93 = arith.constant 0 : i32
    %dma_wait3A_94 = tpu.memref_slice %arg3[%dma_wait3A_87, %add3A, %dma_wait3A_92, %dma_wait3A_93] : memref<2x32x125x80xi32, #tpu.memory_space<hbm>> -> memref<1x1x125x80xi32, #tpu.memory_space<hbm>>
    %dma_wait3A_95 = tpu.memref_squeeze %dma_wait3A_94 : memref<1x1x125x80xi32, #tpu.memory_space<hbm>> -> memref<125x80xi32, #tpu.memory_space<hbm>>
    tpu.wait_dma2 semaphore(%arg11 : memref<!tpu.dma_semaphore, #tpu.memory_space<semaphore_mem>>) src(%dma_wait3A_95 : memref<125x80xi32, #tpu.memory_space<hbm>>) dst(%arg6 : memref<125x80xi32, #tpu.memory_space<vmem>>)
    %barrier3A = arith.constant 0 : index
    tpu.barrier barrier_id(%barrier3A)
    %dma_start3A_96 = arith.constant 0 : i32
    %dma_start3A_97 = arith.constant 0 : i32
    %dma_start3A_98 = arith.constant 0 : i32
    %dma_start3A_99 = arith.constant 0 : i32
    %dma_start3A_100 = tpu.memref_slice %arg7[%dma_start3A_97, %dma_start3A_98, %dma_start3A_99] : memref<5x80x40xf32, #tpu.memory_space<vmem>> -> memref<1x80x40xf32, #tpu.memory_space<vmem>>
    %dma_start3A_101 = tpu.memref_squeeze %dma_start3A_100 : memref<1x80x40xf32, #tpu.memory_space<vmem>> -> memref<80x40xf32, #tpu.memory_space<vmem>>
    %dma_start3A_102 = arith.constant 0 : i32
    %dma_start3A_103 = tpu.memref_slice %arg5[%dma_start3A_96, %dma_start3A_102] : memref<125x80xi32, #tpu.memory_space<vmem>> -> memref<1x80xi32, #tpu.memory_space<vmem>>
    %dma_start3A_104 = tpu.memref_squeeze %dma_start3A_103 : memref<1x80xi32, #tpu.memory_space<vmem>> -> memref<80xi32, #tpu.memory_space<vmem>>
    %dma_start3A_105 = arith.constant 0 : i32
    %dma_start3A_106 = arith.constant 0 : i32
    %dma_start3A_107 = tpu.memref_slice %arg2[%dma_start3A_105, %dma_start3A_106] : memref<10000x40xf32, #tpu.memory_space<hbm>> -> memref<10000x40xf32, #tpu.memory_space<hbm>>
    tpu.enqueue_indirect_dma source(%dma_start3A_107 : memref<10000x40xf32, #tpu.memory_space<hbm>>) target(%dma_start3A_101 : memref<80x40xf32, #tpu.memory_space<vmem>>) offsets(%dma_start3A_104 : memref<80xi32, #tpu.memory_space<vmem>>) semaphore(%arg10 : memref<!tpu.dma_semaphore, #tpu.memory_space<semaphore_mem>>)
    %dma_start3A_108 = arith.constant 1 : i32
    %dma_start3A_109 = arith.constant 1 : i32
    %dma_start3A_110 = arith.constant 0 : i32
    %dma_start3A_111 = arith.constant 0 : i32
    %dma_start3A_112 = tpu.memref_slice %arg7[%dma_start3A_109, %dma_start3A_110, %dma_start3A_111] : memref<5x80x40xf32, #tpu.memory_space<vmem>> -> memref<1x80x40xf32, #tpu.memory_space<vmem>>
    %dma_start3A_113 = tpu.memref_squeeze %dma_start3A_112 : memref<1x80x40xf32, #tpu.memory_space<vmem>> -> memref<80x40xf32, #tpu.memory_space<vmem>>
    %dma_start3A_114 = arith.constant 0 : i32
    %dma_start3A_115 = tpu.memref_slice %arg5[%dma_start3A_108, %dma_start3A_114] : memref<125x80xi32, #tpu.memory_space<vmem>> -> memref<1x80xi32, #tpu.memory_space<vmem>>
    %dma_start3A_116 = tpu.memref_squeeze %dma_start3A_115 : memref<1x80xi32, #tpu.memory_space<vmem>> -> memref<80xi32, #tpu.memory_space<vmem>>
    %dma_start3A_117 = arith.constant 0 : i32
    %dma_start3A_118 = arith.constant 0 : i32
    %dma_start3A_119 = tpu.memref_slice %arg2[%dma_start3A_117, %dma_start3A_118] : memref<10000x40xf32, #tpu.memory_space<hbm>> -> memref<10000x40xf32, #tpu.memory_space<hbm>>
    tpu.enqueue_indirect_dma source(%dma_start3A_119 : memref<10000x40xf32, #tpu.memory_space<hbm>>) target(%dma_start3A_113 : memref<80x40xf32, #tpu.memory_space<vmem>>) offsets(%dma_start3A_116 : memref<80xi32, #tpu.memory_space<vmem>>) semaphore(%arg11 : memref<!tpu.dma_semaphore, #tpu.memory_space<semaphore_mem>>)
    %dma_start3A_120 = arith.constant 2 : i32
    %dma_start3A_121 = arith.constant 2 : i32
    %dma_start3A_122 = arith.constant 0 : i32
    %dma_start3A_123 = arith.constant 0 : i32
    %dma_start3A_124 = tpu.memref_slice %arg7[%dma_start3A_121, %dma_start3A_122, %dma_start3A_123] : memref<5x80x40xf32, #tpu.memory_space<vmem>> -> memref<1x80x40xf32, #tpu.memory_space<vmem>>
    %dma_start3A_125 = tpu.memref_squeeze %dma_start3A_124 : memref<1x80x40xf32, #tpu.memory_space<vmem>> -> memref<80x40xf32, #tpu.memory_space<vmem>>
    %dma_start3A_126 = arith.constant 0 : i32
    %dma_start3A_127 = tpu.memref_slice %arg5[%dma_start3A_120, %dma_start3A_126] : memref<125x80xi32, #tpu.memory_space<vmem>> -> memref<1x80xi32, #tpu.memory_space<vmem>>
    %dma_start3A_128 = tpu.memref_squeeze %dma_start3A_127 : memref<1x80xi32, #tpu.memory_space<vmem>> -> memref<80xi32, #tpu.memory_space<vmem>>
    %dma_start3A_129 = arith.constant 0 : i32
    %dma_start3A_130 = arith.constant 0 : i32
    %dma_start3A_131 = tpu.memref_slice %arg2[%dma_start3A_129, %dma_start3A_130] : memref<10000x40xf32, #tpu.memory_space<hbm>> -> memref<10000x40xf32, #tpu.memory_space<hbm>>
    tpu.enqueue_indirect_dma source(%dma_start3A_131 : memref<10000x40xf32, #tpu.memory_space<hbm>>) target(%dma_start3A_125 : memref<80x40xf32, #tpu.memory_space<vmem>>) offsets(%dma_start3A_128 : memref<80xi32, #tpu.memory_space<vmem>>) semaphore(%arg12 : memref<!tpu.dma_semaphore, #tpu.memory_space<semaphore_mem>>)
    %dma_start3A_132 = arith.constant 3 : i32
    %dma_start3A_133 = arith.constant 3 : i32
    %dma_start3A_134 = arith.constant 0 : i32
    %dma_start3A_135 = arith.constant 0 : i32
    %dma_start3A_136 = tpu.memref_slice %arg7[%dma_start3A_133, %dma_start3A_134, %dma_start3A_135] : memref<5x80x40xf32, #tpu.memory_space<vmem>> -> memref<1x80x40xf32, #tpu.memory_space<vmem>>
    %dma_start3A_137 = tpu.memref_squeeze %dma_start3A_136 : memref<1x80x40xf32, #tpu.memory_space<vmem>> -> memref<80x40xf32, #tpu.memory_space<vmem>>
    %dma_start3A_138 = arith.constant 0 : i32
    %dma_start3A_139 = tpu.memref_slice %arg5[%dma_start3A_132, %dma_start3A_138] : memref<125x80xi32, #tpu.memory_space<vmem>> -> memref<1x80xi32, #tpu.memory_space<vmem>>
    %dma_start3A_140 = tpu.memref_squeeze %dma_start3A_139 : memref<1x80xi32, #tpu.memory_space<vmem>> -> memref<80xi32, #tpu.memory_space<vmem>>
    %dma_start3A_141 = arith.constant 0 : i32
    %dma_start3A_142 = arith.constant 0 : i32
    %dma_start3A_143 = tpu.memref_slice %arg2[%dma_start3A_141, %dma_start3A_142] : memref<10000x40xf32, #tpu.memory_space<hbm>> -> memref<10000x40xf32, #tpu.memory_space<hbm>>
    tpu.enqueue_indirect_dma source(%dma_start3A_143 : memref<10000x40xf32, #tpu.memory_space<hbm>>) target(%dma_start3A_137 : memref<80x40xf32, #tpu.memory_space<vmem>>) offsets(%dma_start3A_140 : memref<80xi32, #tpu.memory_space<vmem>>) semaphore(%arg13 : memref<!tpu.dma_semaphore, #tpu.memory_space<semaphore_mem>>)
    %dma_start3A_144 = arith.constant 4 : i32
    %dma_start3A_145 = arith.constant 4 : i32
    %dma_start3A_146 = arith.constant 0 : i32
    %dma_start3A_147 = arith.constant 0 : i32
    %dma_start3A_148 = tpu.memref_slice %arg7[%dma_start3A_145, %dma_start3A_146, %dma_start3A_147] : memref<5x80x40xf32, #tpu.memory_space<vmem>> -> memref<1x80x40xf32, #tpu.memory_space<vmem>>
    %dma_start3A_149 = tpu.memref_squeeze %dma_start3A_148 : memref<1x80x40xf32, #tpu.memory_space<vmem>> -> memref<80x40xf32, #tpu.memory_space<vmem>>
    %dma_start3A_150 = arith.constant 0 : i32
    %dma_start3A_151 = tpu.memref_slice %arg5[%dma_start3A_144, %dma_start3A_150] : memref<125x80xi32, #tpu.memory_space<vmem>> -> memref<1x80xi32, #tpu.memory_space<vmem>>
    %dma_start3A_152 = tpu.memref_squeeze %dma_start3A_151 : memref<1x80xi32, #tpu.memory_space<vmem>> -> memref<80xi32, #tpu.memory_space<vmem>>
    %dma_start3A_153 = arith.constant 0 : i32
    %dma_start3A_154 = arith.constant 0 : i32
    %dma_start3A_155 = tpu.memref_slice %arg2[%dma_start3A_153, %dma_start3A_154] : memref<10000x40xf32, #tpu.memory_space<hbm>> -> memref<10000x40xf32, #tpu.memory_space<hbm>>
    tpu.enqueue_indirect_dma source(%dma_start3A_155 : memref<10000x40xf32, #tpu.memory_space<hbm>>) target(%dma_start3A_149 : memref<80x40xf32, #tpu.memory_space<vmem>>) offsets(%dma_start3A_152 : memref<80xi32, #tpu.memory_space<vmem>>) semaphore(%arg14 : memref<!tpu.dma_semaphore, #tpu.memory_space<semaphore_mem>>)
    %scan3A_156 = arith.constant 0 : i32
    %scan3A_157 = arith.constant 25 : i32
    %scan3A_158 = arith.addi %scan3A_156, %scan3A_157 : i32
    %scan3A_159 = arith.constant 1 : i32
    scf.for %scan3A_228 = %scan3A_156 to %scan3A_158 step %scan3A_159  : i32 {
      %mul3A_229 = arith.constant 1 : i32
      %mul3A_230 = arith.muli %scan3A_228, %mul3A_229 : i32
      %add3A_231 = arith.constant 0 : i32
      %add3A_232 = arith.addi %add3A_231, %mul3A_230 : i32
      %mul3A_233 = arith.constant 5 : i32
      %mul3A_234 = arith.muli %add3A_232, %mul3A_233 : i32
      %add3A_235 = arith.constant 0 : i32
      %add3A_236 = arith.addi %mul3A_234, %add3A_235 : i32
      %dma_wait3A_237 = arith.constant 0 : i32
      %dma_wait3A_238 = arith.constant 0 : i32
      %dma_wait3A_239 = arith.constant 0 : i32
      %dma_wait3A_240 = tpu.memref_slice %arg7[%dma_wait3A_237, %dma_wait3A_238, %dma_wait3A_239] : memref<5x80x40xf32, #tpu.memory_space<vmem>> -> memref<1x80x40xf32, #tpu.memory_space<vmem>>
      %dma_wait3A_241 = tpu.memref_squeeze %dma_wait3A_240 : memref<1x80x40xf32, #tpu.memory_space<vmem>> -> memref<80x40xf32, #tpu.memory_space<vmem>>
      %dma_wait3A_242 = arith.constant 0 : i32
      %dma_wait3A_243 = tpu.memref_slice %arg5[%add3A_236, %dma_wait3A_242] : memref<125x80xi32, #tpu.memory_space<vmem>> -> memref<1x80xi32, #tpu.memory_space<vmem>>
      %dma_wait3A_244 = tpu.memref_squeeze %dma_wait3A_243 : memref<1x80xi32, #tpu.memory_space<vmem>> -> memref<80xi32, #tpu.memory_space<vmem>>
      %dma_wait3A_245 = arith.constant 0 : i32
      %dma_wait3A_246 = arith.constant 0 : i32
      %dma_wait3A_247 = tpu.memref_slice %arg2[%dma_wait3A_245, %dma_wait3A_246] : memref<10000x40xf32, #tpu.memory_space<hbm>> -> memref<10000x40xf32, #tpu.memory_space<hbm>>
      tpu.wait_indirect_dma semaphore(%arg10 : memref<!tpu.dma_semaphore, #tpu.memory_space<semaphore_mem>>) src(%dma_wait3A_247 : memref<10000x40xf32, #tpu.memory_space<hbm>>) dst(%dma_wait3A_241 : memref<80x40xf32, #tpu.memory_space<vmem>>)
      %add3A_248 = arith.constant 0 : i32
      %add3A_249 = arith.addi %mul3A_234, %add3A_248 : i32
      %dma_start3A_250 = arith.constant 0 : i32
      %dma_start3A_251 = arith.constant 0 : i32
      %dma_start3A_252 = arith.constant 0 : i32
      %dma_start3A_253 = tpu.memref_slice %arg7[%dma_start3A_250, %dma_start3A_251, %dma_start3A_252] : memref<5x80x40xf32, #tpu.memory_space<vmem>> -> memref<1x80x40xf32, #tpu.memory_space<vmem>>
      %dma_start3A_254 = tpu.memref_squeeze %dma_start3A_253 : memref<1x80x40xf32, #tpu.memory_space<vmem>> -> memref<80x40xf32, #tpu.memory_space<vmem>>
      %dma_start3A_255 = arith.constant 0 : i32
      %dma_start3A_256 = tpu.memref_slice %arg6[%add3A_249, %dma_start3A_255] : memref<125x80xi32, #tpu.memory_space<vmem>> -> memref<1x80xi32, #tpu.memory_space<vmem>>
      %dma_start3A_257 = tpu.memref_squeeze %dma_start3A_256 : memref<1x80xi32, #tpu.memory_space<vmem>> -> memref<80xi32, #tpu.memory_space<vmem>>
      %dma_start3A_258 = arith.constant 0 : i32
      %dma_start3A_259 = arith.constant 0 : i32
      %dma_start3A_260 = tpu.memref_slice %arg9[%dma_start3A_258, %dma_start3A_259] : memref<10240x40xf32, #tpu.memory_space<vmem_shared>> -> memref<10240x40xf32, #tpu.memory_space<vmem_shared>>
      tpu.enqueue_indirect_dma source(%dma_start3A_254 : memref<80x40xf32, #tpu.memory_space<vmem>>) target(%dma_start3A_260 : memref<10240x40xf32, #tpu.memory_space<vmem_shared>>) offsets(%dma_start3A_257 : memref<80xi32, #tpu.memory_space<vmem>>) semaphore(%arg15 : memref<!tpu.dma_semaphore, #tpu.memory_space<semaphore_mem>>) {add = true}
      %add3A_261 = arith.constant 1 : i32
      %add3A_262 = arith.addi %mul3A_234, %add3A_261 : i32
      %dma_wait3A_263 = arith.constant 1 : i32
      %dma_wait3A_264 = arith.constant 0 : i32
      %dma_wait3A_265 = arith.constant 0 : i32
      %dma_wait3A_266 = tpu.memref_slice %arg7[%dma_wait3A_263, %dma_wait3A_264, %dma_wait3A_265] : memref<5x80x40xf32, #tpu.memory_space<vmem>> -> memref<1x80x40xf32, #tpu.memory_space<vmem>>
      %dma_wait3A_267 = tpu.memref_squeeze %dma_wait3A_266 : memref<1x80x40xf32, #tpu.memory_space<vmem>> -> memref<80x40xf32, #tpu.memory_space<vmem>>
      %dma_wait3A_268 = arith.constant 0 : i32
      %dma_wait3A_269 = tpu.memref_slice %arg5[%add3A_262, %dma_wait3A_268] : memref<125x80xi32, #tpu.memory_space<vmem>> -> memref<1x80xi32, #tpu.memory_space<vmem>>
      %dma_wait3A_270 = tpu.memref_squeeze %dma_wait3A_269 : memref<1x80xi32, #tpu.memory_space<vmem>> -> memref<80xi32, #tpu.memory_space<vmem>>
      %dma_wait3A_271 = arith.constant 0 : i32
      %dma_wait3A_272 = arith.constant 0 : i32
      %dma_wait3A_273 = tpu.memref_slice %arg2[%dma_wait3A_271, %dma_wait3A_272] : memref<10000x40xf32, #tpu.memory_space<hbm>> -> memref<10000x40xf32, #tpu.memory_space<hbm>>
      tpu.wait_indirect_dma semaphore(%arg11 : memref<!tpu.dma_semaphore, #tpu.memory_space<semaphore_mem>>) src(%dma_wait3A_273 : memref<10000x40xf32, #tpu.memory_space<hbm>>) dst(%dma_wait3A_267 : memref<80x40xf32, #tpu.memory_space<vmem>>)
      %add3A_274 = arith.constant 1 : i32
      %add3A_275 = arith.addi %mul3A_234, %add3A_274 : i32
      %dma_start3A_276 = arith.constant 1 : i32
      %dma_start3A_277 = arith.constant 0 : i32
      %dma_start3A_278 = arith.constant 0 : i32
      %dma_start3A_279 = tpu.memref_slice %arg7[%dma_start3A_276, %dma_start3A_277, %dma_start3A_278] : memref<5x80x40xf32, #tpu.memory_space<vmem>> -> memref<1x80x40xf32, #tpu.memory_space<vmem>>
      %dma_start3A_280 = tpu.memref_squeeze %dma_start3A_279 : memref<1x80x40xf32, #tpu.memory_space<vmem>> -> memref<80x40xf32, #tpu.memory_space<vmem>>
      %dma_start3A_281 = arith.constant 0 : i32
      %dma_start3A_282 = tpu.memref_slice %arg6[%add3A_275, %dma_start3A_281] : memref<125x80xi32, #tpu.memory_space<vmem>> -> memref<1x80xi32, #tpu.memory_space<vmem>>
      %dma_start3A_283 = tpu.memref_squeeze %dma_start3A_282 : memref<1x80xi32, #tpu.memory_space<vmem>> -> memref<80xi32, #tpu.memory_space<vmem>>
      %dma_start3A_284 = arith.constant 0 : i32
      %dma_start3A_285 = arith.constant 0 : i32
      %dma_start3A_286 = tpu.memref_slice %arg9[%dma_start3A_284, %dma_start3A_285] : memref<10240x40xf32, #tpu.memory_space<vmem_shared>> -> memref<10240x40xf32, #tpu.memory_space<vmem_shared>>
      tpu.enqueue_indirect_dma source(%dma_start3A_280 : memref<80x40xf32, #tpu.memory_space<vmem>>) target(%dma_start3A_286 : memref<10240x40xf32, #tpu.memory_space<vmem_shared>>) offsets(%dma_start3A_283 : memref<80xi32, #tpu.memory_space<vmem>>) semaphore(%arg16 : memref<!tpu.dma_semaphore, #tpu.memory_space<semaphore_mem>>) {add = true}
      %add3A_287 = arith.constant 2 : i32
      %add3A_288 = arith.addi %mul3A_234, %add3A_287 : i32
      %dma_wait3A_289 = arith.constant 2 : i32
      %dma_wait3A_290 = arith.constant 0 : i32
      %dma_wait3A_291 = arith.constant 0 : i32
      %dma_wait3A_292 = tpu.memref_slice %arg7[%dma_wait3A_289, %dma_wait3A_290, %dma_wait3A_291] : memref<5x80x40xf32, #tpu.memory_space<vmem>> -> memref<1x80x40xf32, #tpu.memory_space<vmem>>
      %dma_wait3A_293 = tpu.memref_squeeze %dma_wait3A_292 : memref<1x80x40xf32, #tpu.memory_space<vmem>> -> memref<80x40xf32, #tpu.memory_space<vmem>>
      %dma_wait3A_294 = arith.constant 0 : i32
      %dma_wait3A_295 = tpu.memref_slice %arg5[%add3A_288, %dma_wait3A_294] : memref<125x80xi32, #tpu.memory_space<vmem>> -> memref<1x80xi32, #tpu.memory_space<vmem>>
      %dma_wait3A_296 = tpu.memref_squeeze %dma_wait3A_295 : memref<1x80xi32, #tpu.memory_space<vmem>> -> memref<80xi32, #tpu.memory_space<vmem>>
      %dma_wait3A_297 = arith.constant 0 : i32
      %dma_wait3A_298 = arith.constant 0 : i32
      %dma_wait3A_299 = tpu.memref_slice %arg2[%dma_wait3A_297, %dma_wait3A_298] : memref<10000x40xf32, #tpu.memory_space<hbm>> -> memref<10000x40xf32, #tpu.memory_space<hbm>>
      tpu.wait_indirect_dma semaphore(%arg12 : memref<!tpu.dma_semaphore, #tpu.memory_space<semaphore_mem>>) src(%dma_wait3A_299 : memref<10000x40xf32, #tpu.memory_space<hbm>>) dst(%dma_wait3A_293 : memref<80x40xf32, #tpu.memory_space<vmem>>)
      %add3A_300 = arith.constant 2 : i32
      %add3A_301 = arith.addi %mul3A_234, %add3A_300 : i32
      %dma_start3A_302 = arith.constant 2 : i32
      %dma_start3A_303 = arith.constant 0 : i32
      %dma_start3A_304 = arith.constant 0 : i32
      %dma_start3A_305 = tpu.memref_slice %arg7[%dma_start3A_302, %dma_start3A_303, %dma_start3A_304] : memref<5x80x40xf32, #tpu.memory_space<vmem>> -> memref<1x80x40xf32, #tpu.memory_space<vmem>>
      %dma_start3A_306 = tpu.memref_squeeze %dma_start3A_305 : memref<1x80x40xf32, #tpu.memory_space<vmem>> -> memref<80x40xf32, #tpu.memory_space<vmem>>
      %dma_start3A_307 = arith.constant 0 : i32
      %dma_start3A_308 = tpu.memref_slice %arg6[%add3A_301, %dma_start3A_307] : memref<125x80xi32, #tpu.memory_space<vmem>> -> memref<1x80xi32, #tpu.memory_space<vmem>>
      %dma_start3A_309 = tpu.memref_squeeze %dma_start3A_308 : memref<1x80xi32, #tpu.memory_space<vmem>> -> memref<80xi32, #tpu.memory_space<vmem>>
      %dma_start3A_310 = arith.constant 0 : i32
      %dma_start3A_311 = arith.constant 0 : i32
      %dma_start3A_312 = tpu.memref_slice %arg9[%dma_start3A_310, %dma_start3A_311] : memref<10240x40xf32, #tpu.memory_space<vmem_shared>> -> memref<10240x40xf32, #tpu.memory_space<vmem_shared>>
      tpu.enqueue_indirect_dma source(%dma_start3A_306 : memref<80x40xf32, #tpu.memory_space<vmem>>) target(%dma_start3A_312 : memref<10240x40xf32, #tpu.memory_space<vmem_shared>>) offsets(%dma_start3A_309 : memref<80xi32, #tpu.memory_space<vmem>>) semaphore(%arg17 : memref<!tpu.dma_semaphore, #tpu.memory_space<semaphore_mem>>) {add = true}
      %add3A_313 = arith.constant 3 : i32
      %add3A_314 = arith.addi %mul3A_234, %add3A_313 : i32
      %dma_wait3A_315 = arith.constant 3 : i32
      %dma_wait3A_316 = arith.constant 0 : i32
      %dma_wait3A_317 = arith.constant 0 : i32
      %dma_wait3A_318 = tpu.memref_slice %arg7[%dma_wait3A_315, %dma_wait3A_316, %dma_wait3A_317] : memref<5x80x40xf32, #tpu.memory_space<vmem>> -> memref<1x80x40xf32, #tpu.memory_space<vmem>>
      %dma_wait3A_319 = tpu.memref_squeeze %dma_wait3A_318 : memref<1x80x40xf32, #tpu.memory_space<vmem>> -> memref<80x40xf32, #tpu.memory_space<vmem>>
      %dma_wait3A_320 = arith.constant 0 : i32
      %dma_wait3A_321 = tpu.memref_slice %arg5[%add3A_314, %dma_wait3A_320] : memref<125x80xi32, #tpu.memory_space<vmem>> -> memref<1x80xi32, #tpu.memory_space<vmem>>
      %dma_wait3A_322 = tpu.memref_squeeze %dma_wait3A_321 : memref<1x80xi32, #tpu.memory_space<vmem>> -> memref<80xi32, #tpu.memory_space<vmem>>
      %dma_wait3A_323 = arith.constant 0 : i32
      %dma_wait3A_324 = arith.constant 0 : i32
      %dma_wait3A_325 = tpu.memref_slice %arg2[%dma_wait3A_323, %dma_wait3A_324] : memref<10000x40xf32, #tpu.memory_space<hbm>> -> memref<10000x40xf32, #tpu.memory_space<hbm>>
      tpu.wait_indirect_dma semaphore(%arg13 : memref<!tpu.dma_semaphore, #tpu.memory_space<semaphore_mem>>) src(%dma_wait3A_325 : memref<10000x40xf32, #tpu.memory_space<hbm>>) dst(%dma_wait3A_319 : memref<80x40xf32, #tpu.memory_space<vmem>>)
      %add3A_326 = arith.constant 3 : i32
      %add3A_327 = arith.addi %mul3A_234, %add3A_326 : i32
      %dma_start3A_328 = arith.constant 3 : i32
      %dma_start3A_329 = arith.constant 0 : i32
      %dma_start3A_330 = arith.constant 0 : i32
      %dma_start3A_331 = tpu.memref_slice %arg7[%dma_start3A_328, %dma_start3A_329, %dma_start3A_330] : memref<5x80x40xf32, #tpu.memory_space<vmem>> -> memref<1x80x40xf32, #tpu.memory_space<vmem>>
      %dma_start3A_332 = tpu.memref_squeeze %dma_start3A_331 : memref<1x80x40xf32, #tpu.memory_space<vmem>> -> memref<80x40xf32, #tpu.memory_space<vmem>>
      %dma_start3A_333 = arith.constant 0 : i32
      %dma_start3A_334 = tpu.memref_slice %arg6[%add3A_327, %dma_start3A_333] : memref<125x80xi32, #tpu.memory_space<vmem>> -> memref<1x80xi32, #tpu.memory_space<vmem>>
      %dma_start3A_335 = tpu.memref_squeeze %dma_start3A_334 : memref<1x80xi32, #tpu.memory_space<vmem>> -> memref<80xi32, #tpu.memory_space<vmem>>
      %dma_start3A_336 = arith.constant 0 : i32
      %dma_start3A_337 = arith.constant 0 : i32
      %dma_start3A_338 = tpu.memref_slice %arg9[%dma_start3A_336, %dma_start3A_337] : memref<10240x40xf32, #tpu.memory_space<vmem_shared>> -> memref<10240x40xf32, #tpu.memory_space<vmem_shared>>
      tpu.enqueue_indirect_dma source(%dma_start3A_332 : memref<80x40xf32, #tpu.memory_space<vmem>>) target(%dma_start3A_338 : memref<10240x40xf32, #tpu.memory_space<vmem_shared>>) offsets(%dma_start3A_335 : memref<80xi32, #tpu.memory_space<vmem>>) semaphore(%arg18 : memref<!tpu.dma_semaphore, #tpu.memory_space<semaphore_mem>>) {add = true}
      %add3A_339 = arith.constant 4 : i32
      %add3A_340 = arith.addi %mul3A_234, %add3A_339 : i32
      %dma_wait3A_341 = arith.constant 4 : i32
      %dma_wait3A_342 = arith.constant 0 : i32
      %dma_wait3A_343 = arith.constant 0 : i32
      %dma_wait3A_344 = tpu.memref_slice %arg7[%dma_wait3A_341, %dma_wait3A_342, %dma_wait3A_343] : memref<5x80x40xf32, #tpu.memory_space<vmem>> -> memref<1x80x40xf32, #tpu.memory_space<vmem>>
      %dma_wait3A_345 = tpu.memref_squeeze %dma_wait3A_344 : memref<1x80x40xf32, #tpu.memory_space<vmem>> -> memref<80x40xf32, #tpu.memory_space<vmem>>
      %dma_wait3A_346 = arith.constant 0 : i32
      %dma_wait3A_347 = tpu.memref_slice %arg5[%add3A_340, %dma_wait3A_346] : memref<125x80xi32, #tpu.memory_space<vmem>> -> memref<1x80xi32, #tpu.memory_space<vmem>>
      %dma_wait3A_348 = tpu.memref_squeeze %dma_wait3A_347 : memref<1x80xi32, #tpu.memory_space<vmem>> -> memref<80xi32, #tpu.memory_space<vmem>>
      %dma_wait3A_349 = arith.constant 0 : i32
      %dma_wait3A_350 = arith.constant 0 : i32
      %dma_wait3A_351 = tpu.memref_slice %arg2[%dma_wait3A_349, %dma_wait3A_350] : memref<10000x40xf32, #tpu.memory_space<hbm>> -> memref<10000x40xf32, #tpu.memory_space<hbm>>
      tpu.wait_indirect_dma semaphore(%arg14 : memref<!tpu.dma_semaphore, #tpu.memory_space<semaphore_mem>>) src(%dma_wait3A_351 : memref<10000x40xf32, #tpu.memory_space<hbm>>) dst(%dma_wait3A_345 : memref<80x40xf32, #tpu.memory_space<vmem>>)
      %add3A_352 = arith.constant 4 : i32
      %add3A_353 = arith.addi %mul3A_234, %add3A_352 : i32
      %dma_start3A_354 = arith.constant 4 : i32
      %dma_start3A_355 = arith.constant 0 : i32
      %dma_start3A_356 = arith.constant 0 : i32
      %dma_start3A_357 = tpu.memref_slice %arg7[%dma_start3A_354, %dma_start3A_355, %dma_start3A_356] : memref<5x80x40xf32, #tpu.memory_space<vmem>> -> memref<1x80x40xf32, #tpu.memory_space<vmem>>
      %dma_start3A_358 = tpu.memref_squeeze %dma_start3A_357 : memref<1x80x40xf32, #tpu.memory_space<vmem>> -> memref<80x40xf32, #tpu.memory_space<vmem>>
      %dma_start3A_359 = arith.constant 0 : i32
      %dma_start3A_360 = tpu.memref_slice %arg6[%add3A_353, %dma_start3A_359] : memref<125x80xi32, #tpu.memory_space<vmem>> -> memref<1x80xi32, #tpu.memory_space<vmem>>
      %dma_start3A_361 = tpu.memref_squeeze %dma_start3A_360 : memref<1x80xi32, #tpu.memory_space<vmem>> -> memref<80xi32, #tpu.memory_space<vmem>>
      %dma_start3A_362 = arith.constant 0 : i32
      %dma_start3A_363 = arith.constant 0 : i32
      %dma_start3A_364 = tpu.memref_slice %arg9[%dma_start3A_362, %dma_start3A_363] : memref<10240x40xf32, #tpu.memory_space<vmem_shared>> -> memref<10240x40xf32, #tpu.memory_space<vmem_shared>>
      tpu.enqueue_indirect_dma source(%dma_start3A_358 : memref<80x40xf32, #tpu.memory_space<vmem>>) target(%dma_start3A_364 : memref<10240x40xf32, #tpu.memory_space<vmem_shared>>) offsets(%dma_start3A_361 : memref<80xi32, #tpu.memory_space<vmem>>) semaphore(%arg19 : memref<!tpu.dma_semaphore, #tpu.memory_space<semaphore_mem>>) {add = true}
      %add3A_365 = arith.constant 1 : i32
      %add3A_366 = arith.addi %add3A_232, %add3A_365 : i32
      %lt3A_367 = arith.constant 25 : i32
      %lt3A_368 = arith.cmpi slt, %add3A_366, %lt3A_367 : i32
      %convert_element_type3A_369 = arith.extui %lt3A_368 : i1 to i32
      %cond3A_370 = arith.constant 0 : i32
      %cond3A_371 = arith.cmpi ne, %convert_element_type3A_369, %cond3A_370 : i32
      scf.if %cond3A_371 {
        %add3A_372 = arith.constant 0 : i32
        %add3A_373 = arith.addi %mul3A_234, %add3A_372 : i32
        %dma_wait3A_374 = arith.constant 0 : i32
        %dma_wait3A_375 = arith.constant 0 : i32
        %dma_wait3A_376 = arith.constant 0 : i32
        %dma_wait3A_377 = tpu.memref_slice %arg7[%dma_wait3A_374, %dma_wait3A_375, %dma_wait3A_376] : memref<5x80x40xf32, #tpu.memory_space<vmem>> -> memref<1x80x40xf32, #tpu.memory_space<vmem>>
        %dma_wait3A_378 = tpu.memref_squeeze %dma_wait3A_377 : memref<1x80x40xf32, #tpu.memory_space<vmem>> -> memref<80x40xf32, #tpu.memory_space<vmem>>
        %dma_wait3A_379 = arith.constant 0 : i32
        %dma_wait3A_380 = tpu.memref_slice %arg6[%add3A_373, %dma_wait3A_379] : memref<125x80xi32, #tpu.memory_space<vmem>> -> memref<1x80xi32, #tpu.memory_space<vmem>>
        %dma_wait3A_381 = tpu.memref_squeeze %dma_wait3A_380 : memref<1x80xi32, #tpu.memory_space<vmem>> -> memref<80xi32, #tpu.memory_space<vmem>>
        %dma_wait3A_382 = arith.constant 0 : i32
        %dma_wait3A_383 = arith.constant 0 : i32
        %dma_wait3A_384 = tpu.memref_slice %arg9[%dma_wait3A_382, %dma_wait3A_383] : memref<10240x40xf32, #tpu.memory_space<vmem_shared>> -> memref<10240x40xf32, #tpu.memory_space<vmem_shared>>
        tpu.wait_indirect_dma semaphore(%arg15 : memref<!tpu.dma_semaphore, #tpu.memory_space<semaphore_mem>>) src(%dma_wait3A_378 : memref<80x40xf32, #tpu.memory_space<vmem>>) dst(%dma_wait3A_384 : memref<10240x40xf32, #tpu.memory_space<vmem_shared>>)
        %add3A_385 = arith.constant 5 : i32
        %add3A_386 = arith.addi %mul3A_234, %add3A_385 : i32
        %add3A_387 = arith.constant 0 : i32
        %add3A_388 = arith.addi %add3A_386, %add3A_387 : i32
        %dma_start3A_389 = arith.constant 0 : i32
        %dma_start3A_390 = arith.constant 0 : i32
        %dma_start3A_391 = arith.constant 0 : i32
        %dma_start3A_392 = tpu.memref_slice %arg7[%dma_start3A_389, %dma_start3A_390, %dma_start3A_391] : memref<5x80x40xf32, #tpu.memory_space<vmem>> -> memref<1x80x40xf32, #tpu.memory_space<vmem>>
        %dma_start3A_393 = tpu.memref_squeeze %dma_start3A_392 : memref<1x80x40xf32, #tpu.memory_space<vmem>> -> memref<80x40xf32, #tpu.memory_space<vmem>>
        %dma_start3A_394 = arith.constant 0 : i32
        %dma_start3A_395 = tpu.memref_slice %arg5[%add3A_388, %dma_start3A_394] : memref<125x80xi32, #tpu.memory_space<vmem>> -> memref<1x80xi32, #tpu.memory_space<vmem>>
        %dma_start3A_396 = tpu.memref_squeeze %dma_start3A_395 : memref<1x80xi32, #tpu.memory_space<vmem>> -> memref<80xi32, #tpu.memory_space<vmem>>
        %dma_start3A_397 = arith.constant 0 : i32
        %dma_start3A_398 = arith.constant 0 : i32
        %dma_start3A_399 = tpu.memref_slice %arg2[%dma_start3A_397, %dma_start3A_398] : memref<10000x40xf32, #tpu.memory_space<hbm>> -> memref<10000x40xf32, #tpu.memory_space<hbm>>
        tpu.enqueue_indirect_dma source(%dma_start3A_399 : memref<10000x40xf32, #tpu.memory_space<hbm>>) target(%dma_start3A_393 : memref<80x40xf32, #tpu.memory_space<vmem>>) offsets(%dma_start3A_396 : memref<80xi32, #tpu.memory_space<vmem>>) semaphore(%arg10 : memref<!tpu.dma_semaphore, #tpu.memory_space<semaphore_mem>>)
        %add3A_400 = arith.constant 1 : i32
        %add3A_401 = arith.addi %mul3A_234, %add3A_400 : i32
        %dma_wait3A_402 = arith.constant 1 : i32
        %dma_wait3A_403 = arith.constant 0 : i32
        %dma_wait3A_404 = arith.constant 0 : i32
        %dma_wait3A_405 = tpu.memref_slice %arg7[%dma_wait3A_402, %dma_wait3A_403, %dma_wait3A_404] : memref<5x80x40xf32, #tpu.memory_space<vmem>> -> memref<1x80x40xf32, #tpu.memory_space<vmem>>
        %dma_wait3A_406 = tpu.memref_squeeze %dma_wait3A_405 : memref<1x80x40xf32, #tpu.memory_space<vmem>> -> memref<80x40xf32, #tpu.memory_space<vmem>>
        %dma_wait3A_407 = arith.constant 0 : i32
        %dma_wait3A_408 = tpu.memref_slice %arg6[%add3A_401, %dma_wait3A_407] : memref<125x80xi32, #tpu.memory_space<vmem>> -> memref<1x80xi32, #tpu.memory_space<vmem>>
        %dma_wait3A_409 = tpu.memref_squeeze %dma_wait3A_408 : memref<1x80xi32, #tpu.memory_space<vmem>> -> memref<80xi32, #tpu.memory_space<vmem>>
        %dma_wait3A_410 = arith.constant 0 : i32
        %dma_wait3A_411 = arith.constant 0 : i32
        %dma_wait3A_412 = tpu.memref_slice %arg9[%dma_wait3A_410, %dma_wait3A_411] : memref<10240x40xf32, #tpu.memory_space<vmem_shared>> -> memref<10240x40xf32, #tpu.memory_space<vmem_shared>>
        tpu.wait_indirect_dma semaphore(%arg16 : memref<!tpu.dma_semaphore, #tpu.memory_space<semaphore_mem>>) src(%dma_wait3A_406 : memref<80x40xf32, #tpu.memory_space<vmem>>) dst(%dma_wait3A_412 : memref<10240x40xf32, #tpu.memory_space<vmem_shared>>)
        %add3A_413 = arith.constant 5 : i32
        %add3A_414 = arith.addi %mul3A_234, %add3A_413 : i32
        %add3A_415 = arith.constant 1 : i32
        %add3A_416 = arith.addi %add3A_414, %add3A_415 : i32
        %dma_start3A_417 = arith.constant 1 : i32
        %dma_start3A_418 = arith.constant 0 : i32
        %dma_start3A_419 = arith.constant 0 : i32
        %dma_start3A_420 = tpu.memref_slice %arg7[%dma_start3A_417, %dma_start3A_418, %dma_start3A_419] : memref<5x80x40xf32, #tpu.memory_space<vmem>> -> memref<1x80x40xf32, #tpu.memory_space<vmem>>
        %dma_start3A_421 = tpu.memref_squeeze %dma_start3A_420 : memref<1x80x40xf32, #tpu.memory_space<vmem>> -> memref<80x40xf32, #tpu.memory_space<vmem>>
        %dma_start3A_422 = arith.constant 0 : i32
        %dma_start3A_423 = tpu.memref_slice %arg5[%add3A_416, %dma_start3A_422] : memref<125x80xi32, #tpu.memory_space<vmem>> -> memref<1x80xi32, #tpu.memory_space<vmem>>
        %dma_start3A_424 = tpu.memref_squeeze %dma_start3A_423 : memref<1x80xi32, #tpu.memory_space<vmem>> -> memref<80xi32, #tpu.memory_space<vmem>>
        %dma_start3A_425 = arith.constant 0 : i32
        %dma_start3A_426 = arith.constant 0 : i32
        %dma_start3A_427 = tpu.memref_slice %arg2[%dma_start3A_425, %dma_start3A_426] : memref<10000x40xf32, #tpu.memory_space<hbm>> -> memref<10000x40xf32, #tpu.memory_space<hbm>>
        tpu.enqueue_indirect_dma source(%dma_start3A_427 : memref<10000x40xf32, #tpu.memory_space<hbm>>) target(%dma_start3A_421 : memref<80x40xf32, #tpu.memory_space<vmem>>) offsets(%dma_start3A_424 : memref<80xi32, #tpu.memory_space<vmem>>) semaphore(%arg11 : memref<!tpu.dma_semaphore, #tpu.memory_space<semaphore_mem>>)
        %add3A_428 = arith.constant 2 : i32
        %add3A_429 = arith.addi %mul3A_234, %add3A_428 : i32
        %dma_wait3A_430 = arith.constant 2 : i32
        %dma_wait3A_431 = arith.constant 0 : i32
        %dma_wait3A_432 = arith.constant 0 : i32
        %dma_wait3A_433 = tpu.memref_slice %arg7[%dma_wait3A_430, %dma_wait3A_431, %dma_wait3A_432] : memref<5x80x40xf32, #tpu.memory_space<vmem>> -> memref<1x80x40xf32, #tpu.memory_space<vmem>>
        %dma_wait3A_434 = tpu.memref_squeeze %dma_wait3A_433 : memref<1x80x40xf32, #tpu.memory_space<vmem>> -> memref<80x40xf32, #tpu.memory_space<vmem>>
        %dma_wait3A_435 = arith.constant 0 : i32
        %dma_wait3A_436 = tpu.memref_slice %arg6[%add3A_429, %dma_wait3A_435] : memref<125x80xi32, #tpu.memory_space<vmem>> -> memref<1x80xi32, #tpu.memory_space<vmem>>
        %dma_wait3A_437 = tpu.memref_squeeze %dma_wait3A_436 : memref<1x80xi32, #tpu.memory_space<vmem>> -> memref<80xi32, #tpu.memory_space<vmem>>
        %dma_wait3A_438 = arith.constant 0 : i32
        %dma_wait3A_439 = arith.constant 0 : i32
        %dma_wait3A_440 = tpu.memref_slice %arg9[%dma_wait3A_438, %dma_wait3A_439] : memref<10240x40xf32, #tpu.memory_space<vmem_shared>> -> memref<10240x40xf32, #tpu.memory_space<vmem_shared>>
        tpu.wait_indirect_dma semaphore(%arg17 : memref<!tpu.dma_semaphore, #tpu.memory_space<semaphore_mem>>) src(%dma_wait3A_434 : memref<80x40xf32, #tpu.memory_space<vmem>>) dst(%dma_wait3A_440 : memref<10240x40xf32, #tpu.memory_space<vmem_shared>>)
        %add3A_441 = arith.constant 5 : i32
        %add3A_442 = arith.addi %mul3A_234, %add3A_441 : i32
        %add3A_443 = arith.constant 2 : i32
        %add3A_444 = arith.addi %add3A_442, %add3A_443 : i32
        %dma_start3A_445 = arith.constant 2 : i32
        %dma_start3A_446 = arith.constant 0 : i32
        %dma_start3A_447 = arith.constant 0 : i32
        %dma_start3A_448 = tpu.memref_slice %arg7[%dma_start3A_445, %dma_start3A_446, %dma_start3A_447] : memref<5x80x40xf32, #tpu.memory_space<vmem>> -> memref<1x80x40xf32, #tpu.memory_space<vmem>>
        %dma_start3A_449 = tpu.memref_squeeze %dma_start3A_448 : memref<1x80x40xf32, #tpu.memory_space<vmem>> -> memref<80x40xf32, #tpu.memory_space<vmem>>
        %dma_start3A_450 = arith.constant 0 : i32
        %dma_start3A_451 = tpu.memref_slice %arg5[%add3A_444, %dma_start3A_450] : memref<125x80xi32, #tpu.memory_space<vmem>> -> memref<1x80xi32, #tpu.memory_space<vmem>>
        %dma_start3A_452 = tpu.memref_squeeze %dma_start3A_451 : memref<1x80xi32, #tpu.memory_space<vmem>> -> memref<80xi32, #tpu.memory_space<vmem>>
        %dma_start3A_453 = arith.constant 0 : i32
        %dma_start3A_454 = arith.constant 0 : i32
        %dma_start3A_455 = tpu.memref_slice %arg2[%dma_start3A_453, %dma_start3A_454] : memref<10000x40xf32, #tpu.memory_space<hbm>> -> memref<10000x40xf32, #tpu.memory_space<hbm>>
        tpu.enqueue_indirect_dma source(%dma_start3A_455 : memref<10000x40xf32, #tpu.memory_space<hbm>>) target(%dma_start3A_449 : memref<80x40xf32, #tpu.memory_space<vmem>>) offsets(%dma_start3A_452 : memref<80xi32, #tpu.memory_space<vmem>>) semaphore(%arg12 : memref<!tpu.dma_semaphore, #tpu.memory_space<semaphore_mem>>)
        %add3A_456 = arith.constant 3 : i32
        %add3A_457 = arith.addi %mul3A_234, %add3A_456 : i32
        %dma_wait3A_458 = arith.constant 3 : i32
        %dma_wait3A_459 = arith.constant 0 : i32
        %dma_wait3A_460 = arith.constant 0 : i32
        %dma_wait3A_461 = tpu.memref_slice %arg7[%dma_wait3A_458, %dma_wait3A_459, %dma_wait3A_460] : memref<5x80x40xf32, #tpu.memory_space<vmem>> -> memref<1x80x40xf32, #tpu.memory_space<vmem>>
        %dma_wait3A_462 = tpu.memref_squeeze %dma_wait3A_461 : memref<1x80x40xf32, #tpu.memory_space<vmem>> -> memref<80x40xf32, #tpu.memory_space<vmem>>
        %dma_wait3A_463 = arith.constant 0 : i32
        %dma_wait3A_464 = tpu.memref_slice %arg6[%add3A_457, %dma_wait3A_463] : memref<125x80xi32, #tpu.memory_space<vmem>> -> memref<1x80xi32, #tpu.memory_space<vmem>>
        %dma_wait3A_465 = tpu.memref_squeeze %dma_wait3A_464 : memref<1x80xi32, #tpu.memory_space<vmem>> -> memref<80xi32, #tpu.memory_space<vmem>>
        %dma_wait3A_466 = arith.constant 0 : i32
        %dma_wait3A_467 = arith.constant 0 : i32
        %dma_wait3A_468 = tpu.memref_slice %arg9[%dma_wait3A_466, %dma_wait3A_467] : memref<10240x40xf32, #tpu.memory_space<vmem_shared>> -> memref<10240x40xf32, #tpu.memory_space<vmem_shared>>
        tpu.wait_indirect_dma semaphore(%arg18 : memref<!tpu.dma_semaphore, #tpu.memory_space<semaphore_mem>>) src(%dma_wait3A_462 : memref<80x40xf32, #tpu.memory_space<vmem>>) dst(%dma_wait3A_468 : memref<10240x40xf32, #tpu.memory_space<vmem_shared>>)
        %add3A_469 = arith.constant 5 : i32
        %add3A_470 = arith.addi %mul3A_234, %add3A_469 : i32
        %add3A_471 = arith.constant 3 : i32
        %add3A_472 = arith.addi %add3A_470, %add3A_471 : i32
        %dma_start3A_473 = arith.constant 3 : i32
        %dma_start3A_474 = arith.constant 0 : i32
        %dma_start3A_475 = arith.constant 0 : i32
        %dma_start3A_476 = tpu.memref_slice %arg7[%dma_start3A_473, %dma_start3A_474, %dma_start3A_475] : memref<5x80x40xf32, #tpu.memory_space<vmem>> -> memref<1x80x40xf32, #tpu.memory_space<vmem>>
        %dma_start3A_477 = tpu.memref_squeeze %dma_start3A_476 : memref<1x80x40xf32, #tpu.memory_space<vmem>> -> memref<80x40xf32, #tpu.memory_space<vmem>>
        %dma_start3A_478 = arith.constant 0 : i32
        %dma_start3A_479 = tpu.memref_slice %arg5[%add3A_472, %dma_start3A_478] : memref<125x80xi32, #tpu.memory_space<vmem>> -> memref<1x80xi32, #tpu.memory_space<vmem>>
        %dma_start3A_480 = tpu.memref_squeeze %dma_start3A_479 : memref<1x80xi32, #tpu.memory_space<vmem>> -> memref<80xi32, #tpu.memory_space<vmem>>
        %dma_start3A_481 = arith.constant 0 : i32
        %dma_start3A_482 = arith.constant 0 : i32
        %dma_start3A_483 = tpu.memref_slice %arg2[%dma_start3A_481, %dma_start3A_482] : memref<10000x40xf32, #tpu.memory_space<hbm>> -> memref<10000x40xf32, #tpu.memory_space<hbm>>
        tpu.enqueue_indirect_dma source(%dma_start3A_483 : memref<10000x40xf32, #tpu.memory_space<hbm>>) target(%dma_start3A_477 : memref<80x40xf32, #tpu.memory_space<vmem>>) offsets(%dma_start3A_480 : memref<80xi32, #tpu.memory_space<vmem>>) semaphore(%arg13 : memref<!tpu.dma_semaphore, #tpu.memory_space<semaphore_mem>>)
        %add3A_484 = arith.constant 4 : i32
        %add3A_485 = arith.addi %mul3A_234, %add3A_484 : i32
        %dma_wait3A_486 = arith.constant 4 : i32
        %dma_wait3A_487 = arith.constant 0 : i32
        %dma_wait3A_488 = arith.constant 0 : i32
        %dma_wait3A_489 = tpu.memref_slice %arg7[%dma_wait3A_486, %dma_wait3A_487, %dma_wait3A_488] : memref<5x80x40xf32, #tpu.memory_space<vmem>> -> memref<1x80x40xf32, #tpu.memory_space<vmem>>
        %dma_wait3A_490 = tpu.memref_squeeze %dma_wait3A_489 : memref<1x80x40xf32, #tpu.memory_space<vmem>> -> memref<80x40xf32, #tpu.memory_space<vmem>>
        %dma_wait3A_491 = arith.constant 0 : i32
        %dma_wait3A_492 = tpu.memref_slice %arg6[%add3A_485, %dma_wait3A_491] : memref<125x80xi32, #tpu.memory_space<vmem>> -> memref<1x80xi32, #tpu.memory_space<vmem>>
        %dma_wait3A_493 = tpu.memref_squeeze %dma_wait3A_492 : memref<1x80xi32, #tpu.memory_space<vmem>> -> memref<80xi32, #tpu.memory_space<vmem>>
        %dma_wait3A_494 = arith.constant 0 : i32
        %dma_wait3A_495 = arith.constant 0 : i32
        %dma_wait3A_496 = tpu.memref_slice %arg9[%dma_wait3A_494, %dma_wait3A_495] : memref<10240x40xf32, #tpu.memory_space<vmem_shared>> -> memref<10240x40xf32, #tpu.memory_space<vmem_shared>>
        tpu.wait_indirect_dma semaphore(%arg19 : memref<!tpu.dma_semaphore, #tpu.memory_space<semaphore_mem>>) src(%dma_wait3A_490 : memref<80x40xf32, #tpu.memory_space<vmem>>) dst(%dma_wait3A_496 : memref<10240x40xf32, #tpu.memory_space<vmem_shared>>)
        %add3A_497 = arith.constant 5 : i32
        %add3A_498 = arith.addi %mul3A_234, %add3A_497 : i32
        %add3A_499 = arith.constant 4 : i32
        %add3A_500 = arith.addi %add3A_498, %add3A_499 : i32
        %dma_start3A_501 = arith.constant 4 : i32
        %dma_start3A_502 = arith.constant 0 : i32
        %dma_start3A_503 = arith.constant 0 : i32
        %dma_start3A_504 = tpu.memref_slice %arg7[%dma_start3A_501, %dma_start3A_502, %dma_start3A_503] : memref<5x80x40xf32, #tpu.memory_space<vmem>> -> memref<1x80x40xf32, #tpu.memory_space<vmem>>
        %dma_start3A_505 = tpu.memref_squeeze %dma_start3A_504 : memref<1x80x40xf32, #tpu.memory_space<vmem>> -> memref<80x40xf32, #tpu.memory_space<vmem>>
        %dma_start3A_506 = arith.constant 0 : i32
        %dma_start3A_507 = tpu.memref_slice %arg5[%add3A_500, %dma_start3A_506] : memref<125x80xi32, #tpu.memory_space<vmem>> -> memref<1x80xi32, #tpu.memory_space<vmem>>
        %dma_start3A_508 = tpu.memref_squeeze %dma_start3A_507 : memref<1x80xi32, #tpu.memory_space<vmem>> -> memref<80xi32, #tpu.memory_space<vmem>>
        %dma_start3A_509 = arith.constant 0 : i32
        %dma_start3A_510 = arith.constant 0 : i32
        %dma_start3A_511 = tpu.memref_slice %arg2[%dma_start3A_509, %dma_start3A_510] : memref<10000x40xf32, #tpu.memory_space<hbm>> -> memref<10000x40xf32, #tpu.memory_space<hbm>>
        tpu.enqueue_indirect_dma source(%dma_start3A_511 : memref<10000x40xf32, #tpu.memory_space<hbm>>) target(%dma_start3A_505 : memref<80x40xf32, #tpu.memory_space<vmem>>) offsets(%dma_start3A_508 : memref<80xi32, #tpu.memory_space<vmem>>) semaphore(%arg14 : memref<!tpu.dma_semaphore, #tpu.memory_space<semaphore_mem>>)
      } else {
      }
    }
    %scan3A_160 = arith.constant 25 : i32
    %dma_wait3A_161 = arith.constant 0 : i32
    %dma_wait3A_162 = arith.constant 120 : i32
    %dma_wait3A_163 = arith.constant 0 : i32
    %dma_wait3A_164 = arith.constant 0 : i32
    %dma_wait3A_165 = tpu.memref_slice %arg7[%dma_wait3A_161, %dma_wait3A_163, %dma_wait3A_164] : memref<5x80x40xf32, #tpu.memory_space<vmem>> -> memref<1x80x40xf32, #tpu.memory_space<vmem>>
    %dma_wait3A_166 = tpu.memref_squeeze %dma_wait3A_165 : memref<1x80x40xf32, #tpu.memory_space<vmem>> -> memref<80x40xf32, #tpu.memory_space<vmem>>
    %dma_wait3A_167 = arith.constant 0 : i32
    %dma_wait3A_168 = tpu.memref_slice %arg6[%dma_wait3A_162, %dma_wait3A_167] : memref<125x80xi32, #tpu.memory_space<vmem>> -> memref<1x80xi32, #tpu.memory_space<vmem>>
    %dma_wait3A_169 = tpu.memref_squeeze %dma_wait3A_168 : memref<1x80xi32, #tpu.memory_space<vmem>> -> memref<80xi32, #tpu.memory_space<vmem>>
    %dma_wait3A_170 = arith.constant 0 : i32
    %dma_wait3A_171 = arith.constant 0 : i32
    %dma_wait3A_172 = tpu.memref_slice %arg9[%dma_wait3A_170, %dma_wait3A_171] : memref<10240x40xf32, #tpu.memory_space<vmem_shared>> -> memref<10240x40xf32, #tpu.memory_space<vmem_shared>>
    tpu.wait_indirect_dma semaphore(%arg15 : memref<!tpu.dma_semaphore, #tpu.memory_space<semaphore_mem>>) src(%dma_wait3A_166 : memref<80x40xf32, #tpu.memory_space<vmem>>) dst(%dma_wait3A_172 : memref<10240x40xf32, #tpu.memory_space<vmem_shared>>)
    %dma_wait3A_173 = arith.constant 1 : i32
    %dma_wait3A_174 = arith.constant 121 : i32
    %dma_wait3A_175 = arith.constant 0 : i32
    %dma_wait3A_176 = arith.constant 0 : i32
    %dma_wait3A_177 = tpu.memref_slice %arg7[%dma_wait3A_173, %dma_wait3A_175, %dma_wait3A_176] : memref<5x80x40xf32, #tpu.memory_space<vmem>> -> memref<1x80x40xf32, #tpu.memory_space<vmem>>
    %dma_wait3A_178 = tpu.memref_squeeze %dma_wait3A_177 : memref<1x80x40xf32, #tpu.memory_space<vmem>> -> memref<80x40xf32, #tpu.memory_space<vmem>>
    %dma_wait3A_179 = arith.constant 0 : i32
    %dma_wait3A_180 = tpu.memref_slice %arg6[%dma_wait3A_174, %dma_wait3A_179] : memref<125x80xi32, #tpu.memory_space<vmem>> -> memref<1x80xi32, #tpu.memory_space<vmem>>
    %dma_wait3A_181 = tpu.memref_squeeze %dma_wait3A_180 : memref<1x80xi32, #tpu.memory_space<vmem>> -> memref<80xi32, #tpu.memory_space<vmem>>
    %dma_wait3A_182 = arith.constant 0 : i32
    %dma_wait3A_183 = arith.constant 0 : i32
    %dma_wait3A_184 = tpu.memref_slice %arg9[%dma_wait3A_182, %dma_wait3A_183] : memref<10240x40xf32, #tpu.memory_space<vmem_shared>> -> memref<10240x40xf32, #tpu.memory_space<vmem_shared>>
    tpu.wait_indirect_dma semaphore(%arg16 : memref<!tpu.dma_semaphore, #tpu.memory_space<semaphore_mem>>) src(%dma_wait3A_178 : memref<80x40xf32, #tpu.memory_space<vmem>>) dst(%dma_wait3A_184 : memref<10240x40xf32, #tpu.memory_space<vmem_shared>>)
    %dma_wait3A_185 = arith.constant 2 : i32
    %dma_wait3A_186 = arith.constant 122 : i32
    %dma_wait3A_187 = arith.constant 0 : i32
    %dma_wait3A_188 = arith.constant 0 : i32
    %dma_wait3A_189 = tpu.memref_slice %arg7[%dma_wait3A_185, %dma_wait3A_187, %dma_wait3A_188] : memref<5x80x40xf32, #tpu.memory_space<vmem>> -> memref<1x80x40xf32, #tpu.memory_space<vmem>>
    %dma_wait3A_190 = tpu.memref_squeeze %dma_wait3A_189 : memref<1x80x40xf32, #tpu.memory_space<vmem>> -> memref<80x40xf32, #tpu.memory_space<vmem>>
    %dma_wait3A_191 = arith.constant 0 : i32
    %dma_wait3A_192 = tpu.memref_slice %arg6[%dma_wait3A_186, %dma_wait3A_191] : memref<125x80xi32, #tpu.memory_space<vmem>> -> memref<1x80xi32, #tpu.memory_space<vmem>>
    %dma_wait3A_193 = tpu.memref_squeeze %dma_wait3A_192 : memref<1x80xi32, #tpu.memory_space<vmem>> -> memref<80xi32, #tpu.memory_space<vmem>>
    %dma_wait3A_194 = arith.constant 0 : i32
    %dma_wait3A_195 = arith.constant 0 : i32
    %dma_wait3A_196 = tpu.memref_slice %arg9[%dma_wait3A_194, %dma_wait3A_195] : memref<10240x40xf32, #tpu.memory_space<vmem_shared>> -> memref<10240x40xf32, #tpu.memory_space<vmem_shared>>
    tpu.wait_indirect_dma semaphore(%arg17 : memref<!tpu.dma_semaphore, #tpu.memory_space<semaphore_mem>>) src(%dma_wait3A_190 : memref<80x40xf32, #tpu.memory_space<vmem>>) dst(%dma_wait3A_196 : memref<10240x40xf32, #tpu.memory_space<vmem_shared>>)
    %dma_wait3A_197 = arith.constant 3 : i32
    %dma_wait3A_198 = arith.constant 123 : i32
    %dma_wait3A_199 = arith.constant 0 : i32
    %dma_wait3A_200 = arith.constant 0 : i32
    %dma_wait3A_201 = tpu.memref_slice %arg7[%dma_wait3A_197, %dma_wait3A_199, %dma_wait3A_200] : memref<5x80x40xf32, #tpu.memory_space<vmem>> -> memref<1x80x40xf32, #tpu.memory_space<vmem>>
    %dma_wait3A_202 = tpu.memref_squeeze %dma_wait3A_201 : memref<1x80x40xf32, #tpu.memory_space<vmem>> -> memref<80x40xf32, #tpu.memory_space<vmem>>
    %dma_wait3A_203 = arith.constant 0 : i32
    %dma_wait3A_204 = tpu.memref_slice %arg6[%dma_wait3A_198, %dma_wait3A_203] : memref<125x80xi32, #tpu.memory_space<vmem>> -> memref<1x80xi32, #tpu.memory_space<vmem>>
    %dma_wait3A_205 = tpu.memref_squeeze %dma_wait3A_204 : memref<1x80xi32, #tpu.memory_space<vmem>> -> memref<80xi32, #tpu.memory_space<vmem>>
    %dma_wait3A_206 = arith.constant 0 : i32
    %dma_wait3A_207 = arith.constant 0 : i32
    %dma_wait3A_208 = tpu.memref_slice %arg9[%dma_wait3A_206, %dma_wait3A_207] : memref<10240x40xf32, #tpu.memory_space<vmem_shared>> -> memref<10240x40xf32, #tpu.memory_space<vmem_shared>>
    tpu.wait_indirect_dma semaphore(%arg18 : memref<!tpu.dma_semaphore, #tpu.memory_space<semaphore_mem>>) src(%dma_wait3A_202 : memref<80x40xf32, #tpu.memory_space<vmem>>) dst(%dma_wait3A_208 : memref<10240x40xf32, #tpu.memory_space<vmem_shared>>)
    %dma_wait3A_209 = arith.constant 4 : i32
    %dma_wait3A_210 = arith.constant 124 : i32
    %dma_wait3A_211 = arith.constant 0 : i32
    %dma_wait3A_212 = arith.constant 0 : i32
    %dma_wait3A_213 = tpu.memref_slice %arg7[%dma_wait3A_209, %dma_wait3A_211, %dma_wait3A_212] : memref<5x80x40xf32, #tpu.memory_space<vmem>> -> memref<1x80x40xf32, #tpu.memory_space<vmem>>
    %dma_wait3A_214 = tpu.memref_squeeze %dma_wait3A_213 : memref<1x80x40xf32, #tpu.memory_space<vmem>> -> memref<80x40xf32, #tpu.memory_space<vmem>>
    %dma_wait3A_215 = arith.constant 0 : i32
    %dma_wait3A_216 = tpu.memref_slice %arg6[%dma_wait3A_210, %dma_wait3A_215] : memref<125x80xi32, #tpu.memory_space<vmem>> -> memref<1x80xi32, #tpu.memory_space<vmem>>
    %dma_wait3A_217 = tpu.memref_squeeze %dma_wait3A_216 : memref<1x80xi32, #tpu.memory_space<vmem>> -> memref<80xi32, #tpu.memory_space<vmem>>
    %dma_wait3A_218 = arith.constant 0 : i32
    %dma_wait3A_219 = arith.constant 0 : i32
    %dma_wait3A_220 = tpu.memref_slice %arg9[%dma_wait3A_218, %dma_wait3A_219] : memref<10240x40xf32, #tpu.memory_space<vmem_shared>> -> memref<10240x40xf32, #tpu.memory_space<vmem_shared>>
    tpu.wait_indirect_dma semaphore(%arg19 : memref<!tpu.dma_semaphore, #tpu.memory_space<semaphore_mem>>) src(%dma_wait3A_214 : memref<80x40xf32, #tpu.memory_space<vmem>>) dst(%dma_wait3A_220 : memref<10240x40xf32, #tpu.memory_space<vmem_shared>>)
    %barrier3A_221 = arith.constant 0 : index
    tpu.barrier barrier_id(%barrier3A_221)
    %lt3A = arith.constant 15 : i32
    %lt3A_222 = arith.cmpi slt, %arg1, %lt3A : i32
    %convert_element_type3A = arith.extui %lt3A_222 : i1 to i32
    %cond3A = arith.constant 0 : i32
    %cond3A_223 = arith.cmpi ne, %convert_element_type3A, %cond3A : i32
    scf.if %cond3A_223 {
      %mul3A_228 = arith.constant 640 : i32
      %mul3A_229 = arith.muli %arg1, %mul3A_228 : i32
      %mul3A_230 = arith.constant 640 : i32
      %mul3A_231 = arith.muli %arg1, %mul3A_230 : i32
      "tpu.region"() ({
        %run_scoped3A = tpu.sem_alloc : memref<!tpu.dma_semaphore, #tpu.memory_space<semaphore_mem>>
        %dma_start3A_232 = arith.constant 0 : i32
        %dma_start3A_233 = arith.constant 0 : i32
        %dma_start3A_234 = tpu.memref_slice %arg4[%arg0, %dma_start3A_232, %dma_start3A_233] : memref<2x10000x40xf32, #tpu.memory_space<hbm>> -> memref<1x10000x40xf32, #tpu.memory_space<hbm>>
        %dma_start3A_235 = tpu.memref_squeeze %dma_start3A_234 : memref<1x10000x40xf32, #tpu.memory_space<hbm>> -> memref<10000x40xf32, #tpu.memory_space<hbm>>
        %dma_start3A_236 = arith.constant 0 : i32
        %dma_start3A_237 = tpu.memref_slice %dma_start3A_235[%mul3A_231, %dma_start3A_236] : memref<10000x40xf32, #tpu.memory_space<hbm>> -> memref<640x40xf32, #tpu.memory_space<hbm>>
        %dma_start3A_238 = arith.constant 0 : i32
        %dma_start3A_239 = tpu.memref_slice %arg9[%mul3A_229, %dma_start3A_238] : memref<10240x40xf32, #tpu.memory_space<vmem_shared>> -> memref<640x40xf32, #tpu.memory_space<vmem_shared>>
        tpu.enqueue_dma source(%dma_start3A_239 : memref<640x40xf32, #tpu.memory_space<vmem_shared>>) target(%dma_start3A_237 : memref<640x40xf32, #tpu.memory_space<hbm>>) target_semaphore(%run_scoped3A : memref<!tpu.dma_semaphore, #tpu.memory_space<semaphore_mem>>)
        %dma_wait3A_240 = arith.constant 0 : i32
        %dma_wait3A_241 = arith.constant 0 : i32
        %dma_wait3A_242 = tpu.memref_slice %arg4[%arg0, %dma_wait3A_240, %dma_wait3A_241] : memref<2x10000x40xf32, #tpu.memory_space<hbm>> -> memref<1x10000x40xf32, #tpu.memory_space<hbm>>
        %dma_wait3A_243 = tpu.memref_squeeze %dma_wait3A_242 : memref<1x10000x40xf32, #tpu.memory_space<hbm>> -> memref<10000x40xf32, #tpu.memory_space<hbm>>
        %dma_wait3A_244 = arith.constant 0 : i32
        %dma_wait3A_245 = tpu.memref_slice %dma_wait3A_243[%mul3A_231, %dma_wait3A_244] : memref<10000x40xf32, #tpu.memory_space<hbm>> -> memref<640x40xf32, #tpu.memory_space<hbm>>
        %dma_wait3A_246 = arith.constant 0 : i32
        %dma_wait3A_247 = tpu.memref_slice %arg9[%mul3A_229, %dma_wait3A_246] : memref<10240x40xf32, #tpu.memory_space<vmem_shared>> -> memref<640x40xf32, #tpu.memory_space<vmem_shared>>
        tpu.wait_dma2 semaphore(%run_scoped3A : memref<!tpu.dma_semaphore, #tpu.memory_space<semaphore_mem>>) src(%dma_wait3A_247 : memref<640x40xf32, #tpu.memory_space<vmem_shared>>) dst(%dma_wait3A_245 : memref<640x40xf32, #tpu.memory_space<hbm>>)
        tpu.yield
      }) : () -> ()
    } else {
    }
    %eq3A = arith.constant 15 : i32
    %eq3A_224 = arith.cmpi eq, %arg1, %eq3A : i32
    %convert_element_type3A_225 = arith.extui %eq3A_224 : i1 to i32
    %cond3A_226 = arith.constant 0 : i32
    %cond3A_227 = arith.cmpi ne, %convert_element_type3A_225, %cond3A_226 : i32
    scf.if %cond3A_227 {
      "tpu.region"() ({
        %run_scoped3A = tpu.sem_alloc : memref<!tpu.dma_semaphore, #tpu.memory_space<semaphore_mem>>
        %dma_start3A_228 = arith.constant 0 : i32
        %dma_start3A_229 = arith.constant 0 : i32
        %dma_start3A_230 = tpu.memref_slice %arg4[%arg0, %dma_start3A_228, %dma_start3A_229] : memref<2x10000x40xf32, #tpu.memory_space<hbm>> -> memref<1x10000x40xf32, #tpu.memory_space<hbm>>
        %dma_start3A_231 = tpu.memref_squeeze %dma_start3A_230 : memref<1x10000x40xf32, #tpu.memory_space<hbm>> -> memref<10000x40xf32, #tpu.memory_space<hbm>>
        %dma_start3A_232 = arith.constant 9600 : i32
        %dma_start3A_233 = arith.constant 0 : i32
        %dma_start3A_234 = tpu.memref_slice %dma_start3A_231[%dma_start3A_232, %dma_start3A_233] : memref<10000x40xf32, #tpu.memory_space<hbm>> -> memref<400x40xf32, #tpu.memory_space<hbm>>
        %dma_start3A_235 = arith.constant 9600 : i32
        %dma_start3A_236 = arith.constant 0 : i32
        %dma_start3A_237 = tpu.memref_slice %arg9[%dma_start3A_235, %dma_start3A_236] : memref<10240x40xf32, #tpu.memory_space<vmem_shared>> -> memref<400x40xf32, #tpu.memory_space<vmem_shared>>
        tpu.enqueue_dma source(%dma_start3A_237 : memref<400x40xf32, #tpu.memory_space<vmem_shared>>) target(%dma_start3A_234 : memref<400x40xf32, #tpu.memory_space<hbm>>) target_semaphore(%run_scoped3A : memref<!tpu.dma_semaphore, #tpu.memory_space<semaphore_mem>>)
        %dma_wait3A_238 = arith.constant 0 : i32
        %dma_wait3A_239 = arith.constant 0 : i32
        %dma_wait3A_240 = tpu.memref_slice %arg4[%arg0, %dma_wait3A_238, %dma_wait3A_239] : memref<2x10000x40xf32, #tpu.memory_space<hbm>> -> memref<1x10000x40xf32, #tpu.memory_space<hbm>>
        %dma_wait3A_241 = tpu.memref_squeeze %dma_wait3A_240 : memref<1x10000x40xf32, #tpu.memory_space<hbm>> -> memref<10000x40xf32, #tpu.memory_space<hbm>>
        %dma_wait3A_242 = arith.constant 9600 : i32
        %dma_wait3A_243 = arith.constant 0 : i32
        %dma_wait3A_244 = tpu.memref_slice %dma_wait3A_241[%dma_wait3A_242, %dma_wait3A_243] : memref<10000x40xf32, #tpu.memory_space<hbm>> -> memref<400x40xf32, #tpu.memory_space<hbm>>
        %dma_wait3A_245 = arith.constant 9600 : i32
        %dma_wait3A_246 = arith.constant 0 : i32
        %dma_wait3A_247 = tpu.memref_slice %arg9[%dma_wait3A_245, %dma_wait3A_246] : memref<10240x40xf32, #tpu.memory_space<vmem_shared>> -> memref<400x40xf32, #tpu.memory_space<vmem_shared>>
        tpu.wait_dma2 semaphore(%run_scoped3A : memref<!tpu.dma_semaphore, #tpu.memory_space<semaphore_mem>>) src(%dma_wait3A_247 : memref<400x40xf32, #tpu.memory_space<vmem_shared>>) dst(%dma_wait3A_244 : memref<400x40xf32, #tpu.memory_space<hbm>>)
        tpu.yield
      }) : () -> ()
    } else {
    }
    return
  }
}

module attributes {stable_mosaic.version = 14 : i64} {
  func.func @_tc1_body(%arg0: i32, %arg1: memref<2x1000x1xf32, #tpu.memory_space<vmem>>, %arg2: memref<1000x128xf32, #tpu.memory_space<vmem>>, %arg3: memref<128x64xf32, #tpu.memory_space<vmem>>, %arg4: memref<1x64xf32, #tpu.memory_space<vmem>>, %arg5: memref<1000x64xf32, #tpu.memory_space<vmem>>, %arg6: memref<1000x1xf32, #tpu.memory_space<vmem>>) attributes {dimension_semantics = [#tpu.dimension_semantics<arbitrary>], iteration_bounds = array<i64: 10>, scalar_prefetch = 0 : i64, scratch_operands = 0 : i64, tpu.core_type = #tpu.core_type<tc>, window_params = [{transform_indices = @transform_0, window_bounds = array<i64: 2, 1000, 1>}, {transform_indices = @transform_1, window_bounds = array<i64: 1000, 128>}, {pipeline_mode = #tpu.pipeline_mode<synchronous>, transform_indices = @transform_2, window_bounds = array<i64: 128, 64>}, {pipeline_mode = #tpu.pipeline_mode<synchronous>, transform_indices = @transform_3, window_bounds = array<i64: 1, 64>}, {transform_indices = @transform_4, window_bounds = array<i64: 1000, 64>}, {transform_indices = @transform_5, window_bounds = array<i64: 1000, 1>}]} {
    %get3A = arith.constant 0 : index
    %get3A_0 = arith.constant 0 : index
    %get3A_1 = arith.constant 0 : index
    %get3A_2 = vector.load %arg1[%get3A, %get3A_0, %get3A_1] : memref<2x1000x1xf32, #tpu.memory_space<vmem>>, vector<1x1000x1xf32>
    %get3A_3 = vector.shape_cast %get3A_2 : vector<1x1000x1xf32> to vector<1000x1xf32>
    %add3A = arith.constant 1.000000e+00 : f32
    %add3A_4 = vector.broadcast %add3A : f32 to vector<1000x1xf32>
    %add3A_5 = arith.addf %add3A_4, %get3A_3 : vector<1000x1xf32>
    %get3A_6 = arith.constant 1 : index
    %get3A_7 = arith.constant 0 : index
    %get3A_8 = arith.constant 0 : index
    %get3A_9 = vector.load %arg1[%get3A_6, %get3A_7, %get3A_8] : memref<2x1000x1xf32, #tpu.memory_space<vmem>>, vector<1x1000x1xf32>
    %get3A_10 = vector.shape_cast %get3A_9 : vector<1x1000x1xf32> to vector<1000x1xf32>
    %add3A_11 = arith.addf %add3A_5, %get3A_10 : vector<1000x1xf32>
    %rsqrt3A = math.rsqrt %add3A_11 : vector<1000x1xf32>
    %get3A_12 = arith.constant 0 : index
    %get3A_13 = arith.constant 0 : index
    %get3A_14 = vector.load %arg2[%get3A_12, %get3A_13] : memref<1000x128xf32, #tpu.memory_space<vmem>>, vector<1000x128xf32>
    %get3A_15 = arith.constant 0 : index
    %get3A_16 = arith.constant 0 : index
    %get3A_17 = vector.load %arg3[%get3A_15, %get3A_16] : memref<128x64xf32, #tpu.memory_space<vmem>>, vector<128x64xf32>
    %dot_general3A = arith.constant dense<0.000000e+00> : vector<1000x64xf32>
    %dot_general3A_18 = tpu.matmul %get3A_14, %get3A_17, %dot_general3A {dimension_numbers = #tpu.dot_dimension_numbers<[1], [0], [0], [1], [0, 0, 1, 1], [], []>, transpose_lhs_hint = false} : vector<1000x128xf32>, vector<128x64xf32>, vector<1000x64xf32> -> vector<1000x64xf32>
    %get3A_19 = arith.constant 0 : index
    %get3A_20 = arith.constant 0 : index
    %get3A_21 = vector.load %arg4[%get3A_19, %get3A_20] : memref<1x64xf32, #tpu.memory_space<vmem>>, vector<1x64xf32>
    %add3A_22 = vector.broadcast %get3A_21 : vector<1x64xf32> to vector<1000x64xf32>
    %add3A_23 = arith.addf %dot_general3A_18, %add3A_22 : vector<1000x64xf32>
    %mul3A = vector.broadcast %rsqrt3A : vector<1000x1xf32> to vector<1000x64xf32>
    %mul3A_24 = arith.mulf %mul3A, %add3A_23 : vector<1000x64xf32>
    %swap3A = arith.constant 0 : index
    %swap3A_25 = arith.constant 0 : index
    %swap3A_26 = vector.load %arg5[%swap3A, %swap3A_25] : memref<1000x64xf32, #tpu.memory_space<vmem>>, vector<1000x64xf32>
    tpu.vector_store %arg5[%swap3A, %swap3A_25], %mul3A_24 {strides = array<i32>} : memref<1000x64xf32, #tpu.memory_space<vmem>>, vector<1000x64xf32>,
    %swap3A_27 = arith.constant 0 : index
    %swap3A_28 = arith.constant 0 : index
    %swap3A_29 = vector.load %arg6[%swap3A_27, %swap3A_28] : memref<1000x1xf32, #tpu.memory_space<vmem>>, vector<1000x1xf32>
    tpu.vector_store %arg6[%swap3A_27, %swap3A_28], %rsqrt3A {strides = array<i32>} : memref<1000x1xf32, #tpu.memory_space<vmem>>, vector<1000x1xf32>,
    return
  }
  func.func @transform_0(%arg0: i32) -> (i32, i32, i32) {
    %c0_i32 = arith.constant 0 : i32
    %c0_i32_0 = arith.constant 0 : i32
    %c0_i32_1 = arith.constant 0 : i32
    return %c0_i32, %arg0, %c0_i32_0 : i32, i32, i32
  }
  func.func @transform_1(%arg0: i32) -> (i32, i32) {
    %c0_i32 = arith.constant 0 : i32
    %c0_i32_0 = arith.constant 0 : i32
    return %arg0, %c0_i32 : i32, i32
  }
  func.func @transform_2(%arg0: i32) -> (i32, i32) {
    %c0_i32 = arith.constant 0 : i32
    %c0_i32_0 = arith.constant 0 : i32
    %c0_i32_1 = arith.constant 0 : i32
    return %c0_i32, %c0_i32_0 : i32, i32
  }
  func.func @transform_3(%arg0: i32) -> (i32, i32) {
    %c0_i32 = arith.constant 0 : i32
    %c0_i32_0 = arith.constant 0 : i32
    %c0_i32_1 = arith.constant 0 : i32
    return %c0_i32, %c0_i32_0 : i32, i32
  }
  func.func @transform_4(%arg0: i32) -> (i32, i32) {
    %c0_i32 = arith.constant 0 : i32
    %c0_i32_0 = arith.constant 0 : i32
    return %arg0, %c0_i32 : i32, i32
  }
  func.func @transform_5(%arg0: i32) -> (i32, i32) {
    %c0_i32 = arith.constant 0 : i32
    %c0_i32_0 = arith.constant 0 : i32
    return %arg0, %c0_i32 : i32, i32
  }
}

module attributes {stable_mosaic.version = 14 : i64} {
  func.func @_tc2_body(%arg0: i32, %arg1: memref<2x1000x64xf32, #tpu.memory_space<vmem>>, %arg2: memref<1000x64xf32, #tpu.memory_space<vmem>>, %arg3: memref<1000x1xf32, #tpu.memory_space<vmem>>, %arg4: memref<64x40xf32, #tpu.memory_space<vmem>>, %arg5: memref<1x40xf32, #tpu.memory_space<vmem>>, %arg6: memref<1000x40xf32, #tpu.memory_space<vmem>>) attributes {dimension_semantics = [#tpu.dimension_semantics<arbitrary>], iteration_bounds = array<i64: 10>, scalar_prefetch = 0 : i64, scratch_operands = 0 : i64, tpu.core_type = #tpu.core_type<tc>, window_params = [{transform_indices = @transform_0, window_bounds = array<i64: 2, 1000, 64>}, {transform_indices = @transform_1, window_bounds = array<i64: 1000, 64>}, {transform_indices = @transform_2, window_bounds = array<i64: 1000, 1>}, {pipeline_mode = #tpu.pipeline_mode<synchronous>, transform_indices = @transform_3, window_bounds = array<i64: 64, 40>}, {pipeline_mode = #tpu.pipeline_mode<synchronous>, transform_indices = @transform_4, window_bounds = array<i64: 1, 40>}, {transform_indices = @transform_5, window_bounds = array<i64: 1000, 40>}]} {
    %get3A = arith.constant 0 : index
    %get3A_0 = arith.constant 0 : index
    %get3A_1 = vector.load %arg3[%get3A, %get3A_0] : memref<1000x1xf32, #tpu.memory_space<vmem>>, vector<1000x1xf32>
    %get3A_2 = arith.constant 0 : index
    %get3A_3 = arith.constant 0 : index
    %get3A_4 = arith.constant 0 : index
    %get3A_5 = vector.load %arg1[%get3A_2, %get3A_3, %get3A_4] : memref<2x1000x64xf32, #tpu.memory_space<vmem>>, vector<1x1000x64xf32>
    %get3A_6 = vector.shape_cast %get3A_5 : vector<1x1000x64xf32> to vector<1000x64xf32>
    %get3A_7 = arith.constant 1 : index
    %get3A_8 = arith.constant 0 : index
    %get3A_9 = arith.constant 0 : index
    %get3A_10 = vector.load %arg1[%get3A_7, %get3A_8, %get3A_9] : memref<2x1000x64xf32, #tpu.memory_space<vmem>>, vector<1x1000x64xf32>
    %get3A_11 = vector.shape_cast %get3A_10 : vector<1x1000x64xf32> to vector<1000x64xf32>
    %add3A = arith.addf %get3A_6, %get3A_11 : vector<1000x64xf32>
    %get3A_12 = arith.constant 0 : index
    %get3A_13 = arith.constant 0 : index
    %get3A_14 = vector.load %arg2[%get3A_12, %get3A_13] : memref<1000x64xf32, #tpu.memory_space<vmem>>, vector<1000x64xf32>
    %add3A_15 = arith.addf %add3A, %get3A_14 : vector<1000x64xf32>
    %mul3A = vector.broadcast %get3A_1 : vector<1000x1xf32> to vector<1000x64xf32>
    %mul3A_16 = arith.mulf %mul3A, %add3A_15 : vector<1000x64xf32>
    %max3A = arith.constant 0.000000e+00 : f32
    %max3A_17 = vector.broadcast %max3A : f32 to vector<1000x64xf32>
    %max3A_18 = arith.maximumf %mul3A_16, %max3A_17 : vector<1000x64xf32>
    %get3A_19 = arith.constant 0 : index
    %get3A_20 = arith.constant 0 : index
    %get3A_21 = vector.load %arg4[%get3A_19, %get3A_20] : memref<64x40xf32, #tpu.memory_space<vmem>>, vector<64x40xf32>
    %dot_general3A = arith.constant dense<0.000000e+00> : vector<1000x40xf32>
    %dot_general3A_22 = tpu.matmul %max3A_18, %get3A_21, %dot_general3A {dimension_numbers = #tpu.dot_dimension_numbers<[1], [0], [0], [1], [0, 0, 1, 1], [], []>, transpose_lhs_hint = false} : vector<1000x64xf32>, vector<64x40xf32>, vector<1000x40xf32> -> vector<1000x40xf32>
    %get3A_23 = arith.constant 0 : index
    %get3A_24 = arith.constant 0 : index
    %get3A_25 = vector.load %arg5[%get3A_23, %get3A_24] : memref<1x40xf32, #tpu.memory_space<vmem>>, vector<1x40xf32>
    %add3A_26 = vector.broadcast %get3A_25 : vector<1x40xf32> to vector<1000x40xf32>
    %add3A_27 = arith.addf %dot_general3A_22, %add3A_26 : vector<1000x40xf32>
    %mul3A_28 = vector.broadcast %get3A_1 : vector<1000x1xf32> to vector<1000x40xf32>
    %mul3A_29 = arith.mulf %mul3A_28, %add3A_27 : vector<1000x40xf32>
    %swap3A = arith.constant 0 : index
    %swap3A_30 = arith.constant 0 : index
    %swap3A_31 = vector.load %arg6[%swap3A, %swap3A_30] : memref<1000x40xf32, #tpu.memory_space<vmem>>, vector<1000x40xf32>
    tpu.vector_store %arg6[%swap3A, %swap3A_30], %mul3A_29 {strides = array<i32>} : memref<1000x40xf32, #tpu.memory_space<vmem>>, vector<1000x40xf32>,
    return
  }
  func.func @transform_0(%arg0: i32) -> (i32, i32, i32) {
    %c0_i32 = arith.constant 0 : i32
    %c0_i32_0 = arith.constant 0 : i32
    %c0_i32_1 = arith.constant 0 : i32
    return %c0_i32, %arg0, %c0_i32_0 : i32, i32, i32
  }
  func.func @transform_1(%arg0: i32) -> (i32, i32) {
    %c0_i32 = arith.constant 0 : i32
    %c0_i32_0 = arith.constant 0 : i32
    return %arg0, %c0_i32 : i32, i32
  }
  func.func @transform_2(%arg0: i32) -> (i32, i32) {
    %c0_i32 = arith.constant 0 : i32
    %c0_i32_0 = arith.constant 0 : i32
    return %arg0, %c0_i32 : i32, i32
  }
  func.func @transform_3(%arg0: i32) -> (i32, i32) {
    %c0_i32 = arith.constant 0 : i32
    %c0_i32_0 = arith.constant 0 : i32
    %c0_i32_1 = arith.constant 0 : i32
    return %c0_i32, %c0_i32_0 : i32, i32
  }
  func.func @transform_4(%arg0: i32) -> (i32, i32) {
    %c0_i32 = arith.constant 0 : i32
    %c0_i32_0 = arith.constant 0 : i32
    %c0_i32_1 = arith.constant 0 : i32
    return %c0_i32, %c0_i32_0 : i32, i32
  }
  func.func @transform_5(%arg0: i32) -> (i32, i32) {
    %c0_i32 = arith.constant 0 : i32
    %c0_i32_0 = arith.constant 0 : i32
    return %arg0, %c0_i32 : i32, i32
  }
}

module attributes {stable_mosaic.version = 14 : i64} {
  func.func @_tc3_body(%arg0: i32, %arg1: memref<2x1000x40xf32, #tpu.memory_space<vmem>>, %arg2: memref<1000x40xf32, #tpu.memory_space<vmem>>, %arg3: memref<1000x1xf32, #tpu.memory_space<vmem>>, %arg4: memref<1000x40xf32, #tpu.memory_space<vmem>>) attributes {dimension_semantics = [#tpu.dimension_semantics<arbitrary>], iteration_bounds = array<i64: 10>, scalar_prefetch = 0 : i64, scratch_operands = 0 : i64, tpu.core_type = #tpu.core_type<tc>, window_params = [{transform_indices = @transform_0, window_bounds = array<i64: 2, 1000, 40>}, {transform_indices = @transform_1, window_bounds = array<i64: 1000, 40>}, {transform_indices = @transform_2, window_bounds = array<i64: 1000, 1>}, {transform_indices = @transform_3, window_bounds = array<i64: 1000, 40>}]} {
    %get3A = arith.constant 0 : index
    %get3A_0 = arith.constant 0 : index
    %get3A_1 = vector.load %arg3[%get3A, %get3A_0] : memref<1000x1xf32, #tpu.memory_space<vmem>>, vector<1000x1xf32>
    %get3A_2 = arith.constant 0 : index
    %get3A_3 = arith.constant 0 : index
    %get3A_4 = arith.constant 0 : index
    %get3A_5 = vector.load %arg1[%get3A_2, %get3A_3, %get3A_4] : memref<2x1000x40xf32, #tpu.memory_space<vmem>>, vector<1x1000x40xf32>
    %get3A_6 = vector.shape_cast %get3A_5 : vector<1x1000x40xf32> to vector<1000x40xf32>
    %get3A_7 = arith.constant 1 : index
    %get3A_8 = arith.constant 0 : index
    %get3A_9 = arith.constant 0 : index
    %get3A_10 = vector.load %arg1[%get3A_7, %get3A_8, %get3A_9] : memref<2x1000x40xf32, #tpu.memory_space<vmem>>, vector<1x1000x40xf32>
    %get3A_11 = vector.shape_cast %get3A_10 : vector<1x1000x40xf32> to vector<1000x40xf32>
    %add3A = arith.addf %get3A_6, %get3A_11 : vector<1000x40xf32>
    %get3A_12 = arith.constant 0 : index
    %get3A_13 = arith.constant 0 : index
    %get3A_14 = vector.load %arg2[%get3A_12, %get3A_13] : memref<1000x40xf32, #tpu.memory_space<vmem>>, vector<1000x40xf32>
    %add3A_15 = arith.addf %add3A, %get3A_14 : vector<1000x40xf32>
    %mul3A = vector.broadcast %get3A_1 : vector<1000x1xf32> to vector<1000x40xf32>
    %mul3A_16 = arith.mulf %mul3A, %add3A_15 : vector<1000x40xf32>
    %reduce_max3A = arith.constant dense<0xFF800000> : vector<1000xf32>
    %reduce_max3A_17 = vector.multi_reduction <maximumf>, %mul3A_16, %reduce_max3A [1] : vector<1000x40xf32> to vector<1000xf32>
    %broadcast_in_dim3A = vector.shape_cast %reduce_max3A_17 : vector<1000xf32> to vector<1000x1xf32>
    %sub3A = vector.broadcast %broadcast_in_dim3A : vector<1000x1xf32> to vector<1000x40xf32>
    %sub3A_18 = arith.subf %mul3A_16, %sub3A : vector<1000x40xf32>
    %exp3A = math.exp %sub3A_18 : vector<1000x40xf32>
    %reduce_sum3A = arith.constant dense<0.000000e+00> : vector<1000xf32>
    %reduce_sum3A_19 = vector.multi_reduction <add>, %exp3A, %reduce_sum3A [1] : vector<1000x40xf32> to vector<1000xf32>
    %broadcast_in_dim3A_20 = vector.shape_cast %reduce_sum3A_19 : vector<1000xf32> to vector<1000x1xf32>
    %log3A = math.log %broadcast_in_dim3A_20 : vector<1000x1xf32>
    %add3A_21 = arith.addf %log3A, %broadcast_in_dim3A : vector<1000x1xf32>
    %sub3A_22 = vector.broadcast %add3A_21 : vector<1000x1xf32> to vector<1000x40xf32>
    %sub3A_23 = arith.subf %mul3A_16, %sub3A_22 : vector<1000x40xf32>
    %swap3A = arith.constant 0 : index
    %swap3A_24 = arith.constant 0 : index
    %swap3A_25 = vector.load %arg4[%swap3A, %swap3A_24] : memref<1000x40xf32, #tpu.memory_space<vmem>>, vector<1000x40xf32>
    tpu.vector_store %arg4[%swap3A, %swap3A_24], %sub3A_23 {strides = array<i32>} : memref<1000x40xf32, #tpu.memory_space<vmem>>, vector<1000x40xf32>,
    return
  }
  func.func @transform_0(%arg0: i32) -> (i32, i32, i32) {
    %c0_i32 = arith.constant 0 : i32
    %c0_i32_0 = arith.constant 0 : i32
    %c0_i32_1 = arith.constant 0 : i32
    return %c0_i32, %arg0, %c0_i32_0 : i32, i32, i32
  }
  func.func @transform_1(%arg0: i32) -> (i32, i32) {
    %c0_i32 = arith.constant 0 : i32
    %c0_i32_0 = arith.constant 0 : i32
    return %arg0, %c0_i32 : i32, i32
  }
  func.func @transform_2(%arg0: i32) -> (i32, i32) {
    %c0_i32 = arith.constant 0 : i32
    %c0_i32_0 = arith.constant 0 : i32
    return %arg0, %c0_i32 : i32, i32
  }
  func.func @transform_3(%arg0: i32) -> (i32, i32) {
    %c0_i32 = arith.constant 0 : i32
    %c0_i32_0 = arith.constant 0 : i32
    return %arg0, %c0_i32 : i32, i32
  }
}

</mosaic_0001>

<sc_bundles>
// kernel: kernel.11.cloned.1.call-start
scs
__scs_entry_jumppad:
0x0: {  	(pc) =	sbr.rel $0x88, $3  }
0x1: {  	(tag) =	ssettag $0x0;
	lr =	simm.s32 $0x1  }
0x2: {  	[smem:$0x3F9B] =	sst lr;
	_ =	strace $0xD0000000  }
0x3: {  	_ = 	snop  }
0x4: {  	_ = 	snop  }
0x5: {  	_ = 	snop  }
0x6: {  	_ = 	snop  }
0x7: {  	_ = 	snop  }
__scs_overlays_trampoline_lowered:
0x8: {  	[smem:$0x3FAA] =	sst s0  }
0x9: {  	[smem:$0x3FAB] =	sst s1  }
0xa: {  	[smem:$0x3FAC] =	sst s2  }
0xb: {  	[smem:$0x3FAD] =	sst s3  }
0xc: {  	[smem:$0x3FAE] =	sst s4  }
0xd: {  	[smem:$0x3FAF] =	sst s5  }
0xe: {  	[smem:$0x3FB0] =	sst s6  }
0xf: {  	[smem:$0x3FB1] =	sst s7  }
0x10: {  	[smem:$0x3FB2] =	sst s8  }
0x11: {  	[smem:$0x3FB3] =	sst s9;
	s0 =	simm.s32 @!p0 $0x0  }
0x12: {  	s1 =	sld [smem:$0x3F99];
	s0 =	simm.s32 @p0 $0x1  }
0x13: {  	[smem:$0x3FB4] =	sst s0;
	s0 =	simm.s32 @!p1 $0x0  }
0x14: {  	s2 =	sld [smem:$0x3F98];
	s0 =	simm.s32 @p1 $0x1  }
0x15: {  	[smem:$0x3FB5] =	sst s0;
	s0 =	simm.s32 @!p2 $0x0  }
0x16: {  	s3 =	sld [smem:$0x3FDB];
	s0 =	simm.s32 @p2 $0x1  }
0x17: {  	s4 =	simm.s32 $0x1BF5;
	[smem:$0x3FB7] =	sst s0  }
0x18: {  	s0 =	sld [smem:$0x3F9A];
	_ =	swait.ge [sflag:s4], $0x0  }
0x19: {  	s7 =	sld [smem:$0x3F9B]  }
0x1a: {  	s8 =	sadd.s32 $0xFFFFE003, lr  }
0x1b: {  	s9 =	sadd.s32 $0xFFFFFEF7, lr;
	s5 =	simm.s32 $0xFFFFFFFF;
	p2 =	slt.u32 s8, $0xFFFFF086  }
0x1c: {  	p1 =	slt.u32 s9, $0xF7A;
	s5 =	simm.s32 @!p2 $0x0  }
0x1d: {  	s5 =	simm.s32 @p1 $0x1;
	p0 =	seq.s32 s7, s2  }
0x1e: {  	s7 =	smul.u32 @!p0 $0xF7A, s2;
	p2 =	seq.s32 @!p0 s5, $0x0  }
0x1f: {  	s9 =	smul.u32 $0xF7A, s1;
	s8 =	simm.s32 @!p0 $0x1BF5;
	p2 =	por !p2, p0  }
0x20: {  	[sflag:s8] =	ssyncset.s32 @!p0 $0xFFFFF086;
	s6 =	sadd.s32 @!p0 s3, s7;
	s7 =	simm.s32 @!p0 $0x108  }
0x21: {  	s3 =	sadd.s32 s3, s9;
	s6 =	sadd.s32 @!p0 $0x88, s6;
	s7 =	simm.s32 @p2 $0x1082  }
0x22: {  	[simem:s7], [sflag:s8] =	dma.local @!p0 [hbm:s6], $0xF7A  }
0x23: {  	s9 =	sor.u32 $0xD0000000, s2;
	s6 =	simm.s32 $0x108;
	_ =	swait.ge @!p0 [sflag:s8], $0x0  }
0x24: {  	s3 =	sadd.s32 $0x88, s3;
	s6 =	simm.s32 @!p1 $0x1082;
	[sflag:s4] =	ssyncset.s32 $0xFFFFF086  }
0x25: {  	[simem:s6], [sflag:s4] =	dma.local [hbm:s3], $0xF7A  }
0x26: {  	[smem:$0x3F9B] =	sst s1;
	(tag) =	ssettag s2;
	_ =	strace s9  }
0x27: {  	s1 =	sld [smem:$0x3FAB]  }
0x28: {  	s2 =	sld [smem:$0x3FAC]  }
0x29: {  	s4 =	sld [smem:$0x3FAE]  }
0x2a: {  	p0 =	seq.s32 s5, $0x0;
	s5 =	sld [smem:$0x3FAF]  }
0x2b: {  	s6 =	sld [smem:$0x3FB0]  }
0x2c: {  	s7 =	sld [smem:$0x3FB1]  }
0x2d: {  	s3 =	simm.s32 $0x108;
	s8 =	sld [smem:$0x3FB2]  }
0x2e: {  	s3 =	simm.s32 @!p0 $0x1082;
	s9 =	sld [smem:$0x3FB3]  }
0x2f: {  	lr =	sadd.s32 s0, s3;
	s0 =	sld [smem:$0x3FAA]  }
0x30: {  	s3 =	sld [smem:$0x3FAD]  }
0x31: {  	[smem:$0x3FB6] =	sst s10  }
0x32: {  	s10 =	sld [smem:$0x3FB4];
	_ =	sdelay $0x3  }
0x33: {  	p0 =	seq.s32 s10, $0x1;
	s10 =	sld [smem:$0x3FB6];
	_ =	sdelay $0x3  }
0x34: {  	[smem:$0x3FB6] =	sst s10  }
0x35: {  	s10 =	sld [smem:$0x3FB5];
	_ =	sdelay $0x3  }
0x36: {  	p1 =	seq.s32 s10, $0x1;
	s10 =	sld [smem:$0x3FB6];
	_ =	sdelay $0x3  }
0x37: {  	[smem:$0x3FB6] =	sst s10  }
0x38: {  	s10 =	sld [smem:$0x3FB7]  }
0x39: {  	_ = 	snop;
	(pc) =	sbr.ind lr, $3  }
0x3a: {  	_ = 	snop  }
0x3b: {  	_ = 	snop  }
0x3c: {  	p2 =	seq.s32 s10, $0x1;
	s10 =	sld [smem:$0x3FB6]  }
0x3d: {  	_ =	shalt  }
0x3e: {  	_ =	shalt  }
0x3f: {  	_ =	shalt  }
0x40: {  	_ =	shalt  }
0x41: {  	_ =	shalt  }
0x42: {  	_ =	shalt  }
0x43: {  	_ =	shalt  }
0x44: {  	_ =	shalt  }
0x45: {  	_ =	shalt  }
0x46: {  	_ =	shalt  }
0x47: {  	_ =	shalt  }
0x48: {  	_ =	shalt  }
0x49: {  	_ =	shalt  }
0x4a: {  	_ =	shalt  }
0x4b: {  	_ =	shalt  }
0x4c: {  	_ =	shalt  }
0x4d: {  	_ =	shalt  }
0x4e: {  	_ =	shalt  }
0x4f: {  	_ =	shalt  }
0x50: {  	_ =	shalt  }
0x51: {  	_ =	shalt  }
0x52: {  	_ =	shalt  }
0x53: {  	_ =	shalt  }
0x54: {  	_ =	shalt  }
0x55: {  	_ =	shalt  }
0x56: {  	_ =	shalt  }
0x57: {  	_ =	shalt  }
0x58: {  	_ =	shalt  }
0x59: {  	_ =	shalt  }
0x5a: {  	_ =	shalt  }
0x5b: {  	_ =	shalt  }
0x5c: {  	_ =	shalt  }
0x5d: {  	_ =	shalt  }
0x5e: {  	_ =	shalt  }
0x5f: {  	_ =	shalt  }
0x60: {  	_ =	shalt  }
0x61: {  	_ =	shalt  }
0x62: {  	_ =	shalt  }
0x63: {  	_ =	shalt  }
0x64: {  	_ =	shalt  }
0x65: {  	_ =	shalt  }
0x66: {  	_ =	shalt  }
0x67: {  	_ =	shalt  }
0x68: {  	_ =	shalt  }
0x69: {  	_ =	shalt  }
0x6a: {  	_ =	shalt  }
0x6b: {  	_ =	shalt  }
0x6c: {  	_ =	shalt  }
0x6d: {  	_ =	shalt  }
0x6e: {  	_ =	shalt  }
0x6f: {  	_ =	shalt  }
0x70: {  	_ =	shalt  }
0x71: {  	_ =	shalt  }
0x72: {  	_ =	shalt  }
0x73: {  	_ =	shalt  }
0x74: {  	_ =	shalt  }
0x75: {  	_ =	shalt  }
0x76: {  	_ =	shalt  }
0x77: {  	_ =	shalt  }
0x78: {  	_ =	shalt  }
0x79: {  	_ =	shalt  }
0x7a: {  	_ =	shalt  }
0x7b: {  	_ =	shalt  }
0x7c: {  	_ =	shalt  }
0x7d: {  	_ =	shalt  }
0x7e: {  	_ =	shalt  }
0x7f: {  	_ =	shalt  }
0x80: {  	_ =	shalt  }
0x81: {  	_ =	shalt  }
0x82: {  	_ =	shalt  }
0x83: {  	_ =	shalt  }
0x84: {  	_ =	shalt  }
0x85: {  	_ =	shalt  }
0x86: {  	_ =	shalt  }
0x87: {  	_ =	shalt  }
.Lfunc_end0:
.L_simem_size_0:
called_computation.1_lowered:
.L_overlay_start_0:
0x88: {  	s2 =	sld [smem:$0x3FD9]  }
0x89: {  	s3 =	sld [smem:$0x3FFE];
	_ =	sdelay $0x1  }
0x8a: {  	s1 =	srdreg.scid  }
0x8b: {  	s0 =	sand.u32 $0x1, s1  }
0x8c: {  	s16 =	sshll.u32 s0, $0xA;
	s2 =	sadd.s32 s3, s2  }
0x8d: {  	s2 =	sadd.s32 s2, s16  }
0x8e: {  	[smem:$0x3FC2] =	sst s2  }
0x8f: {  	_ = 	snop  }
0x90: {  	(tm) =	ssettm $0x1  }
0x91: {  	s17 =	sld [smem:$0x3FFB];
	_ =	sdelay $0x3  }
0x92: {  	_ =	strace s17  }
0x93: {  	s2 =	sld [smem:$0x3FFC];
	_ =	sdelay $0x3  }
0x94: {  	_ =	strace s2  }
0x95: {  	s2 =	sld [smem:$0x3FFD];
	_ =	sdelay $0x3  }
0x96: {  	_ =	strace s2  }
0x97: {  	_ =	strace $0x8FFFFFFF  }
0x98: {  	s18 =	sld [smem:$0x3FDB];
	_ =	sdelay $0x1  }
0x99: {  	s19 =	simm.s32 $_scs_section_size  }
0x9a: {  	s4 =	simm.s32 $_size__tile_overlayer_lowered;
	s5 =	simm.s32 $_tile_overlayer_lowered  }
0x9b: {  	s22 =	simm.s32 $0x1BFF;
	s21 =	sshll.u32 s5, $0x1;
	s2 =	sadd.s32 s19, s18  }
0x9c: {  	s6 =	simm.s32 $0x0;
	s20 =	sshll.u32 s4, $0x1;
	s4 =	sadd.s32 s21, s2  }
0x9d: {  	[timem:s6], [sflag:s22] =	dma.local [hbm:s4], s20  }
0x9e: {  	_ =	swait.ge [sflag:s22], s20  }
0x9f: {  	s3 =	ssub.s32 $0x0, s20;
	[sflag:s22] =	ssyncset.done $0x0  }
0xa0: {  	[sflag:s22] =	ssyncadd.s32 s3;
	_ =	sdelay $0x1  }
0xa1: {  	s23 =	simm.s32 $0x1B8B  }
0xa2: {  	_ =	swait.ge [sflag:s23], $0x1  }
0xa3: {  	[sflag:s23] =	ssyncset.done $0x0  }
0xa4: {  	s25 =	simm.s32 $0x1B8E;
	s24 =	sld [smem:$0x3FFE];
	[sflag:s23] =	ssyncadd.s32 $0xFFFFFFFF  }
0xa5: {  	s26 =	simm.s32 $execute0_lowered;
	[smem:$0x3FD2] =	sst s25  }
0xa6: {  	s4 =	sshll.u32 s26, $0x1;
	_ =	strace $0x80000049;
	[dreg:$0x1] =	wrdreg $0xFFFFFFFF  }
0xa7: {  	s28 =	simm.s32 $_size_execute0_lowered;
	s2 =	sadd.s32 s2, s4;
	[dreg:$0x0] =	wrdreg $0x0  }
0xa8: {  	s4 =	sshll.u32 s28, $0x1;
	[dreg:$0x2] =	wrdreg s2  }
0xa9: {  	[dreg:$0x3] =	wrdreg s4  }
0xaa: {  	[dreg:$0x4] =	wrdreg $0xC0  }
0xab: {  	_ =	task [dreg:s6], $0x5FFFF  }
0xac: {  	[dreg:$0x1] =	wrdreg $0xFFFFFFFF  }
0xad: {  	[dreg:$0x0] =	wrdreg $0x60  }
0xae: {  	[dreg:$0x2] =	wrdreg s24  }
0xaf: {  	[dreg:$0x3] =	wrdreg $0xDA200  }
0xb0: {  	[dreg:$0x4] =	wrdreg $0x9  }
0xb1: {  	_ =	task.clear_ibuf [dreg:s6], $0x5FFFF;
	_ =	strace $0x90000049  }
0xb2: {  	s29 =	simm.s32 $0x9;
	_ =	strace $0x8000004B  }
0xb3: {  	_ =	swait.ge [sflag:s29], $0x1  }
0xb4: {  	[sflag:s29] =	ssyncadd.s32 $0xFFFFFFFF  }
0xb5: {  	_ =	strace $0x9000004B  }
0xb6: {  	_ =	sfence  }
0xb7: {  	s30 =	sld [smem:$0x0];
	_ =	sdelay $0x2  }
0xb8: {  	s31 =	sshll.u32 s1, $0xD;
	s1 =	sshrl.u32 s1, $0x2  }
0xb9: {  	s3 =	sand.u32 $0x4000, s31;
	s1 =	sadd.s32 s1, s30  }
0xba: {  	s0 =	sor.u32 s3, s0;
	s1 =	sshll.u32 s1, $0x11  }
0xbb: {  	s0 =	sor.u32 s1, s0  }
0xbc: {  	s0 =	sadd.s32 $0x8F2B, s0  }
0xbd: {  	[sflag:s0] =	ssyncadd.remote.s32 $0x1  }
0xbe: {  	_ =	sfence.sel $0xFFFF  }
0xbf: {  	[dreg:$0x0] =	wrdreg $0xFFFFFFFF;
	(pc) =	sbr.abs _section_cstart, $3  }
0xc0: {  	[dreg:$0x1] =	wrdreg $0xFFFFFFFF  }
0xc1: {  	_ =	task.clear_ibuf [dreg:s6], $0x2FFFF;
	_ =	strace $0x9FFFFFFF  }
0xc2: {  	(tm) =	ssettm $0x7FFFFFFF  }
0xc3: {  	_ =	shalt  }
tec
execute0_lowered:
.L_overlay_start_1:
0x0: {  	(tag) =	ssettag $0x1  }
0x1: {  	s0 =	srdreg.scid;
	s1 =	rddreg [dreg:$0x0]  }
0x2: {  	s2 =	rddreg [dreg:$0x1];
	s8 =	stileid.u32  }
0x3: {  	s4 =	simm.s32 $0x0;
	s14 =	simm.s32 $0xB220;
	s15 =	simm.s32 $0xB  }
0x4: {  	s16 =	simm.s32 $0x1;
	s17 =	simm.s32 $0x2;
	s18 =	simm.s32 $0x50  }
0x5: {  	s19 =	simm.s32 $0x4E20;
	s20 =	simm.s32 $0x6220;
	s22 =	simm.s32 $0x7620  }
0x6: {  	s29 =	simm.s32 $0x9E20;
	s30 =	simm.s32 $0x3;
	s31 =	simm.s32 $0x4  }
0x7: {  	s13 =	simm.s32 $0x6;
	s21 =	simm.s32 $0x7;
	s23 =	simm.s32 $0x8  }
0x8: {  	s28 =	simm.s32 $0xA;
	s0 =	sand.u32 $0x1, s0;
	s6 =	smul.u32 $0x28000, s8  }
0x9: {  	[smem:$0x7FF] =	sst s4;
	s4 =	sadd.s32 $0x2000, s1;
	s25 =	smul.u32 $0xA000, s8  }
0xa: {  	p0 =	seq.s32 s8, $0xF;
	s3 =	sshll.u32 s0, $0x4;
	s5 =	smul.u32 $0x13880, s0  }
0xb: {  	s0 =	ssub.s32 $0x2, s0;
	s3 =	sor.u32 s8, s3;
	s6 =	sshrl.u32 s6, $0x2  }
0xc: {  	s24 =	sshrl.u32 s0, $0x1;
	s3 =	smul.u32 $0x2710, s3;
	s26 =	sadd.s32 s6, s2  }
0xd: {  	_ =	strace $0x8000004A;
	s0 =	ssub.s32 s0, s24;
	s6 =	sadd.s32 $0x2800, s26  }
0xe: {  	s9 =	sadd.s32 $0x5000, s26;
	s10 =	sadd.s32 $0x7800, s26;
	s3 =	sshrl.u32 s3, $0x3  }
0xf: {  	s12 =	smax.u32 s0, $0x1;
	s26 =	simm.s32 $0x8A20;
	s3 =	sadd.s32 s3, s1  }
0x10: {  	s0 =	simm.s32 $0x5;
	[dreg:$0x5] =	wrdreg s6;
	s7 =	sadd.s32 $0x22000, s3  }
0x11: {  	s1 =	sadd.s32 s5, s1;
	s3 =	sadd.s32 $0x2BC40, s3;
	[dreg:$0x3] =	wrdreg s7  }
0x12: {  	s11 =	sadd.s32 $0x35A00, s1;
	s1 =	sshrl.u32 s25, $0x3;
	[dreg:$0x4] =	wrdreg s3  }
0x13: {  	s7 =	sadd.s32 s25, s2;
	s3 =	sadd.s32 $0x96000, s2;
	s25 =	sadd.s32 @!p0 s1, s11  }
0x14: {  	v0 =	vimm.f32 $0.0e+00;
	s1 =	simm.s32 $0x9;
	s24 =	sshrl.u32 @p0 s3, $0x3;
	s3 =	simm.s32 $0x0  }
.LBB2_1:
0x15: {  	s5 =	simm.s32 $0x0;
	s6 =	rddreg [dreg:$0x3]  }
0x16: {  	[tilespmem:s5], [sflag:$0x1] =	stream.linear.gather [hbm4b:s6+s5], $0x2710, $0x38;
	[tilespmem:$0x17A20] =	vst v63  }
0x17: {  	s8 =	simm.s32 $0x2710;
	s6 =	rddreg [dreg:$0x4]  }
0x18: {  	[tilespmem:s8], [sflag:$0x2] =	stream.linear.gather [hbm4b:s6+s5], $0x2710, $0x38;
	[tilespmem:$0x17A20] =	vst v63  }
0x19: {  	s6 =	simm.s32 $0x100;
	s5 =	simm.s32 $0x0  }
.LBB2_2:
0x1a: {  	p1 =	sne.s32 s6, $0x9F00;
	[tilespmem:s5+$0xB250] =	vst v0;
	s8 =	smov.u32 s6;
	s6 =	sadd.s32 $0x100, s6  }
.Ltmp0:
0x1b: {  	[tilespmem:s5+$0xB240] =	vst v0;
	(pc) =	sbr.rel @p1 .LBB2_2-.Ltmp0, $3  }
0x1c: {  	[tilespmem:s5+$0xB220] =	vst v0  }
0x1d: {  	[tilespmem:s5+$0xB230] =	vst v0;
	_ =	sdelay $0x1  }
0x1e: {  	s5 =	sshra.s32 s8, $0x2  }
0x1f: {  	[tilespmem:s5+$0xB250] =	vst v0  }
0x20: {  	[tilespmem:s5+$0xB240] =	vst v0  }
0x21: {  	[tilespmem:s5+$0xB220] =	vst v0  }
0x22: {  	[tilespmem:s5+$0xB230] =	vst v0  }
0x23: {  	[spmem:s7] =	stream.linear.scatter [tilespmem:s14], [sflag:$0xB], $0x2800, $0x38;
	[tilespmem:$0x17A20] =	vst v63  }
0x24: {  	s6 =	rddreg [dreg:$0x5]  }
0x25: {  	[spmem:s6] =	stream.linear.scatter [tilespmem:s14], [sflag:$0xB], $0x2800, $0x38;
	[tilespmem:$0x17A20] =	vst v63  }
0x26: {  	_ = 	snop  }
0x27: {  	[spmem:s9] =	stream.linear.scatter [tilespmem:s14], [sflag:$0xB], $0x2800, $0x38;
	[tilespmem:$0x17A20] =	vst v63  }
0x28: {  	_ = 	snop  }
0x29: {  	[spmem:s10] =	stream.linear.scatter [tilespmem:s14], [sflag:$0xB], $0x2800, $0x38;
	[tilespmem:$0x17A20] =	vst v63  }
0x2a: {  	_ =	swait.ge [sflag:s15], $0x2800  }
0x2b: {  	[sflag:s15] =	ssyncset.done $0x0  }
0x2c: {  	[sflag:s15] =	ssyncadd.s32 $0xFFFFD800  }
0x2d: {  	_ =	swait.ge [sflag:s15], $0x2800  }
0x2e: {  	[sflag:s15] =	ssyncset.done $0x0  }
0x2f: {  	[sflag:s15] =	ssyncadd.s32 $0xFFFFD800  }
0x30: {  	_ =	swait.ge [sflag:s15], $0x2800  }
0x31: {  	[sflag:s15] =	ssyncset.done $0x0  }
0x32: {  	[sflag:s15] =	ssyncadd.s32 $0xFFFFD800  }
0x33: {  	_ =	swait.ge [sflag:s15], $0x2800  }
0x34: {  	[sflag:s15] =	ssyncset.done $0x0  }
0x35: {  	[sflag:s15] =	ssyncadd.s32 $0xFFFFD800  }
0x36: {  	_ =	swait.ge [sflag:s16], $0x2710  }
0x37: {  	[sflag:s16] =	ssyncset.done $0x0  }
0x38: {  	[sflag:s16] =	ssyncadd.s32 $0xFFFFD8F0  }
0x39: {  	_ =	swait.ge [sflag:s17], $0x2710  }
0x3a: {  	[sflag:s17] =	ssyncset.done $0x0  }
0x3b: {  	[sflag:s17] =	ssyncadd.s32 $0xFFFFD8F0  }
0x3c: {  	s8 =	simm.s32 $0x0;
	[bflag:$0x0] =	sbarrier.arrive $0xFFFF  }
0x3d: {  	[tilespmem:s19], [sflag:$0x1] =	stream.indirect.gather [hbm4b:s4+s18], $0x40, s8, s18, $0xb8;
	[tilespmem:$0x17A20] =	vst v63  }
0x3e: {  	_ = 	snop  }
0x3f: {  	[tilespmem:s20], [sflag:$0x2] =	stream.indirect.gather [hbm4b:s4+s18], $0x40, s18, s18, $0xb8;
	[tilespmem:$0x17A20] =	vst v63  }
0x40: {  	s6 =	simm.s32 $0xA0  }
0x41: {  	[tilespmem:s22], [sflag:$0x3] =	stream.indirect.gather [hbm4b:s4+s18], $0x40, s6, s18, $0xb8;
	[tilespmem:$0x17A20] =	vst v63  }
0x42: {  	s8 =	simm.s32 $0xF0  }
0x43: {  	[tilespmem:s26], [sflag:$0x4] =	stream.indirect.gather [hbm4b:s4+s18], $0x40, s8, s18, $0xb8;
	[tilespmem:$0x17A20] =	vst v63  }
0x44: {  	s6 =	simm.s32 $0x140  }
0x45: {  	[tilespmem:s29], [sflag:$0x5] =	stream.indirect.gather [hbm4b:s4+s18], $0x40, s6, s18, $0xb8;
	[tilespmem:$0x17A20] =	vst v63  }
0x46: {  	_ =	swait.ge [sflag:s16], $0x1400  }
0x47: {  	[sflag:s16] =	ssyncset.done $0x0  }
0x48: {  	s8 =	simm.s32 $0x2710;
	[sflag:s16] =	ssyncadd.s32 $0xFFFFEC00  }
0x49: {  	[spmem:s2] =	stream.indirect.scatter.add.f32 [tilespmem:s19], [sflag:$0x6], $0x40, s8, s18, $0xb8;
	[tilespmem:$0x17A20] =	vst v63  }
0x4a: {  	_ =	swait.ge [sflag:s17], $0x1400  }
0x4b: {  	[sflag:s17] =	ssyncset.done $0x0  }
0x4c: {  	s6 =	simm.s32 $0x2760;
	[sflag:s17] =	ssyncadd.s32 $0xFFFFEC00  }
0x4d: {  	[spmem:s2] =	stream.indirect.scatter.add.f32 [tilespmem:s20], [sflag:$0x7], $0x40, s6, s18, $0xb8;
	[tilespmem:$0x17A20] =	vst v63  }
0x4e: {  	_ =	swait.ge [sflag:s30], $0x1400  }
0x4f: {  	[sflag:s30] =	ssyncset.done $0x0  }
0x50: {  	s8 =	simm.s32 $0x27B0;
	[sflag:s30] =	ssyncadd.s32 $0xFFFFEC00  }
0x51: {  	[spmem:s2] =	stream.indirect.scatter.add.f32 [tilespmem:s22], [sflag:$0x8], $0x40, s8, s18, $0xb8;
	[tilespmem:$0x17A20] =	vst v63  }
0x52: {  	_ =	swait.ge [sflag:s31], $0x1400  }
0x53: {  	[sflag:s31] =	ssyncset.done $0x0  }
0x54: {  	s6 =	simm.s32 $0x2800;
	[sflag:s31] =	ssyncadd.s32 $0xFFFFEC00  }
0x55: {  	[spmem:s2] =	stream.indirect.scatter.add.f32 [tilespmem:s26], [sflag:$0x9], $0x40, s6, s18, $0xb8;
	[tilespmem:$0x17A20] =	vst v63  }
0x56: {  	_ =	swait.ge [sflag:s0], $0x1400  }
0x57: {  	[sflag:s0] =	ssyncset.done $0x0  }
0x58: {  	s8 =	simm.s32 $0x2850;
	[sflag:s0] =	ssyncadd.s32 $0xFFFFEC00  }
0x59: {  	[spmem:s2] =	stream.indirect.scatter.add.f32 [tilespmem:s29], [sflag:$0xA], $0x40, s8, s18, $0xb8;
	[tilespmem:$0x17A20] =	vst v63  }
0x5a: {  	_ =	swait.ge [sflag:s13], $0x1400  }
0x5b: {  	[sflag:s13] =	ssyncset.done $0x0  }
0x5c: {  	s6 =	simm.s32 $0x190;
	[sflag:s13] =	ssyncadd.s32 $0xFFFFEC00  }
0x5d: {  	[tilespmem:s19], [sflag:$0x1] =	stream.indirect.gather [hbm4b:s4+s18], $0x40, s6, s18, $0xb8;
	[tilespmem:$0x17A20] =	vst v63  }
0x5e: {  	_ =	swait.ge [sflag:s21], $0x1400  }
0x5f: {  	[sflag:s21] =	ssyncset.done $0x0  }
0x60: {  	s8 =	simm.s32 $0x1E0;
	[sflag:s21] =	ssyncadd.s32 $0xFFFFEC00  }
0x61: {  	[tilespmem:s20], [sflag:$0x2] =	stream.indirect.gather [hbm4b:s4+s18], $0x40, s8, s18, $0xb8;
	[tilespmem:$0x17A20] =	vst v63  }
0x62: {  	_ =	swait.ge [sflag:s23], $0x1400  }
0x63: {  	[sflag:s23] =	ssyncset.done $0x0  }
0x64: {  	s6 =	simm.s32 $0x230;
	[sflag:s23] =	ssyncadd.s32 $0xFFFFEC00  }
0x65: {  	[tilespmem:s22], [sflag:$0x3] =	stream.indirect.gather [hbm4b:s4+s18], $0x40, s6, s18, $0xb8;
	[tilespmem:$0x17A20] =	vst v63  }
0x66: {  	_ =	swait.ge [sflag:s1], $0x1400  }
0x67: {  	[sflag:s1] =	ssyncset.done $0x0  }
0x68: {  	s8 =	simm.s32 $0x280;
	[sflag:s1] =	ssyncadd.s32 $0xFFFFEC00  }
0x69: {  	[tilespmem:s26], [sflag:$0x4] =	stream.indirect.gather [hbm4b:s4+s18], $0x40, s8, s18, $0xb8;
	[tilespmem:$0x17A20] =	vst v63  }
0x6a: {  	_ =	swait.ge [sflag:s28], $0x1400  }
0x6b: {  	[sflag:s28] =	ssyncset.done $0x0  }
0x6c: {  	s5 =	simm.s32 $0x640;
	s6 =	simm.s32 $0x2D0;
	[sflag:s28] =	ssyncadd.s32 $0xFFFFEC00  }
.LBB2_4:
0x6d: {  	[tilespmem:s29], [sflag:$0x5] =	stream.indirect.gather [hbm4b:s4+s18], $0x40, s6, s18, $0xb8;
	[tilespmem:$0x17A20] =	vst v63  }
0x6e: {  	s6 =	smov.u32 s5  }
0x6f: {  	p1 =	sne.s32 s5, $0x8FC0;
	s5 =	sadd.s32 $0x640, s5;
	_ =	swait.ge [sflag:s16], $0x1400  }
0x70: {  	s6 =	sshra.s32 s6, $0x2;
	[sflag:s16] =	ssyncset.done $0x0  }
0x71: {  	s8 =	sadd.s32 $0x2710, s6;
	[sflag:s16] =	ssyncadd.s32 $0xFFFFEC00  }
0x72: {  	[spmem:s2] =	stream.indirect.scatter.add.f32 [tilespmem:s19], [sflag:$0x6], $0x40, s8, s18, $0xb8;
	[tilespmem:$0x17A20] =	vst v63  }
0x73: {  	_ =	swait.ge [sflag:s17], $0x1400  }
0x74: {  	[sflag:s17] =	ssyncset.done $0x0  }
0x75: {  	s8 =	sadd.s32 $0x2760, s6;
	[sflag:s17] =	ssyncadd.s32 $0xFFFFEC00  }
0x76: {  	[spmem:s2] =	stream.indirect.scatter.add.f32 [tilespmem:s20], [sflag:$0x7], $0x40, s8, s18, $0xb8;
	[tilespmem:$0x17A20] =	vst v63  }
0x77: {  	_ =	swait.ge [sflag:s30], $0x1400  }
0x78: {  	[sflag:s30] =	ssyncset.done $0x0  }
0x79: {  	s8 =	sadd.s32 $0x27B0, s6;
	[sflag:s30] =	ssyncadd.s32 $0xFFFFEC00  }
0x7a: {  	[spmem:s2] =	stream.indirect.scatter.add.f32 [tilespmem:s22], [sflag:$0x8], $0x40, s8, s18, $0xb8;
	[tilespmem:$0x17A20] =	vst v63  }
0x7b: {  	_ =	swait.ge [sflag:s31], $0x1400  }
0x7c: {  	[sflag:s31] =	ssyncset.done $0x0  }
0x7d: {  	s8 =	sadd.s32 $0x2800, s6;
	[sflag:s31] =	ssyncadd.s32 $0xFFFFEC00  }
0x7e: {  	[spmem:s2] =	stream.indirect.scatter.add.f32 [tilespmem:s26], [sflag:$0x9], $0x40, s8, s18, $0xb8;
	[tilespmem:$0x17A20] =	vst v63  }
0x7f: {  	_ =	swait.ge [sflag:s0], $0x1400  }
0x80: {  	[sflag:s0] =	ssyncset.done $0x0  }
0x81: {  	s8 =	sadd.s32 $0x2850, s6;
	[sflag:s0] =	ssyncadd.s32 $0xFFFFEC00  }
0x82: {  	[spmem:s2] =	stream.indirect.scatter.add.f32 [tilespmem:s29], [sflag:$0xA], $0x40, s8, s18, $0xb8;
	[tilespmem:$0x17A20] =	vst v63  }
0x83: {  	_ =	swait.ge [sflag:s13], $0x1400  }
0x84: {  	[sflag:s13] =	ssyncset.done $0x0  }
0x85: {  	s8 =	sadd.s32 $0x190, s6;
	[sflag:s13] =	ssyncadd.s32 $0xFFFFEC00  }
0x86: {  	[tilespmem:s19], [sflag:$0x1] =	stream.indirect.gather [hbm4b:s4+s18], $0x40, s8, s18, $0xb8;
	[tilespmem:$0x17A20] =	vst v63  }
0x87: {  	_ =	swait.ge [sflag:s21], $0x1400  }
0x88: {  	[sflag:s21] =	ssyncset.done $0x0  }
0x89: {  	s8 =	sadd.s32 $0x1E0, s6;
	[sflag:s21] =	ssyncadd.s32 $0xFFFFEC00  }
0x8a: {  	[tilespmem:s20], [sflag:$0x2] =	stream.indirect.gather [hbm4b:s4+s18], $0x40, s8, s18, $0xb8;
	[tilespmem:$0x17A20] =	vst v63  }
0x8b: {  	_ =	swait.ge [sflag:s23], $0x1400  }
0x8c: {  	[sflag:s23] =	ssyncset.done $0x0  }
0x8d: {  	s8 =	sadd.s32 $0x230, s6;
	[sflag:s23] =	ssyncadd.s32 $0xFFFFEC00  }
0x8e: {  	[tilespmem:s22], [sflag:$0x3] =	stream.indirect.gather [hbm4b:s4+s18], $0x40, s8, s18, $0xb8;
	[tilespmem:$0x17A20] =	vst v63  }
0x8f: {  	_ =	swait.ge [sflag:s1], $0x1400  }
0x90: {  	[sflag:s1] =	ssyncset.done $0x0  }
.Ltmp1:
0x91: {  	s8 =	sadd.s32 $0x280, s6;
	[sflag:s1] =	ssyncadd.s32 $0xFFFFEC00;
	(pc) =	sbr.rel @p1 .LBB2_4-.Ltmp1, $4  }
0x92: {  	[tilespmem:s26], [sflag:$0x4] =	stream.indirect.gather [hbm4b:s4+s18], $0x40, s8, s18, $0xb8;
	[tilespmem:$0x17A20] =	vst v63  }
0x93: {  	_ =	swait.ge [sflag:s28], $0x1400  }
0x94: {  	[sflag:s28] =	ssyncset.done $0x0  }
0x95: {  	s6 =	sadd.s32 $0x2D0, s6;
	[sflag:s28] =	ssyncadd.s32 $0xFFFFEC00  }
0x96: {  	[tilespmem:s29], [sflag:$0x5] =	stream.indirect.gather [hbm4b:s4+s18], $0x40, s6, s18, $0xb8;
	[tilespmem:$0x17A20] =	vst v63  }
0x97: {  	_ =	swait.ge [sflag:s16], $0x1400  }
0x98: {  	[sflag:s16] =	ssyncset.done $0x0  }
0x99: {  	s5 =	simm.s32 $0x4C90;
	[sflag:s16] =	ssyncadd.s32 $0xFFFFEC00  }
0x9a: {  	[spmem:s2] =	stream.indirect.scatter.add.f32 [tilespmem:s19], [sflag:$0x6], $0x40, s5, s18, $0xb8;
	[tilespmem:$0x17A20] =	vst v63  }
0x9b: {  	_ =	swait.ge [sflag:s17], $0x1400  }
0x9c: {  	[sflag:s17] =	ssyncset.done $0x0  }
0x9d: {  	s6 =	simm.s32 $0x4CE0;
	[sflag:s17] =	ssyncadd.s32 $0xFFFFEC00  }
0x9e: {  	[spmem:s2] =	stream.indirect.scatter.add.f32 [tilespmem:s20], [sflag:$0x7], $0x40, s6, s18, $0xb8;
	[tilespmem:$0x17A20] =	vst v63  }
0x9f: {  	_ =	swait.ge [sflag:s30], $0x1400  }
0xa0: {  	[sflag:s30] =	ssyncset.done $0x0  }
0xa1: {  	s8 =	simm.s32 $0x4D30;
	[sflag:s30] =	ssyncadd.s32 $0xFFFFEC00  }
0xa2: {  	[spmem:s2] =	stream.indirect.scatter.add.f32 [tilespmem:s22], [sflag:$0x8], $0x40, s8, s18, $0xb8;
	[tilespmem:$0x17A20] =	vst v63  }
0xa3: {  	_ =	swait.ge [sflag:s31], $0x1400  }
0xa4: {  	[sflag:s31] =	ssyncset.done $0x0  }
0xa5: {  	s6 =	simm.s32 $0x4D80;
	[sflag:s31] =	ssyncadd.s32 $0xFFFFEC00  }
0xa6: {  	[spmem:s2] =	stream.indirect.scatter.add.f32 [tilespmem:s26], [sflag:$0x9], $0x40, s6, s18, $0xb8;
	[tilespmem:$0x17A20] =	vst v63  }
0xa7: {  	_ =	swait.ge [sflag:s0], $0x1400  }
0xa8: {  	[sflag:s0] =	ssyncset.done $0x0  }
0xa9: {  	s8 =	simm.s32 $0x4DD0;
	[sflag:s0] =	ssyncadd.s32 $0xFFFFEC00  }
0xaa: {  	[spmem:s2] =	stream.indirect.scatter.add.f32 [tilespmem:s29], [sflag:$0xA], $0x40, s8, s18, $0xb8;
	[tilespmem:$0x17A20] =	vst v63  }
0xab: {  	_ =	swait.ge [sflag:s13], $0x1400  }
0xac: {  	[sflag:s13] =	ssyncset.done $0x0  }
0xad: {  	[sflag:s13] =	ssyncadd.s32 $0xFFFFEC00  }
0xae: {  	_ =	swait.ge [sflag:s21], $0x1400  }
0xaf: {  	[sflag:s21] =	ssyncset.done $0x0  }
0xb0: {  	[sflag:s21] =	ssyncadd.s32 $0xFFFFEC00  }
0xb1: {  	_ =	swait.ge [sflag:s23], $0x1400  }
0xb2: {  	[sflag:s23] =	ssyncset.done $0x0  }
0xb3: {  	[sflag:s23] =	ssyncadd.s32 $0xFFFFEC00  }
0xb4: {  	_ =	swait.ge [sflag:s1], $0x1400  }
0xb5: {  	[sflag:s1] =	ssyncset.done $0x0  }
0xb6: {  	[sflag:s1] =	ssyncadd.s32 $0xFFFFEC00  }
0xb7: {  	_ =	swait.ge [sflag:s28], $0x1400  }
0xb8: {  	[sflag:s28] =	ssyncset.done $0x0  }
0xb9: {  	[sflag:s28] =	ssyncadd.s32 $0xFFFFEC00  }
0xba: {  	s5 =	sadd.s32 @p0 $0x12C00, s11;
	s6 =	simm.s32 @p0 $0x1FCC;
	[bflag:$0x0] =	sbarrier.arrive $0xFFFF  }
0xbb: {  	[hbm:s5], [sflag:s6] =	dma.local @p0 [spmem:s24], $0xC80  }
0xbc: {  	s5 =	simm.s32 @p0 $0xC  }
0xbd: {  	s3 =	sadd.s32 $0x1, s3;
	s6 =	stileid.u32;
	_ =	swait.ge @p0 [sflag:s5], $0xC80  }
0xbe: {  	p1 =	sne.s32 s3, s12;
	s6 =	sshll.u32 @!p0 s6, $0x6;
	[sflag:s5] =	ssyncset.done @p0 $0x0  }
0xbf: {  	[sflag:s5] =	ssyncadd.s32 @p0 $0xFFFFF380;
	s5 =	sor.u32 @!p0 $0x1C0C, s6;
	s6 =	sshrl.u32 @!p0 s7, $0x3  }
0xc0: {  	[hbm:s25], [sflag:s5] =	dma.local @!p0 [spmem:s6], $0x1400  }
.Ltmp2:
0xc1: {  	_ = 	snop;
	(pc) =	sbr.rel @p1 .LBB2_1-.Ltmp2, $4  }
0xc2: {  	s5 =	simm.s32 @!p0 $0xC  }
0xc3: {  	_ =	swait.ge @!p0 [sflag:s5], $0x1400  }
0xc4: {  	[sflag:s5] =	ssyncset.done @!p0 $0x0  }
0xc5: {  	[sflag:s5] =	ssyncadd.s32 @!p0 $0xFFFFEC00  }
0xc6: {  	_ =	sfence.sel $0x180000  }
0xc7: {  	[bflag:$0x0] =	sbarrier.arrive $0xFFFF  }
0xc8: {  	_ =	strace $0x9000004A  }
0xc9: {  	s0 =	stileid.u32;
	[bflag:$0x2] =	sbarrier.arrive $0xFFFF  }
0xca: {  	p0 =	sne.s32 s0, $0x0;
	s0 =	rddreg [dreg:$0x2]  }
0xcb: {  	s0 =	sadd.s32 @!p0 $0x100000, s0  }
0xcc: {  	[sflag:s0] =	ssyncadd.tile.s32 @!p0 $0x1;
	_ =	shalt  }
.Lfunc_end2:
_tile_overlayer_lowered:
.L_overlay_start_2:
0xcd: {  	(tag) =	ssettag $0x2  }
0xce: {  	s0 =	rddreg [dreg:$0x0];
	s2 =	stileid.u32  }
0xcf: {  	s1 =	rddreg [dreg:$0x1];
	p0 =	sne.s32 s2, $0x0  }
0xd0: {  	s3 =	rddreg [dreg:$0x2];
	[bflag:$0x3] =	sbarrier.arrive $0xFFFF;
	s2 =	simm.s32 @!p0 $0x1C0C  }
0xd1: {  	[timem:s3], [sflag:s2] =	dma.local @!p0 [hbm:s0], s1  }
0xd2: {  	s0 =	simm.s32 @!p0 $0xC  }
0xd3: {  	_ =	swait.ge @!p0 [sflag:s0], s1  }
0xd4: {  	s1 =	ssub.s32 @!p0 $0x0, s1;
	[sflag:s0] =	ssyncset.done @!p0 $0x0  }
0xd5: {  	[sflag:s0] =	ssyncadd.s32 @!p0 s1  }
0xd6: {  	[bflag:$0x3] =	sbarrier.arrive $0xFFFF  }
0xd7: {  	_ =	shalt  }

// kernel: kernel.14.cloned.1.call-start
scs
__scs_entry_jumppad:
0x0: {  	(pc) =	sbr.rel $0x88, $3  }
0x1: {  	(tag) =	ssettag $0x0;
	lr =	simm.s32 $0x1  }
0x2: {  	[smem:$0x3F9B] =	sst lr;
	_ =	strace $0xD0000000  }
0x3: {  	_ = 	snop  }
0x4: {  	_ = 	snop  }
0x5: {  	_ = 	snop  }
0x6: {  	_ = 	snop  }
0x7: {  	_ = 	snop  }
__scs_overlays_trampoline_lowered:
0x8: {  	[smem:$0x3FAA] =	sst s0  }
0x9: {  	[smem:$0x3FAB] =	sst s1  }
0xa: {  	[smem:$0x3FAC] =	sst s2  }
0xb: {  	[smem:$0x3FAD] =	sst s3  }
0xc: {  	[smem:$0x3FAE] =	sst s4  }
0xd: {  	[smem:$0x3FAF] =	sst s5  }
0xe: {  	[smem:$0x3FB0] =	sst s6  }
0xf: {  	[smem:$0x3FB1] =	sst s7  }
0x10: {  	[smem:$0x3FB2] =	sst s8  }
0x11: {  	[smem:$0x3FB3] =	sst s9;
	s0 =	simm.s32 @!p0 $0x0  }
0x12: {  	s1 =	sld [smem:$0x3F99];
	s0 =	simm.s32 @p0 $0x1  }
0x13: {  	[smem:$0x3FB4] =	sst s0;
	s0 =	simm.s32 @!p1 $0x0  }
0x14: {  	s2 =	sld [smem:$0x3F98];
	s0 =	simm.s32 @p1 $0x1  }
0x15: {  	[smem:$0x3FB5] =	sst s0;
	s0 =	simm.s32 @!p2 $0x0  }
0x16: {  	s3 =	sld [smem:$0x3FDB];
	s0 =	simm.s32 @p2 $0x1  }
0x17: {  	s4 =	simm.s32 $0x1BF5;
	[smem:$0x3FB7] =	sst s0  }
0x18: {  	s0 =	sld [smem:$0x3F9A];
	_ =	swait.ge [sflag:s4], $0x0  }
0x19: {  	s7 =	sld [smem:$0x3F9B]  }
0x1a: {  	s8 =	sadd.s32 $0xFFFFE003, lr  }
0x1b: {  	s9 =	sadd.s32 $0xFFFFFEF7, lr;
	s5 =	simm.s32 $0xFFFFFFFF;
	p2 =	slt.u32 s8, $0xFFFFF086  }
0x1c: {  	p1 =	slt.u32 s9, $0xF7A;
	s5 =	simm.s32 @!p2 $0x0  }
0x1d: {  	s5 =	simm.s32 @p1 $0x1;
	p0 =	seq.s32 s7, s2  }
0x1e: {  	s7 =	smul.u32 @!p0 $0xF7A, s2;
	p2 =	seq.s32 @!p0 s5, $0x0  }
0x1f: {  	s9 =	smul.u32 $0xF7A, s1;
	s8 =	simm.s32 @!p0 $0x1BF5;
	p2 =	por !p2, p0  }
0x20: {  	[sflag:s8] =	ssyncset.s32 @!p0 $0xFFFFF086;
	s6 =	sadd.s32 @!p0 s3, s7;
	s7 =	simm.s32 @!p0 $0x108  }
0x21: {  	s3 =	sadd.s32 s3, s9;
	s6 =	sadd.s32 @!p0 $0x88, s6;
	s7 =	simm.s32 @p2 $0x1082  }
0x22: {  	[simem:s7], [sflag:s8] =	dma.local @!p0 [hbm:s6], $0xF7A  }
0x23: {  	s9 =	sor.u32 $0xD0000000, s2;
	s6 =	simm.s32 $0x108;
	_ =	swait.ge @!p0 [sflag:s8], $0x0  }
0x24: {  	s3 =	sadd.s32 $0x88, s3;
	s6 =	simm.s32 @!p1 $0x1082;
	[sflag:s4] =	ssyncset.s32 $0xFFFFF086  }
0x25: {  	[simem:s6], [sflag:s4] =	dma.local [hbm:s3], $0xF7A  }
0x26: {  	[smem:$0x3F9B] =	sst s1;
	(tag) =	ssettag s2;
	_ =	strace s9  }
0x27: {  	s1 =	sld [smem:$0x3FAB]  }
0x28: {  	s2 =	sld [smem:$0x3FAC]  }
0x29: {  	s4 =	sld [smem:$0x3FAE]  }
0x2a: {  	p0 =	seq.s32 s5, $0x0;
	s5 =	sld [smem:$0x3FAF]  }
0x2b: {  	s6 =	sld [smem:$0x3FB0]  }
0x2c: {  	s7 =	sld [smem:$0x3FB1]  }
0x2d: {  	s3 =	simm.s32 $0x108;
	s8 =	sld [smem:$0x3FB2]  }
0x2e: {  	s3 =	simm.s32 @!p0 $0x1082;
	s9 =	sld [smem:$0x3FB3]  }
0x2f: {  	lr =	sadd.s32 s0, s3;
	s0 =	sld [smem:$0x3FAA]  }
0x30: {  	s3 =	sld [smem:$0x3FAD]  }
0x31: {  	[smem:$0x3FB6] =	sst s10  }
0x32: {  	s10 =	sld [smem:$0x3FB4];
	_ =	sdelay $0x3  }
0x33: {  	p0 =	seq.s32 s10, $0x1;
	s10 =	sld [smem:$0x3FB6];
	_ =	sdelay $0x3  }
0x34: {  	[smem:$0x3FB6] =	sst s10  }
0x35: {  	s10 =	sld [smem:$0x3FB5];
	_ =	sdelay $0x3  }
0x36: {  	p1 =	seq.s32 s10, $0x1;
	s10 =	sld [smem:$0x3FB6];
	_ =	sdelay $0x3  }
0x37: {  	[smem:$0x3FB6] =	sst s10  }
0x38: {  	s10 =	sld [smem:$0x3FB7]  }
0x39: {  	_ = 	snop;
	(pc) =	sbr.ind lr, $3  }
0x3a: {  	_ = 	snop  }
0x3b: {  	_ = 	snop  }
0x3c: {  	p2 =	seq.s32 s10, $0x1;
	s10 =	sld [smem:$0x3FB6]  }
0x3d: {  	_ =	shalt  }
0x3e: {  	_ =	shalt  }
0x3f: {  	_ =	shalt  }
0x40: {  	_ =	shalt  }
0x41: {  	_ =	shalt  }
0x42: {  	_ =	shalt  }
0x43: {  	_ =	shalt  }
0x44: {  	_ =	shalt  }
0x45: {  	_ =	shalt  }
0x46: {  	_ =	shalt  }
0x47: {  	_ =	shalt  }
0x48: {  	_ =	shalt  }
0x49: {  	_ =	shalt  }
0x4a: {  	_ =	shalt  }
0x4b: {  	_ =	shalt  }
0x4c: {  	_ =	shalt  }
0x4d: {  	_ =	shalt  }
0x4e: {  	_ =	shalt  }
0x4f: {  	_ =	shalt  }
0x50: {  	_ =	shalt  }
0x51: {  	_ =	shalt  }
0x52: {  	_ =	shalt  }
0x53: {  	_ =	shalt  }
0x54: {  	_ =	shalt  }
0x55: {  	_ =	shalt  }
0x56: {  	_ =	shalt  }
0x57: {  	_ =	shalt  }
0x58: {  	_ =	shalt  }
0x59: {  	_ =	shalt  }
0x5a: {  	_ =	shalt  }
0x5b: {  	_ =	shalt  }
0x5c: {  	_ =	shalt  }
0x5d: {  	_ =	shalt  }
0x5e: {  	_ =	shalt  }
0x5f: {  	_ =	shalt  }
0x60: {  	_ =	shalt  }
0x61: {  	_ =	shalt  }
0x62: {  	_ =	shalt  }
0x63: {  	_ =	shalt  }
0x64: {  	_ =	shalt  }
0x65: {  	_ =	shalt  }
0x66: {  	_ =	shalt  }
0x67: {  	_ =	shalt  }
0x68: {  	_ =	shalt  }
0x69: {  	_ =	shalt  }
0x6a: {  	_ =	shalt  }
0x6b: {  	_ =	shalt  }
0x6c: {  	_ =	shalt  }
0x6d: {  	_ =	shalt  }
0x6e: {  	_ =	shalt  }
0x6f: {  	_ =	shalt  }
0x70: {  	_ =	shalt  }
0x71: {  	_ =	shalt  }
0x72: {  	_ =	shalt  }
0x73: {  	_ =	shalt  }
0x74: {  	_ =	shalt  }
0x75: {  	_ =	shalt  }
0x76: {  	_ =	shalt  }
0x77: {  	_ =	shalt  }
0x78: {  	_ =	shalt  }
0x79: {  	_ =	shalt  }
0x7a: {  	_ =	shalt  }
0x7b: {  	_ =	shalt  }
0x7c: {  	_ =	shalt  }
0x7d: {  	_ =	shalt  }
0x7e: {  	_ =	shalt  }
0x7f: {  	_ =	shalt  }
0x80: {  	_ =	shalt  }
0x81: {  	_ =	shalt  }
0x82: {  	_ =	shalt  }
0x83: {  	_ =	shalt  }
0x84: {  	_ =	shalt  }
0x85: {  	_ =	shalt  }
0x86: {  	_ =	shalt  }
0x87: {  	_ =	shalt  }
.Lfunc_end0:
.L_simem_size_0:
called_computation.2_lowered:
.L_overlay_start_0:
0x88: {  	s2 =	sld [smem:$0x3FD9]  }
0x89: {  	s3 =	sld [smem:$0x3FFE];
	_ =	sdelay $0x1  }
0x8a: {  	s1 =	srdreg.scid  }
0x8b: {  	s0 =	sand.u32 $0x1, s1  }
0x8c: {  	s17 =	sshll.u32 s0, $0xA;
	s2 =	sadd.s32 s3, s2  }
0x8d: {  	s2 =	sadd.s32 s2, s17  }
0x8e: {  	[smem:$0x3FC2] =	sst s2  }
0x8f: {  	_ = 	snop  }
0x90: {  	s2 =	sld [smem:$0x3FD0];
	(tm) =	ssettm $0x1  }
0x91: {  	s18 =	sld [smem:$0x3FFB];
	_ =	sdelay $0x3  }
0x92: {  	_ =	strace s18  }
0x93: {  	s3 =	sld [smem:$0x3FFC];
	_ =	sdelay $0x3  }
0x94: {  	_ =	strace s3  }
0x95: {  	s3 =	sld [smem:$0x3FFD];
	_ =	sdelay $0x3  }
0x96: {  	_ =	strace s3  }
0x97: {  	_ =	strace $0x8FFFFFFF  }
0x98: {  	s19 =	sld [smem:$0x3FDB];
	_ =	sdelay $0x1  }
0x99: {  	s4 =	simm.s32 $_scs_section_size  }
0x9a: {  	s5 =	simm.s32 $_size__tile_overlayer_lowered;
	s6 =	simm.s32 $_tile_overlayer_lowered  }
0x9b: {  	s22 =	simm.s32 $0x1BFF;
	s21 =	sshll.u32 s6, $0x1;
	s3 =	sadd.s32 s4, s19  }
0x9c: {  	s7 =	simm.s32 $0x0;
	s20 =	sshll.u32 s5, $0x1;
	s5 =	sadd.s32 s21, s3  }
0x9d: {  	[timem:s7], [sflag:s22] =	dma.local [hbm:s5], s20  }
0x9e: {  	_ =	swait.ge [sflag:s22], s20  }
0x9f: {  	s4 =	ssub.s32 $0x0, s20;
	[sflag:s22] =	ssyncset.done $0x0  }
0xa0: {  	[sflag:s22] =	ssyncadd.s32 s4;
	_ =	sdelay $0x1  }
0xa1: {  	s23 =	simm.s32 $0x1B8B  }
0xa2: {  	_ =	swait.ge [sflag:s23], $0x1  }
0xa3: {  	[sflag:s23] =	ssyncset.done $0x0  }
0xa4: {  	s25 =	simm.s32 $0x1B8E;
	s24 =	sld [smem:$0x3FFE];
	[sflag:s23] =	ssyncadd.s32 $0xFFFFFFFF  }
0xa5: {  	s26 =	simm.s32 $execute0_lowered;
	[smem:$0x3FD2] =	sst s25  }
0xa6: {  	s5 =	sshll.u32 s26, $0x1;
	_ =	strace $0x8000004C;
	[dreg:$0x1] =	wrdreg $0xFFFFFFFF  }
0xa7: {  	s28 =	simm.s32 $_size_execute0_lowered;
	s3 =	sadd.s32 s3, s5;
	[dreg:$0x0] =	wrdreg $0x0  }
0xa8: {  	s5 =	sshll.u32 s28, $0x1;
	[dreg:$0x2] =	wrdreg s3  }
0xa9: {  	[dreg:$0x3] =	wrdreg s5  }
0xaa: {  	[dreg:$0x4] =	wrdreg $0xC0  }
0xab: {  	_ =	task [dreg:s7], $0x5FFFF  }
0xac: {  	[dreg:$0x1] =	wrdreg $0xFFFFFFFF  }
0xad: {  	[dreg:$0x0] =	wrdreg $0x60  }
0xae: {  	[dreg:$0x2] =	wrdreg s2  }
0xaf: {  	[dreg:$0x3] =	wrdreg s24  }
0xb0: {  	[dreg:$0x4] =	wrdreg $0xA5A00  }
0xb1: {  	[dreg:$0x5] =	wrdreg $0x9  }
0xb2: {  	_ =	task.clear_ibuf [dreg:s7], $0x6FFFF;
	_ =	strace $0x9000004C  }
0xb3: {  	s29 =	simm.s32 $0x9;
	_ =	strace $0x8000004E  }
0xb4: {  	_ =	swait.ge [sflag:s29], $0x1  }
0xb5: {  	[sflag:s29] =	ssyncadd.s32 $0xFFFFFFFF  }
0xb6: {  	_ =	strace $0x9000004E  }
0xb7: {  	_ =	sfence  }
0xb8: {  	s30 =	sld [smem:$0x0];
	_ =	sdelay $0x2  }
0xb9: {  	s31 =	sshll.u32 s1, $0xD;
	s1 =	sshrl.u32 s1, $0x2  }
0xba: {  	s3 =	sand.u32 $0x4000, s31;
	s1 =	sadd.s32 s1, s30  }
0xbb: {  	s0 =	sor.u32 s3, s0;
	s1 =	sshll.u32 s1, $0x11  }
0xbc: {  	s0 =	sor.u32 s1, s0  }
0xbd: {  	s0 =	sadd.s32 $0x8F2B, s0  }
0xbe: {  	[sflag:s0] =	ssyncadd.remote.s32 $0x1  }
0xbf: {  	_ =	sfence.sel $0xFFFF  }
0xc0: {  	[dreg:$0x0] =	wrdreg $0xFFFFFFFF;
	(pc) =	sbr.abs _section_cstart, $3  }
0xc1: {  	[dreg:$0x1] =	wrdreg $0xFFFFFFFF  }
0xc2: {  	_ =	task.clear_ibuf [dreg:s7], $0x2FFFF;
	_ =	strace $0x9FFFFFFF  }
0xc3: {  	(tm) =	ssettm $0x7FFFFFFF  }
tec
execute0_lowered:
.L_overlay_start_1:
0x0: {  	(tag) =	ssettag $0x1  }
0x1: {  	s0 =	rddreg [dreg:$0x0]  }
0x2: {  	s2 =	rddreg [dreg:$0x1]  }
0x3: {  	s1 =	srdreg.scid;
	s3 =	rddreg [dreg:$0x2]  }
0x4: {  	s8 =	stileid.u32;
	s5 =	simm.s32 $0x0;
	s14 =	simm.s32 $0x8CA0  }
0x5: {  	s15 =	simm.s32 $0xB;
	s16 =	simm.s32 $0x1;
	s17 =	simm.s32 $0x2  }
0x6: {  	s18 =	simm.s32 $0x50;
	s19 =	simm.s32 $0x4E20;
	s20 =	simm.s32 $0x5AA0  }
0x7: {  	s22 =	simm.s32 $0x6720;
	s29 =	simm.s32 $0x8020;
	s30 =	simm.s32 $0x3  }
0x8: {  	s31 =	simm.s32 $0x4;
	s13 =	simm.s32 $0x6;
	s21 =	simm.s32 $0x7  }
0x9: {  	s28 =	simm.s32 $0xA;
	s1 =	sand.u32 $0x1, s1;
	s6 =	smul.u32 $0x19000, s8  }
0xa: {  	[smem:$0x7FF] =	sst s5;
	s25 =	smul.u32 $0x6400, s8;
	p0 =	seq.s32 s8, $0xF  }
0xb: {  	s4 =	sshll.u32 s1, $0x4;
	_ =	strace $0x8000004D;
	s23 =	smul.u32 $0xC350, s1  }
0xc: {  	s1 =	ssub.s32 $0x2, s1;
	s4 =	sor.u32 s8, s4;
	s6 =	sshrl.u32 s6, $0x2  }
0xd: {  	s24 =	sshrl.u32 s1, $0x1;
	s4 =	smul.u32 $0x2710, s4;
	s26 =	sadd.s32 s6, s3  }
0xe: {  	s1 =	ssub.s32 s1, s24;
	s6 =	sadd.s32 $0x1900, s26;
	s9 =	sadd.s32 $0x3200, s26  }
0xf: {  	s10 =	sadd.s32 $0x4B00, s26;
	s12 =	smax.u32 s1, $0x1;
	s4 =	sshrl.u32 s4, $0x3  }
0x10: {  	s26 =	simm.s32 $0x73A0;
	s1 =	simm.s32 $0x5;
	s4 =	sadd.s32 s4, s2  }
0x11: {  	[dreg:$0x6] =	wrdreg s6;
	s2 =	sadd.s32 s23, s2;
	s7 =	sadd.s32 $0x22000, s4  }
0x12: {  	s23 =	simm.s32 $0x8;
	s4 =	sadd.s32 $0x2BC40, s4;
	[dreg:$0x4] =	wrdreg s7  }
0x13: {  	s11 =	sadd.s32 $0x2000, s2;
	s2 =	sshrl.u32 s25, $0x3;
	[dreg:$0x5] =	wrdreg s4  }
0x14: {  	s7 =	sadd.s32 s25, s3;
	s4 =	sadd.s32 $0x5DC00, s3;
	s25 =	sadd.s32 @!p0 s2, s11  }
0x15: {  	v0 =	vimm.f32 $0.0e+00;
	s2 =	simm.s32 $0x9;
	s24 =	sshrl.u32 @p0 s4, $0x3;
	s4 =	simm.s32 $0x0  }
.LBB2_1:
0x16: {  	s5 =	simm.s32 $0x0;
	s6 =	rddreg [dreg:$0x4]  }
0x17: {  	[tilespmem:s5], [sflag:$0x1] =	stream.linear.gather [hbm4b:s6+s5], $0x2710, $0x38;
	[tilespmem:$0x109A0] =	vst v63  }
0x18: {  	s8 =	simm.s32 $0x2710;
	s6 =	rddreg [dreg:$0x5]  }
0x19: {  	[tilespmem:s8], [sflag:$0x2] =	stream.linear.gather [hbm4b:s6+s5], $0x2710, $0x38;
	[tilespmem:$0x109A0] =	vst v63  }
0x1a: {  	s6 =	simm.s32 $0x0  }
0x1b: {  	s5 =	simm.s32 $0xA0;
	[tilespmem:s6+$0x8CB0] =	vst v0  }
.LBB2_2:
0x1c: {  	p1 =	sne.s32 s5, $0x6360;
	[tilespmem:s6+$0x8CB8] =	vst v0;
	s8 =	smov.u32 s5;
	s5 =	sadd.s32 $0xA0, s5  }
.Ltmp0:
0x1d: {  	[tilespmem:s6+$0x8CA0] =	vst v0;
	(pc) =	sbr.rel @p1 .LBB2_2-.Ltmp0, $3  }
0x1e: {  	_ =	sdelay $0x1  }
0x1f: {  	s6 =	sshra.s32 s8, $0x2  }
0x20: {  	[tilespmem:s6+$0x8CB0] =	vst v0  }
0x21: {  	[tilespmem:s6+$0x8CB8] =	vst v0  }
0x22: {  	[tilespmem:s6+$0x8CA0] =	vst v0  }
0x23: {  	[spmem:s7] =	stream.linear.scatter [tilespmem:s14], [sflag:$0xB], $0x1900, $0x38;
	[tilespmem:$0x109A0] =	vst v63  }
0x24: {  	s5 =	rddreg [dreg:$0x6]  }
0x25: {  	[spmem:s5] =	stream.linear.scatter [tilespmem:s14], [sflag:$0xB], $0x1900, $0x38;
	[tilespmem:$0x109A0] =	vst v63  }
0x26: {  	_ = 	snop  }
0x27: {  	[spmem:s9] =	stream.linear.scatter [tilespmem:s14], [sflag:$0xB], $0x1900, $0x38;
	[tilespmem:$0x109A0] =	vst v63  }
0x28: {  	_ = 	snop  }
0x29: {  	[spmem:s10] =	stream.linear.scatter [tilespmem:s14], [sflag:$0xB], $0x1900, $0x38;
	[tilespmem:$0x109A0] =	vst v63  }
0x2a: {  	_ =	swait.ge [sflag:s15], $0x1900  }
0x2b: {  	[sflag:s15] =	ssyncset.done $0x0  }
0x2c: {  	[sflag:s15] =	ssyncadd.s32 $0xFFFFE700  }
0x2d: {  	_ =	swait.ge [sflag:s15], $0x1900  }
0x2e: {  	[sflag:s15] =	ssyncset.done $0x0  }
0x2f: {  	[sflag:s15] =	ssyncadd.s32 $0xFFFFE700  }
0x30: {  	_ =	swait.ge [sflag:s15], $0x1900  }
0x31: {  	[sflag:s15] =	ssyncset.done $0x0  }
0x32: {  	[sflag:s15] =	ssyncadd.s32 $0xFFFFE700  }
0x33: {  	_ =	swait.ge [sflag:s15], $0x1900  }
0x34: {  	[sflag:s15] =	ssyncset.done $0x0  }
0x35: {  	[sflag:s15] =	ssyncadd.s32 $0xFFFFE700  }
0x36: {  	_ =	swait.ge [sflag:s16], $0x2710  }
0x37: {  	[sflag:s16] =	ssyncset.done $0x0  }
0x38: {  	[sflag:s16] =	ssyncadd.s32 $0xFFFFD8F0  }
0x39: {  	_ =	swait.ge [sflag:s17], $0x2710  }
0x3a: {  	[sflag:s17] =	ssyncset.done $0x0  }
0x3b: {  	[sflag:s17] =	ssyncadd.s32 $0xFFFFD8F0  }
0x3c: {  	s8 =	simm.s32 $0x0;
	[bflag:$0x0] =	sbarrier.arrive $0xFFFF  }
0x3d: {  	[tilespmem:s19], [sflag:$0x1] =	stream.indirect.gather [hbm4b:s0+s18], $0x28, s8, s18, $0xb8;
	[tilespmem:$0x109A0] =	vst v63  }
0x3e: {  	_ = 	snop  }
0x3f: {  	[tilespmem:s20], [sflag:$0x2] =	stream.indirect.gather [hbm4b:s0+s18], $0x28, s18, s18, $0xb8;
	[tilespmem:$0x109A0] =	vst v63  }
0x40: {  	s6 =	simm.s32 $0xA0  }
0x41: {  	[tilespmem:s22], [sflag:$0x3] =	stream.indirect.gather [hbm4b:s0+s18], $0x28, s6, s18, $0xb8;
	[tilespmem:$0x109A0] =	vst v63  }
0x42: {  	s8 =	simm.s32 $0xF0  }
0x43: {  	[tilespmem:s26], [sflag:$0x4] =	stream.indirect.gather [hbm4b:s0+s18], $0x28, s8, s18, $0xb8;
	[tilespmem:$0x109A0] =	vst v63  }
0x44: {  	s6 =	simm.s32 $0x140  }
0x45: {  	[tilespmem:s29], [sflag:$0x5] =	stream.indirect.gather [hbm4b:s0+s18], $0x28, s6, s18, $0xb8;
	[tilespmem:$0x109A0] =	vst v63  }
0x46: {  	_ =	swait.ge [sflag:s16], $0xC80  }
0x47: {  	[sflag:s16] =	ssyncset.done $0x0  }
0x48: {  	s8 =	simm.s32 $0x2710;
	[sflag:s16] =	ssyncadd.s32 $0xFFFFF380  }
0x49: {  	[spmem:s3] =	stream.indirect.scatter.add.f32 [tilespmem:s19], [sflag:$0x6], $0x28, s8, s18, $0xb8;
	[tilespmem:$0x109A0] =	vst v63  }
0x4a: {  	_ =	swait.ge [sflag:s17], $0xC80  }
0x4b: {  	[sflag:s17] =	ssyncset.done $0x0  }
0x4c: {  	s6 =	simm.s32 $0x2760;
	[sflag:s17] =	ssyncadd.s32 $0xFFFFF380  }
0x4d: {  	[spmem:s3] =	stream.indirect.scatter.add.f32 [tilespmem:s20], [sflag:$0x7], $0x28, s6, s18, $0xb8;
	[tilespmem:$0x109A0] =	vst v63  }
0x4e: {  	_ =	swait.ge [sflag:s30], $0xC80  }
0x4f: {  	[sflag:s30] =	ssyncset.done $0x0  }
0x50: {  	s8 =	simm.s32 $0x27B0;
	[sflag:s30] =	ssyncadd.s32 $0xFFFFF380  }
0x51: {  	[spmem:s3] =	stream.indirect.scatter.add.f32 [tilespmem:s22], [sflag:$0x8], $0x28, s8, s18, $0xb8;
	[tilespmem:$0x109A0] =	vst v63  }
0x52: {  	_ =	swait.ge [sflag:s31], $0xC80  }
0x53: {  	[sflag:s31] =	ssyncset.done $0x0  }
0x54: {  	s6 =	simm.s32 $0x2800;
	[sflag:s31] =	ssyncadd.s32 $0xFFFFF380  }
0x55: {  	[spmem:s3] =	stream.indirect.scatter.add.f32 [tilespmem:s26], [sflag:$0x9], $0x28, s6, s18, $0xb8;
	[tilespmem:$0x109A0] =	vst v63  }
0x56: {  	_ =	swait.ge [sflag:s1], $0xC80  }
0x57: {  	[sflag:s1] =	ssyncset.done $0x0  }
0x58: {  	s8 =	simm.s32 $0x2850;
	[sflag:s1] =	ssyncadd.s32 $0xFFFFF380  }
0x59: {  	[spmem:s3] =	stream.indirect.scatter.add.f32 [tilespmem:s29], [sflag:$0xA], $0x28, s8, s18, $0xb8;
	[tilespmem:$0x109A0] =	vst v63  }
0x5a: {  	_ =	swait.ge [sflag:s13], $0xC80  }
0x5b: {  	[sflag:s13] =	ssyncset.done $0x0  }
0x5c: {  	s6 =	simm.s32 $0x190;
	[sflag:s13] =	ssyncadd.s32 $0xFFFFF380  }
0x5d: {  	[tilespmem:s19], [sflag:$0x1] =	stream.indirect.gather [hbm4b:s0+s18], $0x28, s6, s18, $0xb8;
	[tilespmem:$0x109A0] =	vst v63  }
0x5e: {  	_ =	swait.ge [sflag:s21], $0xC80  }
0x5f: {  	[sflag:s21] =	ssyncset.done $0x0  }
0x60: {  	s8 =	simm.s32 $0x1E0;
	[sflag:s21] =	ssyncadd.s32 $0xFFFFF380  }
0x61: {  	[tilespmem:s20], [sflag:$0x2] =	stream.indirect.gather [hbm4b:s0+s18], $0x28, s8, s18, $0xb8;
	[tilespmem:$0x109A0] =	vst v63  }
0x62: {  	_ =	swait.ge [sflag:s23], $0xC80  }
0x63: {  	[sflag:s23] =	ssyncset.done $0x0  }
0x64: {  	s6 =	simm.s32 $0x230;
	[sflag:s23] =	ssyncadd.s32 $0xFFFFF380  }
0x65: {  	[tilespmem:s22], [sflag:$0x3] =	stream.indirect.gather [hbm4b:s0+s18], $0x28, s6, s18, $0xb8;
	[tilespmem:$0x109A0] =	vst v63  }
0x66: {  	_ =	swait.ge [sflag:s2], $0xC80  }
0x67: {  	[sflag:s2] =	ssyncset.done $0x0  }
0x68: {  	s8 =	simm.s32 $0x280;
	[sflag:s2] =	ssyncadd.s32 $0xFFFFF380  }
0x69: {  	[tilespmem:s26], [sflag:$0x4] =	stream.indirect.gather [hbm4b:s0+s18], $0x28, s8, s18, $0xb8;
	[tilespmem:$0x109A0] =	vst v63  }
0x6a: {  	_ =	swait.ge [sflag:s28], $0xC80  }
0x6b: {  	[sflag:s28] =	ssyncset.done $0x0  }
0x6c: {  	s5 =	simm.s32 $0x640;
	s6 =	simm.s32 $0x2D0;
	[sflag:s28] =	ssyncadd.s32 $0xFFFFF380  }
.LBB2_4:
0x6d: {  	[tilespmem:s29], [sflag:$0x5] =	stream.indirect.gather [hbm4b:s0+s18], $0x28, s6, s18, $0xb8;
	[tilespmem:$0x109A0] =	vst v63  }
0x6e: {  	s6 =	smov.u32 s5  }
0x6f: {  	p1 =	sne.s32 s5, $0x8FC0;
	s5 =	sadd.s32 $0x640, s5;
	_ =	swait.ge [sflag:s16], $0xC80  }
0x70: {  	s6 =	sshra.s32 s6, $0x2;
	[sflag:s16] =	ssyncset.done $0x0  }
0x71: {  	s8 =	sadd.s32 $0x2710, s6;
	[sflag:s16] =	ssyncadd.s32 $0xFFFFF380  }
0x72: {  	[spmem:s3] =	stream.indirect.scatter.add.f32 [tilespmem:s19], [sflag:$0x6], $0x28, s8, s18, $0xb8;
	[tilespmem:$0x109A0] =	vst v63  }
0x73: {  	_ =	swait.ge [sflag:s17], $0xC80  }
0x74: {  	[sflag:s17] =	ssyncset.done $0x0  }
0x75: {  	s8 =	sadd.s32 $0x2760, s6;
	[sflag:s17] =	ssyncadd.s32 $0xFFFFF380  }
0x76: {  	[spmem:s3] =	stream.indirect.scatter.add.f32 [tilespmem:s20], [sflag:$0x7], $0x28, s8, s18, $0xb8;
	[tilespmem:$0x109A0] =	vst v63  }
0x77: {  	_ =	swait.ge [sflag:s30], $0xC80  }
0x78: {  	[sflag:s30] =	ssyncset.done $0x0  }
0x79: {  	s8 =	sadd.s32 $0x27B0, s6;
	[sflag:s30] =	ssyncadd.s32 $0xFFFFF380  }
0x7a: {  	[spmem:s3] =	stream.indirect.scatter.add.f32 [tilespmem:s22], [sflag:$0x8], $0x28, s8, s18, $0xb8;
	[tilespmem:$0x109A0] =	vst v63  }
0x7b: {  	_ =	swait.ge [sflag:s31], $0xC80  }
0x7c: {  	[sflag:s31] =	ssyncset.done $0x0  }
0x7d: {  	s8 =	sadd.s32 $0x2800, s6;
	[sflag:s31] =	ssyncadd.s32 $0xFFFFF380  }
0x7e: {  	[spmem:s3] =	stream.indirect.scatter.add.f32 [tilespmem:s26], [sflag:$0x9], $0x28, s8, s18, $0xb8;
	[tilespmem:$0x109A0] =	vst v63  }
0x7f: {  	_ =	swait.ge [sflag:s1], $0xC80  }
0x80: {  	[sflag:s1] =	ssyncset.done $0x0  }
0x81: {  	s8 =	sadd.s32 $0x2850, s6;
	[sflag:s1] =	ssyncadd.s32 $0xFFFFF380  }
0x82: {  	[spmem:s3] =	stream.indirect.scatter.add.f32 [tilespmem:s29], [sflag:$0xA], $0x28, s8, s18, $0xb8;
	[tilespmem:$0x109A0] =	vst v63  }
0x83: {  	_ =	swait.ge [sflag:s13], $0xC80  }
0x84: {  	[sflag:s13] =	ssyncset.done $0x0  }
0x85: {  	s8 =	sadd.s32 $0x190, s6;
	[sflag:s13] =	ssyncadd.s32 $0xFFFFF380  }
0x86: {  	[tilespmem:s19], [sflag:$0x1] =	stream.indirect.gather [hbm4b:s0+s18], $0x28, s8, s18, $0xb8;
	[tilespmem:$0x109A0] =	vst v63  }
0x87: {  	_ =	swait.ge [sflag:s21], $0xC80  }
0x88: {  	[sflag:s21] =	ssyncset.done $0x0  }
0x89: {  	s8 =	sadd.s32 $0x1E0, s6;
	[sflag:s21] =	ssyncadd.s32 $0xFFFFF380  }
0x8a: {  	[tilespmem:s20], [sflag:$0x2] =	stream.indirect.gather [hbm4b:s0+s18], $0x28, s8, s18, $0xb8;
	[tilespmem:$0x109A0] =	vst v63  }
0x8b: {  	_ =	swait.ge [sflag:s23], $0xC80  }
0x8c: {  	[sflag:s23] =	ssyncset.done $0x0  }
0x8d: {  	s8 =	sadd.s32 $0x230, s6;
	[sflag:s23] =	ssyncadd.s32 $0xFFFFF380  }
0x8e: {  	[tilespmem:s22], [sflag:$0x3] =	stream.indirect.gather [hbm4b:s0+s18], $0x28, s8, s18, $0xb8;
	[tilespmem:$0x109A0] =	vst v63  }
0x8f: {  	_ =	swait.ge [sflag:s2], $0xC80  }
0x90: {  	[sflag:s2] =	ssyncset.done $0x0  }
.Ltmp1:
0x91: {  	s8 =	sadd.s32 $0x280, s6;
	[sflag:s2] =	ssyncadd.s32 $0xFFFFF380;
	(pc) =	sbr.rel @p1 .LBB2_4-.Ltmp1, $4  }
0x92: {  	[tilespmem:s26], [sflag:$0x4] =	stream.indirect.gather [hbm4b:s0+s18], $0x28, s8, s18, $0xb8;
	[tilespmem:$0x109A0] =	vst v63  }
0x93: {  	_ =	swait.ge [sflag:s28], $0xC80  }
0x94: {  	[sflag:s28] =	ssyncset.done $0x0  }
0x95: {  	s6 =	sadd.s32 $0x2D0, s6;
	[sflag:s28] =	ssyncadd.s32 $0xFFFFF380  }
0x96: {  	[tilespmem:s29], [sflag:$0x5] =	stream.indirect.gather [hbm4b:s0+s18], $0x28, s6, s18, $0xb8;
	[tilespmem:$0x109A0] =	vst v63  }
0x97: {  	_ =	swait.ge [sflag:s16], $0xC80  }
0x98: {  	[sflag:s16] =	ssyncset.done $0x0  }
0x99: {  	s5 =	simm.s32 $0x4C90;
	[sflag:s16] =	ssyncadd.s32 $0xFFFFF380  }
0x9a: {  	[spmem:s3] =	stream.indirect.scatter.add.f32 [tilespmem:s19], [sflag:$0x6], $0x28, s5, s18, $0xb8;
	[tilespmem:$0x109A0] =	vst v63  }
0x9b: {  	_ =	swait.ge [sflag:s17], $0xC80  }
0x9c: {  	[sflag:s17] =	ssyncset.done $0x0  }
0x9d: {  	s6 =	simm.s32 $0x4CE0;
	[sflag:s17] =	ssyncadd.s32 $0xFFFFF380  }
0x9e: {  	[spmem:s3] =	stream.indirect.scatter.add.f32 [tilespmem:s20], [sflag:$0x7], $0x28, s6, s18, $0xb8;
	[tilespmem:$0x109A0] =	vst v63  }
0x9f: {  	_ =	swait.ge [sflag:s30], $0xC80  }
0xa0: {  	[sflag:s30] =	ssyncset.done $0x0  }
0xa1: {  	s8 =	simm.s32 $0x4D30;
	[sflag:s30] =	ssyncadd.s32 $0xFFFFF380  }
0xa2: {  	[spmem:s3] =	stream.indirect.scatter.add.f32 [tilespmem:s22], [sflag:$0x8], $0x28, s8, s18, $0xb8;
	[tilespmem:$0x109A0] =	vst v63  }
0xa3: {  	_ =	swait.ge [sflag:s31], $0xC80  }
0xa4: {  	[sflag:s31] =	ssyncset.done $0x0  }
0xa5: {  	s6 =	simm.s32 $0x4D80;
	[sflag:s31] =	ssyncadd.s32 $0xFFFFF380  }
0xa6: {  	[spmem:s3] =	stream.indirect.scatter.add.f32 [tilespmem:s26], [sflag:$0x9], $0x28, s6, s18, $0xb8;
	[tilespmem:$0x109A0] =	vst v63  }
0xa7: {  	_ =	swait.ge [sflag:s1], $0xC80  }
0xa8: {  	[sflag:s1] =	ssyncset.done $0x0  }
0xa9: {  	s8 =	simm.s32 $0x4DD0;
	[sflag:s1] =	ssyncadd.s32 $0xFFFFF380  }
0xaa: {  	[spmem:s3] =	stream.indirect.scatter.add.f32 [tilespmem:s29], [sflag:$0xA], $0x28, s8, s18, $0xb8;
	[tilespmem:$0x109A0] =	vst v63  }
0xab: {  	_ =	swait.ge [sflag:s13], $0xC80  }
0xac: {  	[sflag:s13] =	ssyncset.done $0x0  }
0xad: {  	[sflag:s13] =	ssyncadd.s32 $0xFFFFF380  }
0xae: {  	_ =	swait.ge [sflag:s21], $0xC80  }
0xaf: {  	[sflag:s21] =	ssyncset.done $0x0  }
0xb0: {  	[sflag:s21] =	ssyncadd.s32 $0xFFFFF380  }
0xb1: {  	_ =	swait.ge [sflag:s23], $0xC80  }
0xb2: {  	[sflag:s23] =	ssyncset.done $0x0  }
0xb3: {  	[sflag:s23] =	ssyncadd.s32 $0xFFFFF380  }
0xb4: {  	_ =	swait.ge [sflag:s2], $0xC80  }
0xb5: {  	[sflag:s2] =	ssyncset.done $0x0  }
0xb6: {  	[sflag:s2] =	ssyncadd.s32 $0xFFFFF380  }
0xb7: {  	_ =	swait.ge [sflag:s28], $0xC80  }
0xb8: {  	[sflag:s28] =	ssyncset.done $0x0  }
0xb9: {  	[sflag:s28] =	ssyncadd.s32 $0xFFFFF380  }
0xba: {  	s5 =	sadd.s32 @p0 $0xBB80, s11;
	s6 =	simm.s32 @p0 $0x1FCC;
	[bflag:$0x0] =	sbarrier.arrive $0xFFFF  }
0xbb: {  	[hbm:s5], [sflag:s6] =	dma.local @p0 [spmem:s24], $0x7D0  }
0xbc: {  	s5 =	simm.s32 @p0 $0xC  }
0xbd: {  	s4 =	sadd.s32 $0x1, s4;
	s6 =	stileid.u32;
	_ =	swait.ge @p0 [sflag:s5], $0x7D0  }
0xbe: {  	p1 =	sne.s32 s4, s12;
	s6 =	sshll.u32 @!p0 s6, $0x6;
	[sflag:s5] =	ssyncset.done @p0 $0x0  }
0xbf: {  	[sflag:s5] =	ssyncadd.s32 @p0 $0xFFFFF830;
	s5 =	sor.u32 @!p0 $0x1C0C, s6;
	s6 =	sshrl.u32 @!p0 s7, $0x3  }
0xc0: {  	[hbm:s25], [sflag:s5] =	dma.local @!p0 [spmem:s6], $0xC80  }
.Ltmp2:
0xc1: {  	_ = 	snop;
	(pc) =	sbr.rel @p1 .LBB2_1-.Ltmp2, $4  }
0xc2: {  	s5 =	simm.s32 @!p0 $0xC  }
0xc3: {  	_ =	swait.ge @!p0 [sflag:s5], $0xC80  }
0xc4: {  	[sflag:s5] =	ssyncset.done @!p0 $0x0  }
0xc5: {  	[sflag:s5] =	ssyncadd.s32 @!p0 $0xFFFFF380  }
0xc6: {  	_ =	sfence.sel $0x180000  }
0xc7: {  	[bflag:$0x0] =	sbarrier.arrive $0xFFFF  }
0xc8: {  	_ =	strace $0x9000004D  }
0xc9: {  	s0 =	stileid.u32;
	[bflag:$0x2] =	sbarrier.arrive $0xFFFF  }
0xca: {  	p0 =	sne.s32 s0, $0x0;
	s0 =	rddreg [dreg:$0x3]  }
0xcb: {  	s0 =	sadd.s32 @!p0 $0x100000, s0  }
0xcc: {  	[sflag:s0] =	ssyncadd.tile.s32 @!p0 $0x1;
	_ =	shalt  }
.Lfunc_end2:
_tile_overlayer_lowered:
.L_overlay_start_2:
0xcd: {  	(tag) =	ssettag $0x2  }
0xce: {  	s0 =	rddreg [dreg:$0x0];
	s2 =	stileid.u32  }
0xcf: {  	s1 =	rddreg [dreg:$0x1];
	p0 =	sne.s32 s2, $0x0  }
0xd0: {  	s3 =	rddreg [dreg:$0x2];
	[bflag:$0x3] =	sbarrier.arrive $0xFFFF;
	s2 =	simm.s32 @!p0 $0x1C0C  }
0xd1: {  	[timem:s3], [sflag:s2] =	dma.local @!p0 [hbm:s0], s1  }
0xd2: {  	s0 =	simm.s32 @!p0 $0xC  }
0xd3: {  	_ =	swait.ge @!p0 [sflag:s0], s1  }
0xd4: {  	s1 =	ssub.s32 @!p0 $0x0, s1;
	[sflag:s0] =	ssyncset.done @!p0 $0x0  }
0xd5: {  	[sflag:s0] =	ssyncadd.s32 @!p0 s1  }
0xd6: {  	[bflag:$0x3] =	sbarrier.arrive $0xFFFF  }
0xd7: {  	_ =	shalt  }

// kernel: kernel.8.cloned.1.call-start
scs
__scs_entry_jumppad:
0x0: {  	(pc) =	sbr.rel $0x88, $3  }
0x1: {  	(tag) =	ssettag $0x0;
	lr =	simm.s32 $0x1  }
0x2: {  	[smem:$0x3F9B] =	sst lr;
	_ =	strace $0xD0000000  }
0x3: {  	_ = 	snop  }
0x4: {  	_ = 	snop  }
0x5: {  	_ = 	snop  }
0x6: {  	_ = 	snop  }
0x7: {  	_ = 	snop  }
__scs_overlays_trampoline_lowered:
0x8: {  	[smem:$0x3FAA] =	sst s0  }
0x9: {  	[smem:$0x3FAB] =	sst s1  }
0xa: {  	[smem:$0x3FAC] =	sst s2  }
0xb: {  	[smem:$0x3FAD] =	sst s3  }
0xc: {  	[smem:$0x3FAE] =	sst s4  }
0xd: {  	[smem:$0x3FAF] =	sst s5  }
0xe: {  	[smem:$0x3FB0] =	sst s6  }
0xf: {  	[smem:$0x3FB1] =	sst s7  }
0x10: {  	[smem:$0x3FB2] =	sst s8  }
0x11: {  	[smem:$0x3FB3] =	sst s9;
	s0 =	simm.s32 @!p0 $0x0  }
0x12: {  	s1 =	sld [smem:$0x3F99];
	s0 =	simm.s32 @p0 $0x1  }
0x13: {  	[smem:$0x3FB4] =	sst s0;
	s0 =	simm.s32 @!p1 $0x0  }
0x14: {  	s2 =	sld [smem:$0x3F98];
	s0 =	simm.s32 @p1 $0x1  }
0x15: {  	[smem:$0x3FB5] =	sst s0;
	s0 =	simm.s32 @!p2 $0x0  }
0x16: {  	s3 =	sld [smem:$0x3FDB];
	s0 =	simm.s32 @p2 $0x1  }
0x17: {  	s4 =	simm.s32 $0x1BF5;
	[smem:$0x3FB7] =	sst s0  }
0x18: {  	s0 =	sld [smem:$0x3F9A];
	_ =	swait.ge [sflag:s4], $0x0  }
0x19: {  	s7 =	sld [smem:$0x3F9B]  }
0x1a: {  	s8 =	sadd.s32 $0xFFFFE003, lr  }
0x1b: {  	s9 =	sadd.s32 $0xFFFFFEF7, lr;
	s5 =	simm.s32 $0xFFFFFFFF;
	p2 =	slt.u32 s8, $0xFFFFF086  }
0x1c: {  	p1 =	slt.u32 s9, $0xF7A;
	s5 =	simm.s32 @!p2 $0x0  }
0x1d: {  	s5 =	simm.s32 @p1 $0x1;
	p0 =	seq.s32 s7, s2  }
0x1e: {  	s7 =	smul.u32 @!p0 $0xF7A, s2;
	p2 =	seq.s32 @!p0 s5, $0x0  }
0x1f: {  	s9 =	smul.u32 $0xF7A, s1;
	s8 =	simm.s32 @!p0 $0x1BF5;
	p2 =	por !p2, p0  }
0x20: {  	[sflag:s8] =	ssyncset.s32 @!p0 $0xFFFFF086;
	s6 =	sadd.s32 @!p0 s3, s7;
	s7 =	simm.s32 @!p0 $0x108  }
0x21: {  	s3 =	sadd.s32 s3, s9;
	s6 =	sadd.s32 @!p0 $0x88, s6;
	s7 =	simm.s32 @p2 $0x1082  }
0x22: {  	[simem:s7], [sflag:s8] =	dma.local @!p0 [hbm:s6], $0xF7A  }
0x23: {  	s9 =	sor.u32 $0xD0000000, s2;
	s6 =	simm.s32 $0x108;
	_ =	swait.ge @!p0 [sflag:s8], $0x0  }
0x24: {  	s3 =	sadd.s32 $0x88, s3;
	s6 =	simm.s32 @!p1 $0x1082;
	[sflag:s4] =	ssyncset.s32 $0xFFFFF086  }
0x25: {  	[simem:s6], [sflag:s4] =	dma.local [hbm:s3], $0xF7A  }
0x26: {  	[smem:$0x3F9B] =	sst s1;
	(tag) =	ssettag s2;
	_ =	strace s9  }
0x27: {  	s1 =	sld [smem:$0x3FAB]  }
0x28: {  	s2 =	sld [smem:$0x3FAC]  }
0x29: {  	s4 =	sld [smem:$0x3FAE]  }
0x2a: {  	p0 =	seq.s32 s5, $0x0;
	s5 =	sld [smem:$0x3FAF]  }
0x2b: {  	s6 =	sld [smem:$0x3FB0]  }
0x2c: {  	s7 =	sld [smem:$0x3FB1]  }
0x2d: {  	s3 =	simm.s32 $0x108;
	s8 =	sld [smem:$0x3FB2]  }
0x2e: {  	s3 =	simm.s32 @!p0 $0x1082;
	s9 =	sld [smem:$0x3FB3]  }
0x2f: {  	lr =	sadd.s32 s0, s3;
	s0 =	sld [smem:$0x3FAA]  }
0x30: {  	s3 =	sld [smem:$0x3FAD]  }
0x31: {  	[smem:$0x3FB6] =	sst s10  }
0x32: {  	s10 =	sld [smem:$0x3FB4];
	_ =	sdelay $0x3  }
0x33: {  	p0 =	seq.s32 s10, $0x1;
	s10 =	sld [smem:$0x3FB6];
	_ =	sdelay $0x3  }
0x34: {  	[smem:$0x3FB6] =	sst s10  }
0x35: {  	s10 =	sld [smem:$0x3FB5];
	_ =	sdelay $0x3  }
0x36: {  	p1 =	seq.s32 s10, $0x1;
	s10 =	sld [smem:$0x3FB6];
	_ =	sdelay $0x3  }
0x37: {  	[smem:$0x3FB6] =	sst s10  }
0x38: {  	s10 =	sld [smem:$0x3FB7]  }
0x39: {  	_ = 	snop;
	(pc) =	sbr.ind lr, $3  }
0x3a: {  	_ = 	snop  }
0x3b: {  	_ = 	snop  }
0x3c: {  	p2 =	seq.s32 s10, $0x1;
	s10 =	sld [smem:$0x3FB6]  }
0x3d: {  	_ =	shalt  }
0x3e: {  	_ =	shalt  }
0x3f: {  	_ =	shalt  }
0x40: {  	_ =	shalt  }
0x41: {  	_ =	shalt  }
0x42: {  	_ =	shalt  }
0x43: {  	_ =	shalt  }
0x44: {  	_ =	shalt  }
0x45: {  	_ =	shalt  }
0x46: {  	_ =	shalt  }
0x47: {  	_ =	shalt  }
0x48: {  	_ =	shalt  }
0x49: {  	_ =	shalt  }
0x4a: {  	_ =	shalt  }
0x4b: {  	_ =	shalt  }
0x4c: {  	_ =	shalt  }
0x4d: {  	_ =	shalt  }
0x4e: {  	_ =	shalt  }
0x4f: {  	_ =	shalt  }
0x50: {  	_ =	shalt  }
0x51: {  	_ =	shalt  }
0x52: {  	_ =	shalt  }
0x53: {  	_ =	shalt  }
0x54: {  	_ =	shalt  }
0x55: {  	_ =	shalt  }
0x56: {  	_ =	shalt  }
0x57: {  	_ =	shalt  }
0x58: {  	_ =	shalt  }
0x59: {  	_ =	shalt  }
0x5a: {  	_ =	shalt  }
0x5b: {  	_ =	shalt  }
0x5c: {  	_ =	shalt  }
0x5d: {  	_ =	shalt  }
0x5e: {  	_ =	shalt  }
0x5f: {  	_ =	shalt  }
0x60: {  	_ =	shalt  }
0x61: {  	_ =	shalt  }
0x62: {  	_ =	shalt  }
0x63: {  	_ =	shalt  }
0x64: {  	_ =	shalt  }
0x65: {  	_ =	shalt  }
0x66: {  	_ =	shalt  }
0x67: {  	_ =	shalt  }
0x68: {  	_ =	shalt  }
0x69: {  	_ =	shalt  }
0x6a: {  	_ =	shalt  }
0x6b: {  	_ =	shalt  }
0x6c: {  	_ =	shalt  }
0x6d: {  	_ =	shalt  }
0x6e: {  	_ =	shalt  }
0x6f: {  	_ =	shalt  }
0x70: {  	_ =	shalt  }
0x71: {  	_ =	shalt  }
0x72: {  	_ =	shalt  }
0x73: {  	_ =	shalt  }
0x74: {  	_ =	shalt  }
0x75: {  	_ =	shalt  }
0x76: {  	_ =	shalt  }
0x77: {  	_ =	shalt  }
0x78: {  	_ =	shalt  }
0x79: {  	_ =	shalt  }
0x7a: {  	_ =	shalt  }
0x7b: {  	_ =	shalt  }
0x7c: {  	_ =	shalt  }
0x7d: {  	_ =	shalt  }
0x7e: {  	_ =	shalt  }
0x7f: {  	_ =	shalt  }
0x80: {  	_ =	shalt  }
0x81: {  	_ =	shalt  }
0x82: {  	_ =	shalt  }
0x83: {  	_ =	shalt  }
0x84: {  	_ =	shalt  }
0x85: {  	_ =	shalt  }
0x86: {  	_ =	shalt  }
0x87: {  	_ =	shalt  }
.Lfunc_end0:
.L_simem_size_0:
called_computation_lowered:
.L_overlay_start_0:
0x88: {  	s2 =	sld [smem:$0x3FD9]  }
0x89: {  	s3 =	sld [smem:$0x3FFE];
	_ =	sdelay $0x1  }
0x8a: {  	s1 =	srdreg.scid  }
0x8b: {  	s0 =	sand.u32 $0x1, s1  }
0x8c: {  	s17 =	sshll.u32 s0, $0xA;
	s2 =	sadd.s32 s3, s2  }
0x8d: {  	s2 =	sadd.s32 s2, s17  }
0x8e: {  	[smem:$0x3FC2] =	sst s2  }
0x8f: {  	_ = 	snop  }
0x90: {  	s2 =	sld [smem:$0x3FD0];
	(tm) =	ssettm $0x1  }
0x91: {  	s18 =	sld [smem:$0x3FFB];
	_ =	sdelay $0x3  }
0x92: {  	_ =	strace s18  }
0x93: {  	s3 =	sld [smem:$0x3FFC];
	_ =	sdelay $0x3  }
0x94: {  	_ =	strace s3  }
0x95: {  	s3 =	sld [smem:$0x3FFD];
	_ =	sdelay $0x3  }
0x96: {  	_ =	strace s3  }
0x97: {  	_ =	strace $0x8FFFFFFF  }
0x98: {  	s19 =	sld [smem:$0x3FDB];
	_ =	sdelay $0x1  }
0x99: {  	s4 =	simm.s32 $_scs_section_size  }
0x9a: {  	s5 =	simm.s32 $_size__tile_overlayer_lowered;
	s6 =	simm.s32 $_tile_overlayer_lowered  }
0x9b: {  	s22 =	simm.s32 $0x1BFF;
	s21 =	sshll.u32 s6, $0x1;
	s3 =	sadd.s32 s4, s19  }
0x9c: {  	s7 =	simm.s32 $0x0;
	s20 =	sshll.u32 s5, $0x1;
	s5 =	sadd.s32 s21, s3  }
0x9d: {  	[timem:s7], [sflag:s22] =	dma.local [hbm:s5], s20  }
0x9e: {  	_ =	swait.ge [sflag:s22], s20  }
0x9f: {  	s4 =	ssub.s32 $0x0, s20;
	[sflag:s22] =	ssyncset.done $0x0  }
0xa0: {  	[sflag:s22] =	ssyncadd.s32 s4;
	_ =	sdelay $0x1  }
0xa1: {  	s23 =	simm.s32 $0x1B8B  }
0xa2: {  	_ =	swait.ge [sflag:s23], $0x1  }
0xa3: {  	[sflag:s23] =	ssyncset.done $0x0  }
0xa4: {  	s25 =	simm.s32 $0x1B8E;
	s24 =	sld [smem:$0x3FFE];
	[sflag:s23] =	ssyncadd.s32 $0xFFFFFFFF  }
0xa5: {  	s26 =	simm.s32 $execute0_lowered;
	[smem:$0x3FD2] =	sst s25  }
0xa6: {  	s5 =	sshll.u32 s26, $0x1;
	_ =	strace $0x80000046;
	[dreg:$0x1] =	wrdreg $0xFFFFFFFF  }
0xa7: {  	s28 =	simm.s32 $_size_execute0_lowered;
	s3 =	sadd.s32 s3, s5;
	[dreg:$0x0] =	wrdreg $0x0  }
0xa8: {  	s5 =	sshll.u32 s28, $0x1;
	[dreg:$0x2] =	wrdreg s3  }
0xa9: {  	[dreg:$0x3] =	wrdreg s5  }
0xaa: {  	[dreg:$0x4] =	wrdreg $0xC0  }
0xab: {  	_ =	task [dreg:s7], $0x5FFFF  }
0xac: {  	[dreg:$0x1] =	wrdreg $0xFFFFFFFF  }
0xad: {  	[dreg:$0x0] =	wrdreg $0x60  }
0xae: {  	[dreg:$0x2] =	wrdreg s24  }
0xaf: {  	[dreg:$0x3] =	wrdreg s2  }
0xb0: {  	[dreg:$0x4] =	wrdreg $0x43000  }
0xb1: {  	[dreg:$0x5] =	wrdreg $0x9  }
0xb2: {  	_ =	task.clear_ibuf [dreg:s7], $0x6FFFF;
	_ =	strace $0x90000046  }
0xb3: {  	s29 =	simm.s32 $0x9;
	_ =	strace $0x80000048  }
0xb4: {  	_ =	swait.ge [sflag:s29], $0x1  }
0xb5: {  	[sflag:s29] =	ssyncadd.s32 $0xFFFFFFFF  }
0xb6: {  	_ =	strace $0x90000048  }
0xb7: {  	_ =	sfence  }
0xb8: {  	s30 =	sld [smem:$0x0];
	_ =	sdelay $0x2  }
0xb9: {  	s31 =	sshll.u32 s1, $0xD;
	s1 =	sshrl.u32 s1, $0x2  }
0xba: {  	s3 =	sand.u32 $0x4000, s31;
	s1 =	sadd.s32 s1, s30  }
0xbb: {  	s0 =	sor.u32 s3, s0;
	s1 =	sshll.u32 s1, $0x11  }
0xbc: {  	s0 =	sor.u32 s1, s0  }
0xbd: {  	s0 =	sadd.s32 $0x8F2B, s0  }
0xbe: {  	[sflag:s0] =	ssyncadd.remote.s32 $0x1  }
0xbf: {  	_ =	sfence.sel $0xFFFF  }
0xc0: {  	[dreg:$0x0] =	wrdreg $0xFFFFFFFF;
	(pc) =	sbr.abs _section_cstart, $3  }
0xc1: {  	[dreg:$0x1] =	wrdreg $0xFFFFFFFF  }
0xc2: {  	_ =	task.clear_ibuf [dreg:s7], $0x2FFFF;
	_ =	strace $0x9FFFFFFF  }
0xc3: {  	(tm) =	ssettm $0x7FFFFFFF  }
tec
execute0_lowered:
.L_overlay_start_1:
0x0: {  	(tag) =	ssettag $0x1  }
0x1: {  	s4 =	rddreg [dreg:$0x0]  }
0x2: {  	s6 =	rddreg [dreg:$0x1]  }
0x3: {  	s1 =	rddreg [dreg:$0x2]  }
0x4: {  	s0 =	rddreg [dreg:$0x3];
	s3 =	simm.s32 $0x0;
	s5 =	srdreg.scid  }
0x5: {  	s2 =	stileid.u32;
	s12 =	simm.s32 $0x4000;
	s15 =	simm.s32 $0x20  }
0x6: {  	s16 =	simm.s32 $0x10;
	s17 =	simm.s32 $0x3;
	s18 =	simm.s32 $0x0  }
0x7: {  	[smem:$0x7FF] =	sst s3;
	s5 =	sand.u32 $0x1, s5;
	s9 =	smul.u32 $0x500, s2  }
0x8: {  	s7 =	sshll.u32 s2, $0xB;
	s11 =	smul.u32 $0xA00, s2;
	s13 =	sshll.u32 s2, $0x6  }
0x9: {  	_ =	strace $0x80000047;
	s8 =	ssub.s32 $0x2, s5;
	s4 =	sadd.s32 s7, s4  }
0xa: {  	s10 =	sshll.u32 s5, $0xF;
	s5 =	sshll.u32 s5, $0x7;
	s13 =	sor.u32 $0x1C03, s13  }
0xb: {  	s30 =	sshrl.u32 s8, $0x1;
	s4 =	sadd.s32 s10, s4;
	s5 =	sor.u32 s5, s9  }
0xc: {  	s31 =	sshrl.u32 s11, $0x2;
	s10 =	simm.s32 $0x2;
	s11 =	simm.s32 $0x50  }
0xd: {  	s7 =	ssub.s32 s8, s30;
	s4 =	sadd.s32 $0x2000, s4;
	s9 =	sshrl.u32 s5, $0x3  }
0xe: {  	s5 =	sadd.s32 s31, s1;
	s8 =	simm.s32 $0x4080;
	s6 =	sadd.s32 s6, s9  }
0xf: {  	v0 =	vimm.f32 $1.000000000e+00;
	v1 =	vimm.f32 $0.0e+00;
	s7 =	smax.u32 s7, $0x1;
	s9 =	simm.s32 $0x1;
	s14 =	sshrl.u32 s5, $0x3  }
.LBB2_1:
0x10: {  	[tilespmem:$0x4000] =	vst v0  }
0x11: {  	[tilespmem:$0x4010] =	vst v0  }
0x12: {  	[tilespmem:$0x4020] =	vst v0  }
0x13: {  	[tilespmem:$0x4030] =	vst v0  }
0x14: {  	[tilespmem:$0x4040] =	vst v0  }
0x15: {  	[tilespmem:s3], [sflag:$0x1] =	stream.linear.gather [hbm4b:s4+s3], $0x3E80, $0x38;
	[tilespmem:$0x4580] =	vst v63  }
0x16: {  	[tilespmem:$0x4080] =	vst v1  }
0x17: {  	[tilespmem:$0x4090] =	vst v1  }
0x18: {  	[tilespmem:$0x40A0] =	vst v1  }
0x19: {  	[tilespmem:$0x40B0] =	vst v1  }
0x1a: {  	[tilespmem:$0x40C0] =	vst v1  }
0x1b: {  	[tilespmem:$0x40D0] =	vst v1  }
0x1c: {  	[tilespmem:$0x40E0] =	vst v1  }
0x1d: {  	[tilespmem:$0x40F0] =	vst v1  }
0x1e: {  	[tilespmem:$0x4100] =	vst v1  }
0x1f: {  	[tilespmem:$0x4110] =	vst v1  }
0x20: {  	[tilespmem:$0x4120] =	vst v1  }
0x21: {  	[tilespmem:$0x4130] =	vst v1  }
0x22: {  	[tilespmem:$0x4140] =	vst v1  }
0x23: {  	[tilespmem:$0x4150] =	vst v1  }
0x24: {  	[tilespmem:$0x4160] =	vst v1  }
0x25: {  	[tilespmem:$0x4170] =	vst v1  }
0x26: {  	[tilespmem:$0x4180] =	vst v1  }
0x27: {  	[tilespmem:$0x4190] =	vst v1  }
0x28: {  	[tilespmem:$0x41A0] =	vst v1  }
0x29: {  	[tilespmem:$0x41B0] =	vst v1  }
0x2a: {  	[tilespmem:$0x41C0] =	vst v1  }
0x2b: {  	[tilespmem:$0x41D0] =	vst v1  }
0x2c: {  	[tilespmem:$0x41E0] =	vst v1  }
0x2d: {  	[tilespmem:$0x41F0] =	vst v1  }
0x2e: {  	[tilespmem:$0x4200] =	vst v1  }
0x2f: {  	[tilespmem:$0x4210] =	vst v1  }
0x30: {  	[tilespmem:$0x4220] =	vst v1  }
0x31: {  	[tilespmem:$0x4230] =	vst v1  }
0x32: {  	[tilespmem:$0x4240] =	vst v1  }
0x33: {  	[tilespmem:$0x4250] =	vst v1  }
0x34: {  	[tilespmem:$0x4260] =	vst v1  }
0x35: {  	[tilespmem:$0x4270] =	vst v1  }
0x36: {  	[tilespmem:$0x4280] =	vst v1  }
0x37: {  	[tilespmem:$0x4290] =	vst v1  }
0x38: {  	[tilespmem:$0x42A0] =	vst v1  }
0x39: {  	[tilespmem:$0x42B0] =	vst v1  }
0x3a: {  	[tilespmem:$0x42C0] =	vst v1  }
0x3b: {  	[tilespmem:$0x42D0] =	vst v1  }
0x3c: {  	[tilespmem:$0x42E0] =	vst v1  }
0x3d: {  	[tilespmem:$0x42F0] =	vst v1  }
0x3e: {  	[spmem:s5] =	stream.linear.scatter [tilespmem:s8], [sflag:$0x2], $0x280, $0x38;
	[tilespmem:$0x4580] =	vst v63  }
0x3f: {  	_ =	swait.ge [sflag:s9], $0x3E80  }
0x40: {  	[sflag:s9] =	ssyncset.done $0x0  }
0x41: {  	[sflag:s9] =	ssyncadd.s32 $0xFFFFC180  }
0x42: {  	_ =	swait.ge [sflag:s10], $0x280  }
0x43: {  	[sflag:s10] =	ssyncset.done $0x0  }
0x44: {  	p0 =	por $0x1, $0x1;
	[sflag:s10] =	ssyncadd.s32 $0xFFFFFD80  }
0x45: {  	s21 =	simm.s32 @!p0 $0x1;
	[bflag:$0x0] =	sbarrier.arrive $0xFFFF  }
0x46: {  	[spmem:s1] =	stream.indirect.scatter.add.f32 [tilespmem:s12], [sflag:$0x1], $0x1, s3, s11, $0xb8;
	[tilespmem:$0x4580] =	vst v63  }
0x47: {  	_ =	swait.ge @!p0 [sflag:s21], $0x50  }
0x48: {  	s19 =	simm.s32 $0x1;
	s20 =	simm.s32 $0x0;
	[sflag:s21] =	ssyncset.done @!p0 $0x0  }
.LBB2_2:
0x49: {  	[sflag:s21] =	ssyncadd.s32 @!p0 $0xFFFFFFB0  }
0x4a: {  	s20 =	sadd.s32 $0x80, s20;
	s21 =	smov.u32 s19;
	s19 =	sadd.s32 $0x1, s19  }
0x4b: {  	p1 =	sne.s32 s19, $0x7D  }
0x4c: {  	[spmem:s1] =	stream.indirect.scatter.add.f32 [tilespmem:s12], [sflag:$0x1], $0x1, s20, s11, $0xb8;
	[tilespmem:$0x4580] =	vst v63  }
.Ltmp0:
0x4d: {  	_ = 	snop;
	(pc) =	sbr.rel @p1 .LBB2_2-.Ltmp0, $4  }
0x4e: {  	p0 =	slt.u32 s21, $0x10  }
0x4f: {  	s21 =	simm.s32 @!p0 $0x1  }
0x50: {  	_ =	swait.ge @!p0 [sflag:s21], $0x50  }
0x51: {  	[sflag:s21] =	ssyncset.done @!p0 $0x0  }
0x52: {  	[sflag:s21] =	ssyncadd.s32 @!p0 $0xFFFFFFB0  }
0x53: {  	_ =	swait.ge [sflag:s9], $0x50  }
0x54: {  	[sflag:s9] =	ssyncset.done $0x0  }
0x55: {  	[sflag:s9] =	ssyncadd.s32 $0xFFFFFFB0  }
0x56: {  	_ =	swait.ge [sflag:s9], $0x50  }
0x57: {  	[sflag:s9] =	ssyncset.done $0x0  }
0x58: {  	[sflag:s9] =	ssyncadd.s32 $0xFFFFFFB0  }
0x59: {  	_ =	swait.ge [sflag:s9], $0x50  }
0x5a: {  	[sflag:s9] =	ssyncset.done $0x0  }
0x5b: {  	[sflag:s9] =	ssyncadd.s32 $0xFFFFFFB0  }
0x5c: {  	_ =	swait.ge [sflag:s9], $0x50  }
0x5d: {  	[sflag:s9] =	ssyncset.done $0x0  }
0x5e: {  	[sflag:s9] =	ssyncadd.s32 $0xFFFFFFB0  }
0x5f: {  	_ =	swait.ge [sflag:s9], $0x50  }
0x60: {  	[sflag:s9] =	ssyncset.done $0x0  }
0x61: {  	[sflag:s9] =	ssyncadd.s32 $0xFFFFFFB0  }
0x62: {  	_ =	swait.ge [sflag:s9], $0x50  }
0x63: {  	[sflag:s9] =	ssyncset.done $0x0  }
0x64: {  	[sflag:s9] =	ssyncadd.s32 $0xFFFFFFB0  }
0x65: {  	_ =	swait.ge [sflag:s9], $0x50  }
0x66: {  	[sflag:s9] =	ssyncset.done $0x0  }
0x67: {  	[sflag:s9] =	ssyncadd.s32 $0xFFFFFFB0  }
0x68: {  	_ =	swait.ge [sflag:s9], $0x50  }
0x69: {  	[sflag:s9] =	ssyncset.done $0x0  }
0x6a: {  	[sflag:s9] =	ssyncadd.s32 $0xFFFFFFB0  }
0x6b: {  	_ =	swait.ge [sflag:s9], $0x50  }
0x6c: {  	[sflag:s9] =	ssyncset.done $0x0  }
0x6d: {  	[sflag:s9] =	ssyncadd.s32 $0xFFFFFFB0  }
0x6e: {  	_ =	swait.ge [sflag:s9], $0x50  }
0x6f: {  	[sflag:s9] =	ssyncset.done $0x0  }
0x70: {  	[sflag:s9] =	ssyncadd.s32 $0xFFFFFFB0  }
0x71: {  	_ =	swait.ge [sflag:s9], $0x50  }
0x72: {  	[sflag:s9] =	ssyncset.done $0x0  }
0x73: {  	[sflag:s9] =	ssyncadd.s32 $0xFFFFFFB0  }
0x74: {  	_ =	swait.ge [sflag:s9], $0x50  }
0x75: {  	[sflag:s9] =	ssyncset.done $0x0  }
0x76: {  	[sflag:s9] =	ssyncadd.s32 $0xFFFFFFB0  }
0x77: {  	_ =	swait.ge [sflag:s9], $0x50  }
0x78: {  	[sflag:s9] =	ssyncset.done $0x0  }
0x79: {  	[sflag:s9] =	ssyncadd.s32 $0xFFFFFFB0  }
0x7a: {  	_ =	swait.ge [sflag:s9], $0x50  }
0x7b: {  	[sflag:s9] =	ssyncset.done $0x0  }
0x7c: {  	[sflag:s9] =	ssyncadd.s32 $0xFFFFFFB0  }
0x7d: {  	_ =	swait.ge [sflag:s9], $0x50  }
0x7e: {  	[sflag:s9] =	ssyncset.done $0x0  }
0x7f: {  	[sflag:s9] =	ssyncadd.s32 $0xFFFFFFB0  }
0x80: {  	_ =	swait.ge [sflag:s9], $0x50  }
0x81: {  	s18 =	sadd.s32 $0x1, s18;
	[sflag:s9] =	ssyncset.done $0x0  }
0x82: {  	p0 =	sne.s32 s18, s7;
	[sflag:s9] =	ssyncadd.s32 $0xFFFFFFB0  }
.Ltmp1:
0x83: {  	[bflag:$0x0] =	sbarrier.arrive $0xFFFF;
	(pc) =	sbr.rel @p0 .LBB2_1-.Ltmp1, $4  }
0x84: {  	[hbm:s6@s15], [sflag:s13] =	dma.strided [spmem:s14@s16], $0x50, s9, $0x10   }
0x85: {  	_ =	swait.ge [sflag:s17], $0x50  }
0x86: {  	[sflag:s17] =	ssyncset.done $0x0  }
0x87: {  	[sflag:s17] =	ssyncadd.s32 $0xFFFFFFB0  }
0x88: {  	_ =	sfence.sel $0x180000  }
0x89: {  	[bflag:$0x0] =	sbarrier.arrive $0xFFFF  }
0x8a: {  	p0 =	sne.s32 s2, $0x0;
	_ =	strace $0x90000047  }
0x8b: {  	s0 =	sadd.s32 @!p0 $0x100000, s0;
	[bflag:$0x2] =	sbarrier.arrive $0xFFFF  }
0x8c: {  	[sflag:s0] =	ssyncadd.tile.s32 @!p0 $0x1;
	_ =	shalt  }
.Lfunc_end2:
_tile_overlayer_lowered:
.L_overlay_start_2:
0x8d: {  	(tag) =	ssettag $0x2  }
0x8e: {  	s0 =	rddreg [dreg:$0x0];
	s2 =	stileid.u32  }
0x8f: {  	s1 =	rddreg [dreg:$0x1];
	p0 =	sne.s32 s2, $0x0  }
0x90: {  	s3 =	rddreg [dreg:$0x2];
	[bflag:$0x3] =	sbarrier.arrive $0xFFFF;
	s2 =	simm.s32 @!p0 $0x1C03  }
0x91: {  	[timem:s3], [sflag:s2] =	dma.local @!p0 [hbm:s0], s1  }
0x92: {  	s0 =	simm.s32 @!p0 $0x3  }
0x93: {  	_ =	swait.ge @!p0 [sflag:s0], s1  }
0x94: {  	s1 =	ssub.s32 @!p0 $0x0, s1;
	[sflag:s0] =	ssyncset.done @!p0 $0x0  }
0x95: {  	[sflag:s0] =	ssyncadd.s32 @!p0 s1  }
0x96: {  	[bflag:$0x3] =	sbarrier.arrive $0xFFFF  }
0x97: {  	_ =	shalt  }

</sc_bundles>
